<compile_context>
chip_gen: v7x
topology: tpu7x:2x2x1
jax: 0.10.2.dev20260603
libtpu: 0.0.44.dev20260713+nightly
codegen_flags: <defaults>
</compile_context>

<pallas_src>
import functools

import jax
import jax.numpy as jnp
from jax import lax
from jax.experimental import pallas as pl
from jax.experimental.pallas import tpu as pltpu
from jax.experimental.pallas import tpu_sc as plsc

D_MODEL = 128
HALF = D_MODEL // 2
N = 327680

NC = 2
NS = 16
NW = NC * NS
ROWS_PER_W = N // NW
CHUNK = 512
SUB = CHUNK // 128
N_CHUNKS = ROWS_PER_W // CHUNK
STRIP = CHUNK + 128
SSUB = STRIP // 128


def _sc_body(torder_hbm, ttable_hbm, qtable_hbm, nq_hbm, out_hbm,
             tidx_v, sidx_v, tbuf_v, qstrip_v, nq_v, ttab_sh, gsem, isem,
             wsem, ssem):
    wid = lax.axis_index("s") * NC + lax.axis_index("c")
    wbase = wid * ROWS_PER_W

    @pl.when(lax.axis_index("s") == 0)
    def _stage_table():
        pltpu.sync_copy(ttable_hbm, ttab_sh)
    plsc.subcore_barrier()

    pltpu.sync_copy(nq_hbm, nq_v)
    nq_i = nq_v[...]
    nq_f = nq_i.astype(jnp.float32)
    nq = nq_i[0]
    lane = jax.lax.iota(jnp.int32, 16)

    for v in range(STRIP // 16):
        jvec = v * 16 + lane
        t = (jvec.astype(jnp.float32) / nq_f).astype(jnp.int32)
        r = jvec - t * nq_i
        r = jnp.where(r < 0, r + nq_i, r)
        r = jnp.where(r >= nq_i, r - nq_i, r)
        sidx_v[v // 8, pl.ds((v % 8) * 16, 16)] = r
    strip_copies = []
    for k in range(SSUB):
        strip_copies.append(pltpu.async_copy(
            qtable_hbm.at[sidx_v.at[k]],
            qstrip_v.at[pl.ds(k * 128, 128)], ssem))
    for c in strip_copies:
        c.wait()

    def stage_idx(ci, s):
        base = wbase + ci * CHUNK
        for j in range(SUB):
            pltpu.async_copy(torder_hbm.at[pl.ds(base + j * 128, 128)],
                             tidx_v.at[s, j], isem.at[s])

    def wait_idx(ci, s):
        base = wbase + ci * CHUNK
        for j in range(SUB):
            pltpu.make_async_copy(torder_hbm.at[pl.ds(base + j * 128, 128)],
                                  tidx_v.at[s, j], isem.at[s]).wait()

    def fire_gathers(s):
        for j in range(SUB):
            pltpu.async_copy(
                ttab_sh.at[tidx_v.at[s, j]],
                tbuf_v.at[s, pl.ds(j * 128, 128)], gsem.at[s])

    def wait_gathers(s):
        for j in range(SUB):
            pltpu.make_async_copy(
                ttab_sh.at[tidx_v.at[s, j]],
                tbuf_v.at[s, pl.ds(j * 128, 128)], gsem.at[s]).wait()

    def fire_write(ci, s):
        base = wbase + ci * CHUNK
        off = lax.rem(base, nq)
        pltpu.async_copy(
            tbuf_v.at[s],
            out_hbm.at[pl.ds(base, CHUNK), pl.ds(0, HALF)], wsem.at[s])
        pltpu.async_copy(
            qstrip_v.at[pl.ds(off, CHUNK)],
            out_hbm.at[pl.ds(base, CHUNK), pl.ds(HALF, HALF)], wsem.at[s])

    def wait_write(ci, s):
        base = wbase + ci * CHUNK
        off = lax.rem(base, nq)
        pltpu.make_async_copy(
            tbuf_v.at[s],
            out_hbm.at[pl.ds(base, CHUNK), pl.ds(0, HALF)], wsem.at[s]).wait()
        pltpu.make_async_copy(
            qstrip_v.at[pl.ds(off, CHUNK)],
            out_hbm.at[pl.ds(base, CHUNK), pl.ds(HALF, HALF)],
            wsem.at[s]).wait()

    stage_idx(0, 0)
    stage_idx(1, 1)
    wait_idx(0, 0)
    fire_gathers(0)

    def loop_body(ci, carry):
        s = lax.bitwise_and(ci, 1)
        s1 = 1 - s

        wait_gathers(s)

        @pl.when(ci + 2 < N_CHUNKS)
        def _stage_next_idx():
            stage_idx(ci + 2, s)

        @pl.when(ci + 1 < N_CHUNKS)
        def _launch_next():
            wait_idx(ci + 1, s1)
            @pl.when(ci >= 1)
            def _drain_prev_write():
                wait_write(ci - 1, s1)
            fire_gathers(s1)

        fire_write(ci, s)
        return carry

    lax.fori_loop(0, N_CHUNKS, loop_body, 0)
    wait_write(N_CHUNKS - 2, (N_CHUNKS - 2) % 2)
    wait_write(N_CHUNKS - 1, (N_CHUNKS - 1) % 2)


@jax.jit
def _call(temporal_order, temporal_table, qubit_table, nq16):
    mesh = plsc.VectorSubcoreMesh(core_axis_name="c", subcore_axis_name="s")
    f = pl.kernel(
        _sc_body,
        mesh=mesh,
        compiler_params=pltpu.CompilerParams(use_tc_tiling_on_sc=False),
        out_type=jax.ShapeDtypeStruct((N, D_MODEL), jnp.float32),
        scratch_types=[
            pltpu.VMEM((2, SUB, 128), jnp.int32),
            pltpu.VMEM((SSUB, 128), jnp.int32),
            pltpu.VMEM((2, CHUNK, HALF), jnp.float32),
            pltpu.VMEM((STRIP, HALF), jnp.float32),
            pltpu.VMEM((16,), jnp.int32),
            pltpu.VMEM_SHARED((1000, HALF), jnp.float32),
            pltpu.SemaphoreType.DMA((2,)),
            pltpu.SemaphoreType.DMA((2,)),
            pltpu.SemaphoreType.DMA((2,)),
            pltpu.SemaphoreType.DMA,
        ],
    )
    return f(temporal_order, temporal_table, qubit_table, nq16)


def kernel(temporal_order, grid_shape, temporal_table, qubit_table):
    nq16 = jnp.broadcast_to(grid_shape[1].astype(jnp.int32), (16,))
    return _call(temporal_order.astype(jnp.int32), temporal_table,
                 qubit_table, nq16)

# --- scband reference (transcript-rebuilt; emitter-appended) ---
"""Pipeline reference for scband-quantum-positional-encoding-43911745634933 (READ-ONLY COPY).

The authoritative reference and input builder live on the scoring server;
editing this copy changes nothing except your own understanding.
"""

import jax, jax.numpy as jnp
import numpy as np

D_MODEL = 128
HALF = D_MODEL // 2
N = 327680


def setup_inputs(seed: int = 0) -> dict:
    key = jax.random.key(seed)
    k1, k2, k3, k4 = jax.random.split(key, 4)
    temporal_order = jax.random.randint(k1, (N,), 0, 1000, dtype=jnp.int32)
    grid_shape = jnp.sort(jax.random.randint(k2, (2,), 0, 100, dtype=jnp.int32))
    grid_shape = jnp.maximum(grid_shape, 1)  # guard against num_qubits == 0
    temporal_table = jax.random.normal(k3, (1000, HALF), dtype=jnp.float32) * 0.02
    qubit_table = jax.random.normal(k4, (100, HALF), dtype=jnp.float32) * 0.02
    return {
        "temporal_order": temporal_order,
        "grid_shape": grid_shape,
        "temporal_table": temporal_table,
        "qubit_table": qubit_table,
    }


def reference(temporal_order, grid_shape, temporal_table, qubit_table):
    # grid_shape = (time_steps, num_qubits); only num_qubits is used by the module
    num_qubits = grid_shape[1]
    temporal_pos = jnp.clip(temporal_order.astype(jnp.int32), 0, 999)
    temp_emb = jnp.take(temporal_table, temporal_pos, axis=0)
    qubit_pos = jnp.arange(temporal_order.shape[0], dtype=jnp.int32) % num_qubits
    qubit_pos = jnp.clip(qubit_pos, 0, 99)
    qubit_emb = jnp.take(qubit_table, qubit_pos, axis=0)
    pos_emb = jnp.concatenate([temp_emb, qubit_emb], axis=-1)
    return pos_emb

if __name__ == "__main__":
    import jax
    _d = setup_inputs()
    print(jax.jit(kernel)(*tuple(_d.values())))

</pallas_src>

<mosaic_0001>
#map = affine_map<(d0, d1) -> (0)>
#map1 = affine_map<(d0, d1) -> (0, 0)>
module attributes {stable_mosaic.version = 14 : i64} {
  func.func @_sc_body(%arg0: i32, %arg1: i32, %arg2: memref<327680xi32, #tpu.memory_space<hbm>>, %arg3: memref<1000x64xf32, #tpu.memory_space<hbm>>, %arg4: memref<100x64xf32, #tpu.memory_space<hbm>>, %arg5: memref<16xi32, #tpu.memory_space<hbm>>, %arg6: memref<327680x128xf32, #tpu.memory_space<hbm>>, %arg7: memref<2x4x128xi32, #tpu.memory_space<vmem>>, %arg8: memref<5x128xi32, #tpu.memory_space<vmem>>, %arg9: memref<2x512x64xf32, #tpu.memory_space<vmem>>, %arg10: memref<640x64xf32, #tpu.memory_space<vmem>>, %arg11: memref<16xi32, #tpu.memory_space<vmem>>, %arg12: memref<1000x64xf32, #tpu.memory_space<vmem_shared>>, %arg13: memref<2x!tpu.dma_semaphore, #tpu.memory_space<semaphore_mem>>, %arg14: memref<2x!tpu.dma_semaphore, #tpu.memory_space<semaphore_mem>>, %arg15: memref<2x!tpu.dma_semaphore, #tpu.memory_space<semaphore_mem>>, %arg16: memref<!tpu.dma_semaphore, #tpu.memory_space<semaphore_mem>>) attributes {dimension_semantics = [#tpu.dimension_semantics<core_parallel>, #tpu.dimension_semantics<subcore_parallel>], iteration_bounds = array<i64: 2, 16>, scalar_prefetch = 0 : i64, scratch_operands = 10 : i64, tpu.core_type = #tpu.core_type<sc_vector_subcore>, window_params = [{transform_indices = #map}, {transform_indices = #map1}, {transform_indices = #map1}, {transform_indices = #map}, {transform_indices = #map1}]} {
    %mul3A = arith.constant 2 : i32
    %mul3A_0 = arith.muli %arg1, %mul3A : i32
    %add3A = arith.addi %mul3A_0, %arg0 : i32
    %mul3A_1 = arith.constant 10240 : i32
    %mul3A_2 = arith.muli %add3A, %mul3A_1 : i32
    %eq3A = arith.constant 0 : i32
    %eq3A_3 = arith.cmpi eq, %arg1, %eq3A : i32
    %convert_element_type3A = arith.extui %eq3A_3 : i1 to i32
    %cond3A = arith.constant 0 : i32
    %cond3A_4 = arith.cmpi ne, %convert_element_type3A, %cond3A : i32
    scf.if %cond3A_4 {
      "tpu.region"() ({
        %run_scoped3A = tpu.sem_alloc : memref<!tpu.dma_semaphore, #tpu.memory_space<semaphore_mem>>
        tpu.enqueue_dma source(%arg3 : memref<1000x64xf32, #tpu.memory_space<hbm>>) target(%arg12 : memref<1000x64xf32, #tpu.memory_space<vmem_shared>>) target_semaphore(%run_scoped3A : memref<!tpu.dma_semaphore, #tpu.memory_space<semaphore_mem>>)
        tpu.wait_dma2 semaphore(%run_scoped3A : memref<!tpu.dma_semaphore, #tpu.memory_space<semaphore_mem>>) src(%arg3 : memref<1000x64xf32, #tpu.memory_space<hbm>>) dst(%arg12 : memref<1000x64xf32, #tpu.memory_space<vmem_shared>>)
        tpu.yield
      }) : () -> ()
    } else {
    }
    %barrier3A = arith.constant 0 : index
    tpu.barrier barrier_id(%barrier3A)
    "tpu.region"() ({
      %run_scoped3A = tpu.sem_alloc : memref<!tpu.dma_semaphore, #tpu.memory_space<semaphore_mem>>
      tpu.enqueue_dma source(%arg5 : memref<16xi32, #tpu.memory_space<hbm>>) target(%arg11 : memref<16xi32, #tpu.memory_space<vmem>>) target_semaphore(%run_scoped3A : memref<!tpu.dma_semaphore, #tpu.memory_space<semaphore_mem>>)
      tpu.wait_dma2 semaphore(%run_scoped3A : memref<!tpu.dma_semaphore, #tpu.memory_space<semaphore_mem>>) src(%arg5 : memref<16xi32, #tpu.memory_space<hbm>>) dst(%arg11 : memref<16xi32, #tpu.memory_space<vmem>>)
      tpu.yield
    }) : () -> ()
    %get3A = arith.constant 0 : index
    %get3A_5 = tpu.vector_load %arg11[%get3A] {strides = array<i32>} : memref<16xi32, #tpu.memory_space<vmem>>, vector<16xi32>,
    %get3A_6 = vector.shape_cast %get3A_5 : vector<16xi32> to vector<16xi32>
    %convert_element_type3A_7 = arith.sitofp %get3A_6 : vector<16xi32> to vector<16xf32>
    %slice3A = vector.extract_strided_slice %get3A_6 {offsets = [0], sizes = [1], strides = [1]} : vector<16xi32> to vector<1xi32>
    %squeeze3A = vector.extract %slice3A[0] : i32 from vector<1xi32>
    %iota3A = tpu.iota {dimensions = array<i32: 0>} : vector<16xi32>
    %add3A_8 = arith.constant 0 : i32
    %add3A_9 = vector.broadcast %add3A_8 : i32 to vector<16xi32>
    %add3A_10 = arith.addi %add3A_9, %iota3A : vector<16xi32>
    %convert_element_type3A_11 = arith.sitofp %add3A_10 : vector<16xi32> to vector<16xf32>
    %div3A = arith.divf %convert_element_type3A_11, %convert_element_type3A_7 : vector<16xf32>
    %convert_element_type3A_12 = arith.fptosi %div3A : vector<16xf32> to vector<16xi32>
    %mul3A_13 = arith.muli %convert_element_type3A_12, %get3A_6 : vector<16xi32>
    %sub3A = arith.subi %add3A_10, %mul3A_13 : vector<16xi32>
    %lt3A = arith.constant 0 : i32
    %lt3A_14 = vector.broadcast %lt3A : i32 to vector<16xi32>
    %lt3A_15 = arith.cmpi slt, %sub3A, %lt3A_14 : vector<16xi32>
    %add3A_16 = arith.addi %sub3A, %get3A_6 : vector<16xi32>
    %select_n3A = arith.select %lt3A_15, %add3A_16, %sub3A : vector<16xi1>, vector<16xi32>
    %ge3A = arith.cmpi sge, %select_n3A, %get3A_6 : vector<16xi32>
    %sub3A_17 = arith.subi %select_n3A, %get3A_6 : vector<16xi32>
    %select_n3A_18 = arith.select %ge3A, %sub3A_17, %select_n3A : vector<16xi1>, vector<16xi32>
    %swap3A = arith.constant 0 : i32
    %swap3A_19 = arith.index_cast %swap3A : i32 to index
    %swap3A_20 = arith.constant 0 : index
    %swap3A_21 = tpu.vector_load %arg8[%swap3A_19, %swap3A_20] {strides = array<i32>} : memref<5x128xi32, #tpu.memory_space<vmem>>, vector<1x16xi32>,
    %swap3A_22 = vector.shape_cast %swap3A_21 : vector<1x16xi32> to vector<16xi32>
    %swap3A_23 = vector.shape_cast %select_n3A_18 : vector<16xi32> to vector<1x16xi32>
    tpu.vector_store %arg8[%swap3A_19, %swap3A_20], %swap3A_23 {strides = array<i32>} : memref<5x128xi32, #tpu.memory_space<vmem>>, vector<1x16xi32>,
    %add3A_24 = arith.constant 16 : i32
    %add3A_25 = vector.broadcast %add3A_24 : i32 to vector<16xi32>
    %add3A_26 = arith.addi %add3A_25, %iota3A : vector<16xi32>
    %convert_element_type3A_27 = arith.sitofp %add3A_26 : vector<16xi32> to vector<16xf32>
    %div3A_28 = arith.divf %convert_element_type3A_27, %convert_element_type3A_7 : vector<16xf32>
    %convert_element_type3A_29 = arith.fptosi %div3A_28 : vector<16xf32> to vector<16xi32>
    %mul3A_30 = arith.muli %convert_element_type3A_29, %get3A_6 : vector<16xi32>
    %sub3A_31 = arith.subi %add3A_26, %mul3A_30 : vector<16xi32>
    %lt3A_32 = arith.constant 0 : i32
    %lt3A_33 = vector.broadcast %lt3A_32 : i32 to vector<16xi32>
    %lt3A_34 = arith.cmpi slt, %sub3A_31, %lt3A_33 : vector<16xi32>
    %add3A_35 = arith.addi %sub3A_31, %get3A_6 : vector<16xi32>
    %select_n3A_36 = arith.select %lt3A_34, %add3A_35, %sub3A_31 : vector<16xi1>, vector<16xi32>
    %ge3A_37 = arith.cmpi sge, %select_n3A_36, %get3A_6 : vector<16xi32>
    %sub3A_38 = arith.subi %select_n3A_36, %get3A_6 : vector<16xi32>
    %select_n3A_39 = arith.select %ge3A_37, %sub3A_38, %select_n3A_36 : vector<16xi1>, vector<16xi32>
    %swap3A_40 = arith.constant 0 : i32
    %swap3A_41 = arith.index_cast %swap3A_40 : i32 to index
    %swap3A_42 = arith.constant 16 : index
    %swap3A_43 = tpu.vector_load %arg8[%swap3A_41, %swap3A_42] {strides = array<i32>} : memref<5x128xi32, #tpu.memory_space<vmem>>, vector<1x16xi32>,
    %swap3A_44 = vector.shape_cast %swap3A_43 : vector<1x16xi32> to vector<16xi32>
    %swap3A_45 = vector.shape_cast %select_n3A_39 : vector<16xi32> to vector<1x16xi32>
    tpu.vector_store %arg8[%swap3A_41, %swap3A_42], %swap3A_45 {strides = array<i32>} : memref<5x128xi32, #tpu.memory_space<vmem>>, vector<1x16xi32>,
    %add3A_46 = arith.constant 32 : i32
    %add3A_47 = vector.broadcast %add3A_46 : i32 to vector<16xi32>
    %add3A_48 = arith.addi %add3A_47, %iota3A : vector<16xi32>
    %convert_element_type3A_49 = arith.sitofp %add3A_48 : vector<16xi32> to vector<16xf32>
    %div3A_50 = arith.divf %convert_element_type3A_49, %convert_element_type3A_7 : vector<16xf32>
    %convert_element_type3A_51 = arith.fptosi %div3A_50 : vector<16xf32> to vector<16xi32>
    %mul3A_52 = arith.muli %convert_element_type3A_51, %get3A_6 : vector<16xi32>
    %sub3A_53 = arith.subi %add3A_48, %mul3A_52 : vector<16xi32>
    %lt3A_54 = arith.constant 0 : i32
    %lt3A_55 = vector.broadcast %lt3A_54 : i32 to vector<16xi32>
    %lt3A_56 = arith.cmpi slt, %sub3A_53, %lt3A_55 : vector<16xi32>
    %add3A_57 = arith.addi %sub3A_53, %get3A_6 : vector<16xi32>
    %select_n3A_58 = arith.select %lt3A_56, %add3A_57, %sub3A_53 : vector<16xi1>, vector<16xi32>
    %ge3A_59 = arith.cmpi sge, %select_n3A_58, %get3A_6 : vector<16xi32>
    %sub3A_60 = arith.subi %select_n3A_58, %get3A_6 : vector<16xi32>
    %select_n3A_61 = arith.select %ge3A_59, %sub3A_60, %select_n3A_58 : vector<16xi1>, vector<16xi32>
    %swap3A_62 = arith.constant 0 : i32
    %swap3A_63 = arith.index_cast %swap3A_62 : i32 to index
    %swap3A_64 = arith.constant 32 : index
    %swap3A_65 = tpu.vector_load %arg8[%swap3A_63, %swap3A_64] {strides = array<i32>} : memref<5x128xi32, #tpu.memory_space<vmem>>, vector<1x16xi32>,
    %swap3A_66 = vector.shape_cast %swap3A_65 : vector<1x16xi32> to vector<16xi32>
    %swap3A_67 = vector.shape_cast %select_n3A_61 : vector<16xi32> to vector<1x16xi32>
    tpu.vector_store %arg8[%swap3A_63, %swap3A_64], %swap3A_67 {strides = array<i32>} : memref<5x128xi32, #tpu.memory_space<vmem>>, vector<1x16xi32>,
    %add3A_68 = arith.constant 48 : i32
    %add3A_69 = vector.broadcast %add3A_68 : i32 to vector<16xi32>
    %add3A_70 = arith.addi %add3A_69, %iota3A : vector<16xi32>
    %convert_element_type3A_71 = arith.sitofp %add3A_70 : vector<16xi32> to vector<16xf32>
    %div3A_72 = arith.divf %convert_element_type3A_71, %convert_element_type3A_7 : vector<16xf32>
    %convert_element_type3A_73 = arith.fptosi %div3A_72 : vector<16xf32> to vector<16xi32>
    %mul3A_74 = arith.muli %convert_element_type3A_73, %get3A_6 : vector<16xi32>
    %sub3A_75 = arith.subi %add3A_70, %mul3A_74 : vector<16xi32>
    %lt3A_76 = arith.constant 0 : i32
    %lt3A_77 = vector.broadcast %lt3A_76 : i32 to vector<16xi32>
    %lt3A_78 = arith.cmpi slt, %sub3A_75, %lt3A_77 : vector<16xi32>
    %add3A_79 = arith.addi %sub3A_75, %get3A_6 : vector<16xi32>
    %select_n3A_80 = arith.select %lt3A_78, %add3A_79, %sub3A_75 : vector<16xi1>, vector<16xi32>
    %ge3A_81 = arith.cmpi sge, %select_n3A_80, %get3A_6 : vector<16xi32>
    %sub3A_82 = arith.subi %select_n3A_80, %get3A_6 : vector<16xi32>
    %select_n3A_83 = arith.select %ge3A_81, %sub3A_82, %select_n3A_80 : vector<16xi1>, vector<16xi32>
    %swap3A_84 = arith.constant 0 : i32
    %swap3A_85 = arith.index_cast %swap3A_84 : i32 to index
    %swap3A_86 = arith.constant 48 : index
    %swap3A_87 = tpu.vector_load %arg8[%swap3A_85, %swap3A_86] {strides = array<i32>} : memref<5x128xi32, #tpu.memory_space<vmem>>, vector<1x16xi32>,
    %swap3A_88 = vector.shape_cast %swap3A_87 : vector<1x16xi32> to vector<16xi32>
    %swap3A_89 = vector.shape_cast %select_n3A_83 : vector<16xi32> to vector<1x16xi32>
    tpu.vector_store %arg8[%swap3A_85, %swap3A_86], %swap3A_89 {strides = array<i32>} : memref<5x128xi32, #tpu.memory_space<vmem>>, vector<1x16xi32>,
    %add3A_90 = arith.constant 64 : i32
    %add3A_91 = vector.broadcast %add3A_90 : i32 to vector<16xi32>
    %add3A_92 = arith.addi %add3A_91, %iota3A : vector<16xi32>
    %convert_element_type3A_93 = arith.sitofp %add3A_92 : vector<16xi32> to vector<16xf32>
    %div3A_94 = arith.divf %convert_element_type3A_93, %convert_element_type3A_7 : vector<16xf32>
    %convert_element_type3A_95 = arith.fptosi %div3A_94 : vector<16xf32> to vector<16xi32>
    %mul3A_96 = arith.muli %convert_element_type3A_95, %get3A_6 : vector<16xi32>
    %sub3A_97 = arith.subi %add3A_92, %mul3A_96 : vector<16xi32>
    %lt3A_98 = arith.constant 0 : i32
    %lt3A_99 = vector.broadcast %lt3A_98 : i32 to vector<16xi32>
    %lt3A_100 = arith.cmpi slt, %sub3A_97, %lt3A_99 : vector<16xi32>
    %add3A_101 = arith.addi %sub3A_97, %get3A_6 : vector<16xi32>
    %select_n3A_102 = arith.select %lt3A_100, %add3A_101, %sub3A_97 : vector<16xi1>, vector<16xi32>
    %ge3A_103 = arith.cmpi sge, %select_n3A_102, %get3A_6 : vector<16xi32>
    %sub3A_104 = arith.subi %select_n3A_102, %get3A_6 : vector<16xi32>
    %select_n3A_105 = arith.select %ge3A_103, %sub3A_104, %select_n3A_102 : vector<16xi1>, vector<16xi32>
    %swap3A_106 = arith.constant 0 : i32
    %swap3A_107 = arith.index_cast %swap3A_106 : i32 to index
    %swap3A_108 = arith.constant 64 : index
    %swap3A_109 = tpu.vector_load %arg8[%swap3A_107, %swap3A_108] {strides = array<i32>} : memref<5x128xi32, #tpu.memory_space<vmem>>, vector<1x16xi32>,
    %swap3A_110 = vector.shape_cast %swap3A_109 : vector<1x16xi32> to vector<16xi32>
    %swap3A_111 = vector.shape_cast %select_n3A_105 : vector<16xi32> to vector<1x16xi32>
    tpu.vector_store %arg8[%swap3A_107, %swap3A_108], %swap3A_111 {strides = array<i32>} : memref<5x128xi32, #tpu.memory_space<vmem>>, vector<1x16xi32>,
    %add3A_112 = arith.constant 80 : i32
    %add3A_113 = vector.broadcast %add3A_112 : i32 to vector<16xi32>
    %add3A_114 = arith.addi %add3A_113, %iota3A : vector<16xi32>
    %convert_element_type3A_115 = arith.sitofp %add3A_114 : vector<16xi32> to vector<16xf32>
    %div3A_116 = arith.divf %convert_element_type3A_115, %convert_element_type3A_7 : vector<16xf32>
    %convert_element_type3A_117 = arith.fptosi %div3A_116 : vector<16xf32> to vector<16xi32>
    %mul3A_118 = arith.muli %convert_element_type3A_117, %get3A_6 : vector<16xi32>
    %sub3A_119 = arith.subi %add3A_114, %mul3A_118 : vector<16xi32>
    %lt3A_120 = arith.constant 0 : i32
    %lt3A_121 = vector.broadcast %lt3A_120 : i32 to vector<16xi32>
    %lt3A_122 = arith.cmpi slt, %sub3A_119, %lt3A_121 : vector<16xi32>
    %add3A_123 = arith.addi %sub3A_119, %get3A_6 : vector<16xi32>
    %select_n3A_124 = arith.select %lt3A_122, %add3A_123, %sub3A_119 : vector<16xi1>, vector<16xi32>
    %ge3A_125 = arith.cmpi sge, %select_n3A_124, %get3A_6 : vector<16xi32>
    %sub3A_126 = arith.subi %select_n3A_124, %get3A_6 : vector<16xi32>
    %select_n3A_127 = arith.select %ge3A_125, %sub3A_126, %select_n3A_124 : vector<16xi1>, vector<16xi32>
    %swap3A_128 = arith.constant 0 : i32
    %swap3A_129 = arith.index_cast %swap3A_128 : i32 to index
    %swap3A_130 = arith.constant 80 : index
    %swap3A_131 = tpu.vector_load %arg8[%swap3A_129, %swap3A_130] {strides = array<i32>} : memref<5x128xi32, #tpu.memory_space<vmem>>, vector<1x16xi32>,
    %swap3A_132 = vector.shape_cast %swap3A_131 : vector<1x16xi32> to vector<16xi32>
    %swap3A_133 = vector.shape_cast %select_n3A_127 : vector<16xi32> to vector<1x16xi32>
    tpu.vector_store %arg8[%swap3A_129, %swap3A_130], %swap3A_133 {strides = array<i32>} : memref<5x128xi32, #tpu.memory_space<vmem>>, vector<1x16xi32>,
    %add3A_134 = arith.constant 96 : i32
    %add3A_135 = vector.broadcast %add3A_134 : i32 to vector<16xi32>
    %add3A_136 = arith.addi %add3A_135, %iota3A : vector<16xi32>
    %convert_element_type3A_137 = arith.sitofp %add3A_136 : vector<16xi32> to vector<16xf32>
    %div3A_138 = arith.divf %convert_element_type3A_137, %convert_element_type3A_7 : vector<16xf32>
    %convert_element_type3A_139 = arith.fptosi %div3A_138 : vector<16xf32> to vector<16xi32>
    %mul3A_140 = arith.muli %convert_element_type3A_139, %get3A_6 : vector<16xi32>
    %sub3A_141 = arith.subi %add3A_136, %mul3A_140 : vector<16xi32>
    %lt3A_142 = arith.constant 0 : i32
    %lt3A_143 = vector.broadcast %lt3A_142 : i32 to vector<16xi32>
    %lt3A_144 = arith.cmpi slt, %sub3A_141, %lt3A_143 : vector<16xi32>
    %add3A_145 = arith.addi %sub3A_141, %get3A_6 : vector<16xi32>
    %select_n3A_146 = arith.select %lt3A_144, %add3A_145, %sub3A_141 : vector<16xi1>, vector<16xi32>
    %ge3A_147 = arith.cmpi sge, %select_n3A_146, %get3A_6 : vector<16xi32>
    %sub3A_148 = arith.subi %select_n3A_146, %get3A_6 : vector<16xi32>
    %select_n3A_149 = arith.select %ge3A_147, %sub3A_148, %select_n3A_146 : vector<16xi1>, vector<16xi32>
    %swap3A_150 = arith.constant 0 : i32
    %swap3A_151 = arith.index_cast %swap3A_150 : i32 to index
    %swap3A_152 = arith.constant 96 : index
    %swap3A_153 = tpu.vector_load %arg8[%swap3A_151, %swap3A_152] {strides = array<i32>} : memref<5x128xi32, #tpu.memory_space<vmem>>, vector<1x16xi32>,
    %swap3A_154 = vector.shape_cast %swap3A_153 : vector<1x16xi32> to vector<16xi32>
    %swap3A_155 = vector.shape_cast %select_n3A_149 : vector<16xi32> to vector<1x16xi32>
    tpu.vector_store %arg8[%swap3A_151, %swap3A_152], %swap3A_155 {strides = array<i32>} : memref<5x128xi32, #tpu.memory_space<vmem>>, vector<1x16xi32>,
    %add3A_156 = arith.constant 112 : i32
    %add3A_157 = vector.broadcast %add3A_156 : i32 to vector<16xi32>
    %add3A_158 = arith.addi %add3A_157, %iota3A : vector<16xi32>
    %convert_element_type3A_159 = arith.sitofp %add3A_158 : vector<16xi32> to vector<16xf32>
    %div3A_160 = arith.divf %convert_element_type3A_159, %convert_element_type3A_7 : vector<16xf32>
    %convert_element_type3A_161 = arith.fptosi %div3A_160 : vector<16xf32> to vector<16xi32>
    %mul3A_162 = arith.muli %convert_element_type3A_161, %get3A_6 : vector<16xi32>
    %sub3A_163 = arith.subi %add3A_158, %mul3A_162 : vector<16xi32>
    %lt3A_164 = arith.constant 0 : i32
    %lt3A_165 = vector.broadcast %lt3A_164 : i32 to vector<16xi32>
    %lt3A_166 = arith.cmpi slt, %sub3A_163, %lt3A_165 : vector<16xi32>
    %add3A_167 = arith.addi %sub3A_163, %get3A_6 : vector<16xi32>
    %select_n3A_168 = arith.select %lt3A_166, %add3A_167, %sub3A_163 : vector<16xi1>, vector<16xi32>
    %ge3A_169 = arith.cmpi sge, %select_n3A_168, %get3A_6 : vector<16xi32>
    %sub3A_170 = arith.subi %select_n3A_168, %get3A_6 : vector<16xi32>
    %select_n3A_171 = arith.select %ge3A_169, %sub3A_170, %select_n3A_168 : vector<16xi1>, vector<16xi32>
    %swap3A_172 = arith.constant 0 : i32
    %swap3A_173 = arith.index_cast %swap3A_172 : i32 to index
    %swap3A_174 = arith.constant 112 : index
    %swap3A_175 = tpu.vector_load %arg8[%swap3A_173, %swap3A_174] {strides = array<i32>} : memref<5x128xi32, #tpu.memory_space<vmem>>, vector<1x16xi32>,
    %swap3A_176 = vector.shape_cast %swap3A_175 : vector<1x16xi32> to vector<16xi32>
    %swap3A_177 = vector.shape_cast %select_n3A_171 : vector<16xi32> to vector<1x16xi32>
    tpu.vector_store %arg8[%swap3A_173, %swap3A_174], %swap3A_177 {strides = array<i32>} : memref<5x128xi32, #tpu.memory_space<vmem>>, vector<1x16xi32>,
    %add3A_178 = arith.constant 128 : i32
    %add3A_179 = vector.broadcast %add3A_178 : i32 to vector<16xi32>
    %add3A_180 = arith.addi %add3A_179, %iota3A : vector<16xi32>
    %convert_element_type3A_181 = arith.sitofp %add3A_180 : vector<16xi32> to vector<16xf32>
    %div3A_182 = arith.divf %convert_element_type3A_181, %convert_element_type3A_7 : vector<16xf32>
    %convert_element_type3A_183 = arith.fptosi %div3A_182 : vector<16xf32> to vector<16xi32>
    %mul3A_184 = arith.muli %convert_element_type3A_183, %get3A_6 : vector<16xi32>
    %sub3A_185 = arith.subi %add3A_180, %mul3A_184 : vector<16xi32>
    %lt3A_186 = arith.constant 0 : i32
    %lt3A_187 = vector.broadcast %lt3A_186 : i32 to vector<16xi32>
    %lt3A_188 = arith.cmpi slt, %sub3A_185, %lt3A_187 : vector<16xi32>
    %add3A_189 = arith.addi %sub3A_185, %get3A_6 : vector<16xi32>
    %select_n3A_190 = arith.select %lt3A_188, %add3A_189, %sub3A_185 : vector<16xi1>, vector<16xi32>
    %ge3A_191 = arith.cmpi sge, %select_n3A_190, %get3A_6 : vector<16xi32>
    %sub3A_192 = arith.subi %select_n3A_190, %get3A_6 : vector<16xi32>
    %select_n3A_193 = arith.select %ge3A_191, %sub3A_192, %select_n3A_190 : vector<16xi1>, vector<16xi32>
    %swap3A_194 = arith.constant 1 : i32
    %swap3A_195 = arith.index_cast %swap3A_194 : i32 to index
    %swap3A_196 = arith.constant 0 : index
    %swap3A_197 = tpu.vector_load %arg8[%swap3A_195, %swap3A_196] {strides = array<i32>} : memref<5x128xi32, #tpu.memory_space<vmem>>, vector<1x16xi32>,
    %swap3A_198 = vector.shape_cast %swap3A_197 : vector<1x16xi32> to vector<16xi32>
    %swap3A_199 = vector.shape_cast %select_n3A_193 : vector<16xi32> to vector<1x16xi32>
    tpu.vector_store %arg8[%swap3A_195, %swap3A_196], %swap3A_199 {strides = array<i32>} : memref<5x128xi32, #tpu.memory_space<vmem>>, vector<1x16xi32>,
    %add3A_200 = arith.constant 144 : i32
    %add3A_201 = vector.broadcast %add3A_200 : i32 to vector<16xi32>
    %add3A_202 = arith.addi %add3A_201, %iota3A : vector<16xi32>
    %convert_element_type3A_203 = arith.sitofp %add3A_202 : vector<16xi32> to vector<16xf32>
    %div3A_204 = arith.divf %convert_element_type3A_203, %convert_element_type3A_7 : vector<16xf32>
    %convert_element_type3A_205 = arith.fptosi %div3A_204 : vector<16xf32> to vector<16xi32>
    %mul3A_206 = arith.muli %convert_element_type3A_205, %get3A_6 : vector<16xi32>
    %sub3A_207 = arith.subi %add3A_202, %mul3A_206 : vector<16xi32>
    %lt3A_208 = arith.constant 0 : i32
    %lt3A_209 = vector.broadcast %lt3A_208 : i32 to vector<16xi32>
    %lt3A_210 = arith.cmpi slt, %sub3A_207, %lt3A_209 : vector<16xi32>
    %add3A_211 = arith.addi %sub3A_207, %get3A_6 : vector<16xi32>
    %select_n3A_212 = arith.select %lt3A_210, %add3A_211, %sub3A_207 : vector<16xi1>, vector<16xi32>
    %ge3A_213 = arith.cmpi sge, %select_n3A_212, %get3A_6 : vector<16xi32>
    %sub3A_214 = arith.subi %select_n3A_212, %get3A_6 : vector<16xi32>
    %select_n3A_215 = arith.select %ge3A_213, %sub3A_214, %select_n3A_212 : vector<16xi1>, vector<16xi32>
    %swap3A_216 = arith.constant 1 : i32
    %swap3A_217 = arith.index_cast %swap3A_216 : i32 to index
    %swap3A_218 = arith.constant 16 : index
    %swap3A_219 = tpu.vector_load %arg8[%swap3A_217, %swap3A_218] {strides = array<i32>} : memref<5x128xi32, #tpu.memory_space<vmem>>, vector<1x16xi32>,
    %swap3A_220 = vector.shape_cast %swap3A_219 : vector<1x16xi32> to vector<16xi32>
    %swap3A_221 = vector.shape_cast %select_n3A_215 : vector<16xi32> to vector<1x16xi32>
    tpu.vector_store %arg8[%swap3A_217, %swap3A_218], %swap3A_221 {strides = array<i32>} : memref<5x128xi32, #tpu.memory_space<vmem>>, vector<1x16xi32>,
    %add3A_222 = arith.constant 160 : i32
    %add3A_223 = vector.broadcast %add3A_222 : i32 to vector<16xi32>
    %add3A_224 = arith.addi %add3A_223, %iota3A : vector<16xi32>
    %convert_element_type3A_225 = arith.sitofp %add3A_224 : vector<16xi32> to vector<16xf32>
    %div3A_226 = arith.divf %convert_element_type3A_225, %convert_element_type3A_7 : vector<16xf32>
    %convert_element_type3A_227 = arith.fptosi %div3A_226 : vector<16xf32> to vector<16xi32>
    %mul3A_228 = arith.muli %convert_element_type3A_227, %get3A_6 : vector<16xi32>
    %sub3A_229 = arith.subi %add3A_224, %mul3A_228 : vector<16xi32>
    %lt3A_230 = arith.constant 0 : i32
    %lt3A_231 = vector.broadcast %lt3A_230 : i32 to vector<16xi32>
    %lt3A_232 = arith.cmpi slt, %sub3A_229, %lt3A_231 : vector<16xi32>
    %add3A_233 = arith.addi %sub3A_229, %get3A_6 : vector<16xi32>
    %select_n3A_234 = arith.select %lt3A_232, %add3A_233, %sub3A_229 : vector<16xi1>, vector<16xi32>
    %ge3A_235 = arith.cmpi sge, %select_n3A_234, %get3A_6 : vector<16xi32>
    %sub3A_236 = arith.subi %select_n3A_234, %get3A_6 : vector<16xi32>
    %select_n3A_237 = arith.select %ge3A_235, %sub3A_236, %select_n3A_234 : vector<16xi1>, vector<16xi32>
    %swap3A_238 = arith.constant 1 : i32
    %swap3A_239 = arith.index_cast %swap3A_238 : i32 to index
    %swap3A_240 = arith.constant 32 : index
    %swap3A_241 = tpu.vector_load %arg8[%swap3A_239, %swap3A_240] {strides = array<i32>} : memref<5x128xi32, #tpu.memory_space<vmem>>, vector<1x16xi32>,
    %swap3A_242 = vector.shape_cast %swap3A_241 : vector<1x16xi32> to vector<16xi32>
    %swap3A_243 = vector.shape_cast %select_n3A_237 : vector<16xi32> to vector<1x16xi32>
    tpu.vector_store %arg8[%swap3A_239, %swap3A_240], %swap3A_243 {strides = array<i32>} : memref<5x128xi32, #tpu.memory_space<vmem>>, vector<1x16xi32>,
    %add3A_244 = arith.constant 176 : i32
    %add3A_245 = vector.broadcast %add3A_244 : i32 to vector<16xi32>
    %add3A_246 = arith.addi %add3A_245, %iota3A : vector<16xi32>
    %convert_element_type3A_247 = arith.sitofp %add3A_246 : vector<16xi32> to vector<16xf32>
    %div3A_248 = arith.divf %convert_element_type3A_247, %convert_element_type3A_7 : vector<16xf32>
    %convert_element_type3A_249 = arith.fptosi %div3A_248 : vector<16xf32> to vector<16xi32>
    %mul3A_250 = arith.muli %convert_element_type3A_249, %get3A_6 : vector<16xi32>
    %sub3A_251 = arith.subi %add3A_246, %mul3A_250 : vector<16xi32>
    %lt3A_252 = arith.constant 0 : i32
    %lt3A_253 = vector.broadcast %lt3A_252 : i32 to vector<16xi32>
    %lt3A_254 = arith.cmpi slt, %sub3A_251, %lt3A_253 : vector<16xi32>
    %add3A_255 = arith.addi %sub3A_251, %get3A_6 : vector<16xi32>
    %select_n3A_256 = arith.select %lt3A_254, %add3A_255, %sub3A_251 : vector<16xi1>, vector<16xi32>
    %ge3A_257 = arith.cmpi sge, %select_n3A_256, %get3A_6 : vector<16xi32>
    %sub3A_258 = arith.subi %select_n3A_256, %get3A_6 : vector<16xi32>
    %select_n3A_259 = arith.select %ge3A_257, %sub3A_258, %select_n3A_256 : vector<16xi1>, vector<16xi32>
    %swap3A_260 = arith.constant 1 : i32
    %swap3A_261 = arith.index_cast %swap3A_260 : i32 to index
    %swap3A_262 = arith.constant 48 : index
    %swap3A_263 = tpu.vector_load %arg8[%swap3A_261, %swap3A_262] {strides = array<i32>} : memref<5x128xi32, #tpu.memory_space<vmem>>, vector<1x16xi32>,
    %swap3A_264 = vector.shape_cast %swap3A_263 : vector<1x16xi32> to vector<16xi32>
    %swap3A_265 = vector.shape_cast %select_n3A_259 : vector<16xi32> to vector<1x16xi32>
    tpu.vector_store %arg8[%swap3A_261, %swap3A_262], %swap3A_265 {strides = array<i32>} : memref<5x128xi32, #tpu.memory_space<vmem>>, vector<1x16xi32>,
    %add3A_266 = arith.constant 192 : i32
    %add3A_267 = vector.broadcast %add3A_266 : i32 to vector<16xi32>
    %add3A_268 = arith.addi %add3A_267, %iota3A : vector<16xi32>
    %convert_element_type3A_269 = arith.sitofp %add3A_268 : vector<16xi32> to vector<16xf32>
    %div3A_270 = arith.divf %convert_element_type3A_269, %convert_element_type3A_7 : vector<16xf32>
    %convert_element_type3A_271 = arith.fptosi %div3A_270 : vector<16xf32> to vector<16xi32>
    %mul3A_272 = arith.muli %convert_element_type3A_271, %get3A_6 : vector<16xi32>
    %sub3A_273 = arith.subi %add3A_268, %mul3A_272 : vector<16xi32>
    %lt3A_274 = arith.constant 0 : i32
    %lt3A_275 = vector.broadcast %lt3A_274 : i32 to vector<16xi32>
    %lt3A_276 = arith.cmpi slt, %sub3A_273, %lt3A_275 : vector<16xi32>
    %add3A_277 = arith.addi %sub3A_273, %get3A_6 : vector<16xi32>
    %select_n3A_278 = arith.select %lt3A_276, %add3A_277, %sub3A_273 : vector<16xi1>, vector<16xi32>
    %ge3A_279 = arith.cmpi sge, %select_n3A_278, %get3A_6 : vector<16xi32>
    %sub3A_280 = arith.subi %select_n3A_278, %get3A_6 : vector<16xi32>
    %select_n3A_281 = arith.select %ge3A_279, %sub3A_280, %select_n3A_278 : vector<16xi1>, vector<16xi32>
    %swap3A_282 = arith.constant 1 : i32
    %swap3A_283 = arith.index_cast %swap3A_282 : i32 to index
    %swap3A_284 = arith.constant 64 : index
    %swap3A_285 = tpu.vector_load %arg8[%swap3A_283, %swap3A_284] {strides = array<i32>} : memref<5x128xi32, #tpu.memory_space<vmem>>, vector<1x16xi32>,
    %swap3A_286 = vector.shape_cast %swap3A_285 : vector<1x16xi32> to vector<16xi32>
    %swap3A_287 = vector.shape_cast %select_n3A_281 : vector<16xi32> to vector<1x16xi32>
    tpu.vector_store %arg8[%swap3A_283, %swap3A_284], %swap3A_287 {strides = array<i32>} : memref<5x128xi32, #tpu.memory_space<vmem>>, vector<1x16xi32>,
    %add3A_288 = arith.constant 208 : i32
    %add3A_289 = vector.broadcast %add3A_288 : i32 to vector<16xi32>
    %add3A_290 = arith.addi %add3A_289, %iota3A : vector<16xi32>
    %convert_element_type3A_291 = arith.sitofp %add3A_290 : vector<16xi32> to vector<16xf32>
    %div3A_292 = arith.divf %convert_element_type3A_291, %convert_element_type3A_7 : vector<16xf32>
    %convert_element_type3A_293 = arith.fptosi %div3A_292 : vector<16xf32> to vector<16xi32>
    %mul3A_294 = arith.muli %convert_element_type3A_293, %get3A_6 : vector<16xi32>
    %sub3A_295 = arith.subi %add3A_290, %mul3A_294 : vector<16xi32>
    %lt3A_296 = arith.constant 0 : i32
    %lt3A_297 = vector.broadcast %lt3A_296 : i32 to vector<16xi32>
    %lt3A_298 = arith.cmpi slt, %sub3A_295, %lt3A_297 : vector<16xi32>
    %add3A_299 = arith.addi %sub3A_295, %get3A_6 : vector<16xi32>
    %select_n3A_300 = arith.select %lt3A_298, %add3A_299, %sub3A_295 : vector<16xi1>, vector<16xi32>
    %ge3A_301 = arith.cmpi sge, %select_n3A_300, %get3A_6 : vector<16xi32>
    %sub3A_302 = arith.subi %select_n3A_300, %get3A_6 : vector<16xi32>
    %select_n3A_303 = arith.select %ge3A_301, %sub3A_302, %select_n3A_300 : vector<16xi1>, vector<16xi32>
    %swap3A_304 = arith.constant 1 : i32
    %swap3A_305 = arith.index_cast %swap3A_304 : i32 to index
    %swap3A_306 = arith.constant 80 : index
    %swap3A_307 = tpu.vector_load %arg8[%swap3A_305, %swap3A_306] {strides = array<i32>} : memref<5x128xi32, #tpu.memory_space<vmem>>, vector<1x16xi32>,
    %swap3A_308 = vector.shape_cast %swap3A_307 : vector<1x16xi32> to vector<16xi32>
    %swap3A_309 = vector.shape_cast %select_n3A_303 : vector<16xi32> to vector<1x16xi32>
    tpu.vector_store %arg8[%swap3A_305, %swap3A_306], %swap3A_309 {strides = array<i32>} : memref<5x128xi32, #tpu.memory_space<vmem>>, vector<1x16xi32>,
    %add3A_310 = arith.constant 224 : i32
    %add3A_311 = vector.broadcast %add3A_310 : i32 to vector<16xi32>
    %add3A_312 = arith.addi %add3A_311, %iota3A : vector<16xi32>
    %convert_element_type3A_313 = arith.sitofp %add3A_312 : vector<16xi32> to vector<16xf32>
    %div3A_314 = arith.divf %convert_element_type3A_313, %convert_element_type3A_7 : vector<16xf32>
    %convert_element_type3A_315 = arith.fptosi %div3A_314 : vector<16xf32> to vector<16xi32>
    %mul3A_316 = arith.muli %convert_element_type3A_315, %get3A_6 : vector<16xi32>
    %sub3A_317 = arith.subi %add3A_312, %mul3A_316 : vector<16xi32>
    %lt3A_318 = arith.constant 0 : i32
    %lt3A_319 = vector.broadcast %lt3A_318 : i32 to vector<16xi32>
    %lt3A_320 = arith.cmpi slt, %sub3A_317, %lt3A_319 : vector<16xi32>
    %add3A_321 = arith.addi %sub3A_317, %get3A_6 : vector<16xi32>
    %select_n3A_322 = arith.select %lt3A_320, %add3A_321, %sub3A_317 : vector<16xi1>, vector<16xi32>
    %ge3A_323 = arith.cmpi sge, %select_n3A_322, %get3A_6 : vector<16xi32>
    %sub3A_324 = arith.subi %select_n3A_322, %get3A_6 : vector<16xi32>
    %select_n3A_325 = arith.select %ge3A_323, %sub3A_324, %select_n3A_322 : vector<16xi1>, vector<16xi32>
    %swap3A_326 = arith.constant 1 : i32
    %swap3A_327 = arith.index_cast %swap3A_326 : i32 to index
    %swap3A_328 = arith.constant 96 : index
    %swap3A_329 = tpu.vector_load %arg8[%swap3A_327, %swap3A_328] {strides = array<i32>} : memref<5x128xi32, #tpu.memory_space<vmem>>, vector<1x16xi32>,
    %swap3A_330 = vector.shape_cast %swap3A_329 : vector<1x16xi32> to vector<16xi32>
    %swap3A_331 = vector.shape_cast %select_n3A_325 : vector<16xi32> to vector<1x16xi32>
    tpu.vector_store %arg8[%swap3A_327, %swap3A_328], %swap3A_331 {strides = array<i32>} : memref<5x128xi32, #tpu.memory_space<vmem>>, vector<1x16xi32>,
    %add3A_332 = arith.constant 240 : i32
    %add3A_333 = vector.broadcast %add3A_332 : i32 to vector<16xi32>
    %add3A_334 = arith.addi %add3A_333, %iota3A : vector<16xi32>
    %convert_element_type3A_335 = arith.sitofp %add3A_334 : vector<16xi32> to vector<16xf32>
    %div3A_336 = arith.divf %convert_element_type3A_335, %convert_element_type3A_7 : vector<16xf32>
    %convert_element_type3A_337 = arith.fptosi %div3A_336 : vector<16xf32> to vector<16xi32>
    %mul3A_338 = arith.muli %convert_element_type3A_337, %get3A_6 : vector<16xi32>
    %sub3A_339 = arith.subi %add3A_334, %mul3A_338 : vector<16xi32>
    %lt3A_340 = arith.constant 0 : i32
    %lt3A_341 = vector.broadcast %lt3A_340 : i32 to vector<16xi32>
    %lt3A_342 = arith.cmpi slt, %sub3A_339, %lt3A_341 : vector<16xi32>
    %add3A_343 = arith.addi %sub3A_339, %get3A_6 : vector<16xi32>
    %select_n3A_344 = arith.select %lt3A_342, %add3A_343, %sub3A_339 : vector<16xi1>, vector<16xi32>
    %ge3A_345 = arith.cmpi sge, %select_n3A_344, %get3A_6 : vector<16xi32>
    %sub3A_346 = arith.subi %select_n3A_344, %get3A_6 : vector<16xi32>
    %select_n3A_347 = arith.select %ge3A_345, %sub3A_346, %select_n3A_344 : vector<16xi1>, vector<16xi32>
    %swap3A_348 = arith.constant 1 : i32
    %swap3A_349 = arith.index_cast %swap3A_348 : i32 to index
    %swap3A_350 = arith.constant 112 : index
    %swap3A_351 = tpu.vector_load %arg8[%swap3A_349, %swap3A_350] {strides = array<i32>} : memref<5x128xi32, #tpu.memory_space<vmem>>, vector<1x16xi32>,
    %swap3A_352 = vector.shape_cast %swap3A_351 : vector<1x16xi32> to vector<16xi32>
    %swap3A_353 = vector.shape_cast %select_n3A_347 : vector<16xi32> to vector<1x16xi32>
    tpu.vector_store %arg8[%swap3A_349, %swap3A_350], %swap3A_353 {strides = array<i32>} : memref<5x128xi32, #tpu.memory_space<vmem>>, vector<1x16xi32>,
    %add3A_354 = arith.constant 256 : i32
    %add3A_355 = vector.broadcast %add3A_354 : i32 to vector<16xi32>
    %add3A_356 = arith.addi %add3A_355, %iota3A : vector<16xi32>
    %convert_element_type3A_357 = arith.sitofp %add3A_356 : vector<16xi32> to vector<16xf32>
    %div3A_358 = arith.divf %convert_element_type3A_357, %convert_element_type3A_7 : vector<16xf32>
    %convert_element_type3A_359 = arith.fptosi %div3A_358 : vector<16xf32> to vector<16xi32>
    %mul3A_360 = arith.muli %convert_element_type3A_359, %get3A_6 : vector<16xi32>
    %sub3A_361 = arith.subi %add3A_356, %mul3A_360 : vector<16xi32>
    %lt3A_362 = arith.constant 0 : i32
    %lt3A_363 = vector.broadcast %lt3A_362 : i32 to vector<16xi32>
    %lt3A_364 = arith.cmpi slt, %sub3A_361, %lt3A_363 : vector<16xi32>
    %add3A_365 = arith.addi %sub3A_361, %get3A_6 : vector<16xi32>
    %select_n3A_366 = arith.select %lt3A_364, %add3A_365, %sub3A_361 : vector<16xi1>, vector<16xi32>
    %ge3A_367 = arith.cmpi sge, %select_n3A_366, %get3A_6 : vector<16xi32>
    %sub3A_368 = arith.subi %select_n3A_366, %get3A_6 : vector<16xi32>
    %select_n3A_369 = arith.select %ge3A_367, %sub3A_368, %select_n3A_366 : vector<16xi1>, vector<16xi32>
    %swap3A_370 = arith.constant 2 : i32
    %swap3A_371 = arith.index_cast %swap3A_370 : i32 to index
    %swap3A_372 = arith.constant 0 : index
    %swap3A_373 = tpu.vector_load %arg8[%swap3A_371, %swap3A_372] {strides = array<i32>} : memref<5x128xi32, #tpu.memory_space<vmem>>, vector<1x16xi32>,
    %swap3A_374 = vector.shape_cast %swap3A_373 : vector<1x16xi32> to vector<16xi32>
    %swap3A_375 = vector.shape_cast %select_n3A_369 : vector<16xi32> to vector<1x16xi32>
    tpu.vector_store %arg8[%swap3A_371, %swap3A_372], %swap3A_375 {strides = array<i32>} : memref<5x128xi32, #tpu.memory_space<vmem>>, vector<1x16xi32>,
    %add3A_376 = arith.constant 272 : i32
    %add3A_377 = vector.broadcast %add3A_376 : i32 to vector<16xi32>
    %add3A_378 = arith.addi %add3A_377, %iota3A : vector<16xi32>
    %convert_element_type3A_379 = arith.sitofp %add3A_378 : vector<16xi32> to vector<16xf32>
    %div3A_380 = arith.divf %convert_element_type3A_379, %convert_element_type3A_7 : vector<16xf32>
    %convert_element_type3A_381 = arith.fptosi %div3A_380 : vector<16xf32> to vector<16xi32>
    %mul3A_382 = arith.muli %convert_element_type3A_381, %get3A_6 : vector<16xi32>
    %sub3A_383 = arith.subi %add3A_378, %mul3A_382 : vector<16xi32>
    %lt3A_384 = arith.constant 0 : i32
    %lt3A_385 = vector.broadcast %lt3A_384 : i32 to vector<16xi32>
    %lt3A_386 = arith.cmpi slt, %sub3A_383, %lt3A_385 : vector<16xi32>
    %add3A_387 = arith.addi %sub3A_383, %get3A_6 : vector<16xi32>
    %select_n3A_388 = arith.select %lt3A_386, %add3A_387, %sub3A_383 : vector<16xi1>, vector<16xi32>
    %ge3A_389 = arith.cmpi sge, %select_n3A_388, %get3A_6 : vector<16xi32>
    %sub3A_390 = arith.subi %select_n3A_388, %get3A_6 : vector<16xi32>
    %select_n3A_391 = arith.select %ge3A_389, %sub3A_390, %select_n3A_388 : vector<16xi1>, vector<16xi32>
    %swap3A_392 = arith.constant 2 : i32
    %swap3A_393 = arith.index_cast %swap3A_392 : i32 to index
    %swap3A_394 = arith.constant 16 : index
    %swap3A_395 = tpu.vector_load %arg8[%swap3A_393, %swap3A_394] {strides = array<i32>} : memref<5x128xi32, #tpu.memory_space<vmem>>, vector<1x16xi32>,
    %swap3A_396 = vector.shape_cast %swap3A_395 : vector<1x16xi32> to vector<16xi32>
    %swap3A_397 = vector.shape_cast %select_n3A_391 : vector<16xi32> to vector<1x16xi32>
    tpu.vector_store %arg8[%swap3A_393, %swap3A_394], %swap3A_397 {strides = array<i32>} : memref<5x128xi32, #tpu.memory_space<vmem>>, vector<1x16xi32>,
    %add3A_398 = arith.constant 288 : i32
    %add3A_399 = vector.broadcast %add3A_398 : i32 to vector<16xi32>
    %add3A_400 = arith.addi %add3A_399, %iota3A : vector<16xi32>
    %convert_element_type3A_401 = arith.sitofp %add3A_400 : vector<16xi32> to vector<16xf32>
    %div3A_402 = arith.divf %convert_element_type3A_401, %convert_element_type3A_7 : vector<16xf32>
    %convert_element_type3A_403 = arith.fptosi %div3A_402 : vector<16xf32> to vector<16xi32>
    %mul3A_404 = arith.muli %convert_element_type3A_403, %get3A_6 : vector<16xi32>
    %sub3A_405 = arith.subi %add3A_400, %mul3A_404 : vector<16xi32>
    %lt3A_406 = arith.constant 0 : i32
    %lt3A_407 = vector.broadcast %lt3A_406 : i32 to vector<16xi32>
    %lt3A_408 = arith.cmpi slt, %sub3A_405, %lt3A_407 : vector<16xi32>
    %add3A_409 = arith.addi %sub3A_405, %get3A_6 : vector<16xi32>
    %select_n3A_410 = arith.select %lt3A_408, %add3A_409, %sub3A_405 : vector<16xi1>, vector<16xi32>
    %ge3A_411 = arith.cmpi sge, %select_n3A_410, %get3A_6 : vector<16xi32>
    %sub3A_412 = arith.subi %select_n3A_410, %get3A_6 : vector<16xi32>
    %select_n3A_413 = arith.select %ge3A_411, %sub3A_412, %select_n3A_410 : vector<16xi1>, vector<16xi32>
    %swap3A_414 = arith.constant 2 : i32
    %swap3A_415 = arith.index_cast %swap3A_414 : i32 to index
    %swap3A_416 = arith.constant 32 : index
    %swap3A_417 = tpu.vector_load %arg8[%swap3A_415, %swap3A_416] {strides = array<i32>} : memref<5x128xi32, #tpu.memory_space<vmem>>, vector<1x16xi32>,
    %swap3A_418 = vector.shape_cast %swap3A_417 : vector<1x16xi32> to vector<16xi32>
    %swap3A_419 = vector.shape_cast %select_n3A_413 : vector<16xi32> to vector<1x16xi32>
    tpu.vector_store %arg8[%swap3A_415, %swap3A_416], %swap3A_419 {strides = array<i32>} : memref<5x128xi32, #tpu.memory_space<vmem>>, vector<1x16xi32>,
    %add3A_420 = arith.constant 304 : i32
    %add3A_421 = vector.broadcast %add3A_420 : i32 to vector<16xi32>
    %add3A_422 = arith.addi %add3A_421, %iota3A : vector<16xi32>
    %convert_element_type3A_423 = arith.sitofp %add3A_422 : vector<16xi32> to vector<16xf32>
    %div3A_424 = arith.divf %convert_element_type3A_423, %convert_element_type3A_7 : vector<16xf32>
    %convert_element_type3A_425 = arith.fptosi %div3A_424 : vector<16xf32> to vector<16xi32>
    %mul3A_426 = arith.muli %convert_element_type3A_425, %get3A_6 : vector<16xi32>
    %sub3A_427 = arith.subi %add3A_422, %mul3A_426 : vector<16xi32>
    %lt3A_428 = arith.constant 0 : i32
    %lt3A_429 = vector.broadcast %lt3A_428 : i32 to vector<16xi32>
    %lt3A_430 = arith.cmpi slt, %sub3A_427, %lt3A_429 : vector<16xi32>
    %add3A_431 = arith.addi %sub3A_427, %get3A_6 : vector<16xi32>
    %select_n3A_432 = arith.select %lt3A_430, %add3A_431, %sub3A_427 : vector<16xi1>, vector<16xi32>
    %ge3A_433 = arith.cmpi sge, %select_n3A_432, %get3A_6 : vector<16xi32>
    %sub3A_434 = arith.subi %select_n3A_432, %get3A_6 : vector<16xi32>
    %select_n3A_435 = arith.select %ge3A_433, %sub3A_434, %select_n3A_432 : vector<16xi1>, vector<16xi32>
    %swap3A_436 = arith.constant 2 : i32
    %swap3A_437 = arith.index_cast %swap3A_436 : i32 to index
    %swap3A_438 = arith.constant 48 : index
    %swap3A_439 = tpu.vector_load %arg8[%swap3A_437, %swap3A_438] {strides = array<i32>} : memref<5x128xi32, #tpu.memory_space<vmem>>, vector<1x16xi32>,
    %swap3A_440 = vector.shape_cast %swap3A_439 : vector<1x16xi32> to vector<16xi32>
    %swap3A_441 = vector.shape_cast %select_n3A_435 : vector<16xi32> to vector<1x16xi32>
    tpu.vector_store %arg8[%swap3A_437, %swap3A_438], %swap3A_441 {strides = array<i32>} : memref<5x128xi32, #tpu.memory_space<vmem>>, vector<1x16xi32>,
    %add3A_442 = arith.constant 320 : i32
    %add3A_443 = vector.broadcast %add3A_442 : i32 to vector<16xi32>
    %add3A_444 = arith.addi %add3A_443, %iota3A : vector<16xi32>
    %convert_element_type3A_445 = arith.sitofp %add3A_444 : vector<16xi32> to vector<16xf32>
    %div3A_446 = arith.divf %convert_element_type3A_445, %convert_element_type3A_7 : vector<16xf32>
    %convert_element_type3A_447 = arith.fptosi %div3A_446 : vector<16xf32> to vector<16xi32>
    %mul3A_448 = arith.muli %convert_element_type3A_447, %get3A_6 : vector<16xi32>
    %sub3A_449 = arith.subi %add3A_444, %mul3A_448 : vector<16xi32>
    %lt3A_450 = arith.constant 0 : i32
    %lt3A_451 = vector.broadcast %lt3A_450 : i32 to vector<16xi32>
    %lt3A_452 = arith.cmpi slt, %sub3A_449, %lt3A_451 : vector<16xi32>
    %add3A_453 = arith.addi %sub3A_449, %get3A_6 : vector<16xi32>
    %select_n3A_454 = arith.select %lt3A_452, %add3A_453, %sub3A_449 : vector<16xi1>, vector<16xi32>
    %ge3A_455 = arith.cmpi sge, %select_n3A_454, %get3A_6 : vector<16xi32>
    %sub3A_456 = arith.subi %select_n3A_454, %get3A_6 : vector<16xi32>
    %select_n3A_457 = arith.select %ge3A_455, %sub3A_456, %select_n3A_454 : vector<16xi1>, vector<16xi32>
    %swap3A_458 = arith.constant 2 : i32
    %swap3A_459 = arith.index_cast %swap3A_458 : i32 to index
    %swap3A_460 = arith.constant 64 : index
    %swap3A_461 = tpu.vector_load %arg8[%swap3A_459, %swap3A_460] {strides = array<i32>} : memref<5x128xi32, #tpu.memory_space<vmem>>, vector<1x16xi32>,
    %swap3A_462 = vector.shape_cast %swap3A_461 : vector<1x16xi32> to vector<16xi32>
    %swap3A_463 = vector.shape_cast %select_n3A_457 : vector<16xi32> to vector<1x16xi32>
    tpu.vector_store %arg8[%swap3A_459, %swap3A_460], %swap3A_463 {strides = array<i32>} : memref<5x128xi32, #tpu.memory_space<vmem>>, vector<1x16xi32>,
    %add3A_464 = arith.constant 336 : i32
    %add3A_465 = vector.broadcast %add3A_464 : i32 to vector<16xi32>
    %add3A_466 = arith.addi %add3A_465, %iota3A : vector<16xi32>
    %convert_element_type3A_467 = arith.sitofp %add3A_466 : vector<16xi32> to vector<16xf32>
    %div3A_468 = arith.divf %convert_element_type3A_467, %convert_element_type3A_7 : vector<16xf32>
    %convert_element_type3A_469 = arith.fptosi %div3A_468 : vector<16xf32> to vector<16xi32>
    %mul3A_470 = arith.muli %convert_element_type3A_469, %get3A_6 : vector<16xi32>
    %sub3A_471 = arith.subi %add3A_466, %mul3A_470 : vector<16xi32>
    %lt3A_472 = arith.constant 0 : i32
    %lt3A_473 = vector.broadcast %lt3A_472 : i32 to vector<16xi32>
    %lt3A_474 = arith.cmpi slt, %sub3A_471, %lt3A_473 : vector<16xi32>
    %add3A_475 = arith.addi %sub3A_471, %get3A_6 : vector<16xi32>
    %select_n3A_476 = arith.select %lt3A_474, %add3A_475, %sub3A_471 : vector<16xi1>, vector<16xi32>
    %ge3A_477 = arith.cmpi sge, %select_n3A_476, %get3A_6 : vector<16xi32>
    %sub3A_478 = arith.subi %select_n3A_476, %get3A_6 : vector<16xi32>
    %select_n3A_479 = arith.select %ge3A_477, %sub3A_478, %select_n3A_476 : vector<16xi1>, vector<16xi32>
    %swap3A_480 = arith.constant 2 : i32
    %swap3A_481 = arith.index_cast %swap3A_480 : i32 to index
    %swap3A_482 = arith.constant 80 : index
    %swap3A_483 = tpu.vector_load %arg8[%swap3A_481, %swap3A_482] {strides = array<i32>} : memref<5x128xi32, #tpu.memory_space<vmem>>, vector<1x16xi32>,
    %swap3A_484 = vector.shape_cast %swap3A_483 : vector<1x16xi32> to vector<16xi32>
    %swap3A_485 = vector.shape_cast %select_n3A_479 : vector<16xi32> to vector<1x16xi32>
    tpu.vector_store %arg8[%swap3A_481, %swap3A_482], %swap3A_485 {strides = array<i32>} : memref<5x128xi32, #tpu.memory_space<vmem>>, vector<1x16xi32>,
    %add3A_486 = arith.constant 352 : i32
    %add3A_487 = vector.broadcast %add3A_486 : i32 to vector<16xi32>
    %add3A_488 = arith.addi %add3A_487, %iota3A : vector<16xi32>
    %convert_element_type3A_489 = arith.sitofp %add3A_488 : vector<16xi32> to vector<16xf32>
    %div3A_490 = arith.divf %convert_element_type3A_489, %convert_element_type3A_7 : vector<16xf32>
    %convert_element_type3A_491 = arith.fptosi %div3A_490 : vector<16xf32> to vector<16xi32>
    %mul3A_492 = arith.muli %convert_element_type3A_491, %get3A_6 : vector<16xi32>
    %sub3A_493 = arith.subi %add3A_488, %mul3A_492 : vector<16xi32>
    %lt3A_494 = arith.constant 0 : i32
    %lt3A_495 = vector.broadcast %lt3A_494 : i32 to vector<16xi32>
    %lt3A_496 = arith.cmpi slt, %sub3A_493, %lt3A_495 : vector<16xi32>
    %add3A_497 = arith.addi %sub3A_493, %get3A_6 : vector<16xi32>
    %select_n3A_498 = arith.select %lt3A_496, %add3A_497, %sub3A_493 : vector<16xi1>, vector<16xi32>
    %ge3A_499 = arith.cmpi sge, %select_n3A_498, %get3A_6 : vector<16xi32>
    %sub3A_500 = arith.subi %select_n3A_498, %get3A_6 : vector<16xi32>
    %select_n3A_501 = arith.select %ge3A_499, %sub3A_500, %select_n3A_498 : vector<16xi1>, vector<16xi32>
    %swap3A_502 = arith.constant 2 : i32
    %swap3A_503 = arith.index_cast %swap3A_502 : i32 to index
    %swap3A_504 = arith.constant 96 : index
    %swap3A_505 = tpu.vector_load %arg8[%swap3A_503, %swap3A_504] {strides = array<i32>} : memref<5x128xi32, #tpu.memory_space<vmem>>, vector<1x16xi32>,
    %swap3A_506 = vector.shape_cast %swap3A_505 : vector<1x16xi32> to vector<16xi32>
    %swap3A_507 = vector.shape_cast %select_n3A_501 : vector<16xi32> to vector<1x16xi32>
    tpu.vector_store %arg8[%swap3A_503, %swap3A_504], %swap3A_507 {strides = array<i32>} : memref<5x128xi32, #tpu.memory_space<vmem>>, vector<1x16xi32>,
    %add3A_508 = arith.constant 368 : i32
    %add3A_509 = vector.broadcast %add3A_508 : i32 to vector<16xi32>
    %add3A_510 = arith.addi %add3A_509, %iota3A : vector<16xi32>
    %convert_element_type3A_511 = arith.sitofp %add3A_510 : vector<16xi32> to vector<16xf32>
    %div3A_512 = arith.divf %convert_element_type3A_511, %convert_element_type3A_7 : vector<16xf32>
    %convert_element_type3A_513 = arith.fptosi %div3A_512 : vector<16xf32> to vector<16xi32>
    %mul3A_514 = arith.muli %convert_element_type3A_513, %get3A_6 : vector<16xi32>
    %sub3A_515 = arith.subi %add3A_510, %mul3A_514 : vector<16xi32>
    %lt3A_516 = arith.constant 0 : i32
    %lt3A_517 = vector.broadcast %lt3A_516 : i32 to vector<16xi32>
    %lt3A_518 = arith.cmpi slt, %sub3A_515, %lt3A_517 : vector<16xi32>
    %add3A_519 = arith.addi %sub3A_515, %get3A_6 : vector<16xi32>
    %select_n3A_520 = arith.select %lt3A_518, %add3A_519, %sub3A_515 : vector<16xi1>, vector<16xi32>
    %ge3A_521 = arith.cmpi sge, %select_n3A_520, %get3A_6 : vector<16xi32>
    %sub3A_522 = arith.subi %select_n3A_520, %get3A_6 : vector<16xi32>
    %select_n3A_523 = arith.select %ge3A_521, %sub3A_522, %select_n3A_520 : vector<16xi1>, vector<16xi32>
    %swap3A_524 = arith.constant 2 : i32
    %swap3A_525 = arith.index_cast %swap3A_524 : i32 to index
    %swap3A_526 = arith.constant 112 : index
    %swap3A_527 = tpu.vector_load %arg8[%swap3A_525, %swap3A_526] {strides = array<i32>} : memref<5x128xi32, #tpu.memory_space<vmem>>, vector<1x16xi32>,
    %swap3A_528 = vector.shape_cast %swap3A_527 : vector<1x16xi32> to vector<16xi32>
    %swap3A_529 = vector.shape_cast %select_n3A_523 : vector<16xi32> to vector<1x16xi32>
    tpu.vector_store %arg8[%swap3A_525, %swap3A_526], %swap3A_529 {strides = array<i32>} : memref<5x128xi32, #tpu.memory_space<vmem>>, vector<1x16xi32>,
    %add3A_530 = arith.constant 384 : i32
    %add3A_531 = vector.broadcast %add3A_530 : i32 to vector<16xi32>
    %add3A_532 = arith.addi %add3A_531, %iota3A : vector<16xi32>
    %convert_element_type3A_533 = arith.sitofp %add3A_532 : vector<16xi32> to vector<16xf32>
    %div3A_534 = arith.divf %convert_element_type3A_533, %convert_element_type3A_7 : vector<16xf32>
    %convert_element_type3A_535 = arith.fptosi %div3A_534 : vector<16xf32> to vector<16xi32>
    %mul3A_536 = arith.muli %convert_element_type3A_535, %get3A_6 : vector<16xi32>
    %sub3A_537 = arith.subi %add3A_532, %mul3A_536 : vector<16xi32>
    %lt3A_538 = arith.constant 0 : i32
    %lt3A_539 = vector.broadcast %lt3A_538 : i32 to vector<16xi32>
    %lt3A_540 = arith.cmpi slt, %sub3A_537, %lt3A_539 : vector<16xi32>
    %add3A_541 = arith.addi %sub3A_537, %get3A_6 : vector<16xi32>
    %select_n3A_542 = arith.select %lt3A_540, %add3A_541, %sub3A_537 : vector<16xi1>, vector<16xi32>
    %ge3A_543 = arith.cmpi sge, %select_n3A_542, %get3A_6 : vector<16xi32>
    %sub3A_544 = arith.subi %select_n3A_542, %get3A_6 : vector<16xi32>
    %select_n3A_545 = arith.select %ge3A_543, %sub3A_544, %select_n3A_542 : vector<16xi1>, vector<16xi32>
    %swap3A_546 = arith.constant 3 : i32
    %swap3A_547 = arith.index_cast %swap3A_546 : i32 to index
    %swap3A_548 = arith.constant 0 : index
    %swap3A_549 = tpu.vector_load %arg8[%swap3A_547, %swap3A_548] {strides = array<i32>} : memref<5x128xi32, #tpu.memory_space<vmem>>, vector<1x16xi32>,
    %swap3A_550 = vector.shape_cast %swap3A_549 : vector<1x16xi32> to vector<16xi32>
    %swap3A_551 = vector.shape_cast %select_n3A_545 : vector<16xi32> to vector<1x16xi32>
    tpu.vector_store %arg8[%swap3A_547, %swap3A_548], %swap3A_551 {strides = array<i32>} : memref<5x128xi32, #tpu.memory_space<vmem>>, vector<1x16xi32>,
    %add3A_552 = arith.constant 400 : i32
    %add3A_553 = vector.broadcast %add3A_552 : i32 to vector<16xi32>
    %add3A_554 = arith.addi %add3A_553, %iota3A : vector<16xi32>
    %convert_element_type3A_555 = arith.sitofp %add3A_554 : vector<16xi32> to vector<16xf32>
    %div3A_556 = arith.divf %convert_element_type3A_555, %convert_element_type3A_7 : vector<16xf32>
    %convert_element_type3A_557 = arith.fptosi %div3A_556 : vector<16xf32> to vector<16xi32>
    %mul3A_558 = arith.muli %convert_element_type3A_557, %get3A_6 : vector<16xi32>
    %sub3A_559 = arith.subi %add3A_554, %mul3A_558 : vector<16xi32>
    %lt3A_560 = arith.constant 0 : i32
    %lt3A_561 = vector.broadcast %lt3A_560 : i32 to vector<16xi32>
    %lt3A_562 = arith.cmpi slt, %sub3A_559, %lt3A_561 : vector<16xi32>
    %add3A_563 = arith.addi %sub3A_559, %get3A_6 : vector<16xi32>
    %select_n3A_564 = arith.select %lt3A_562, %add3A_563, %sub3A_559 : vector<16xi1>, vector<16xi32>
    %ge3A_565 = arith.cmpi sge, %select_n3A_564, %get3A_6 : vector<16xi32>
    %sub3A_566 = arith.subi %select_n3A_564, %get3A_6 : vector<16xi32>
    %select_n3A_567 = arith.select %ge3A_565, %sub3A_566, %select_n3A_564 : vector<16xi1>, vector<16xi32>
    %swap3A_568 = arith.constant 3 : i32
    %swap3A_569 = arith.index_cast %swap3A_568 : i32 to index
    %swap3A_570 = arith.constant 16 : index
    %swap3A_571 = tpu.vector_load %arg8[%swap3A_569, %swap3A_570] {strides = array<i32>} : memref<5x128xi32, #tpu.memory_space<vmem>>, vector<1x16xi32>,
    %swap3A_572 = vector.shape_cast %swap3A_571 : vector<1x16xi32> to vector<16xi32>
    %swap3A_573 = vector.shape_cast %select_n3A_567 : vector<16xi32> to vector<1x16xi32>
    tpu.vector_store %arg8[%swap3A_569, %swap3A_570], %swap3A_573 {strides = array<i32>} : memref<5x128xi32, #tpu.memory_space<vmem>>, vector<1x16xi32>,
    %add3A_574 = arith.constant 416 : i32
    %add3A_575 = vector.broadcast %add3A_574 : i32 to vector<16xi32>
    %add3A_576 = arith.addi %add3A_575, %iota3A : vector<16xi32>
    %convert_element_type3A_577 = arith.sitofp %add3A_576 : vector<16xi32> to vector<16xf32>
    %div3A_578 = arith.divf %convert_element_type3A_577, %convert_element_type3A_7 : vector<16xf32>
    %convert_element_type3A_579 = arith.fptosi %div3A_578 : vector<16xf32> to vector<16xi32>
    %mul3A_580 = arith.muli %convert_element_type3A_579, %get3A_6 : vector<16xi32>
    %sub3A_581 = arith.subi %add3A_576, %mul3A_580 : vector<16xi32>
    %lt3A_582 = arith.constant 0 : i32
    %lt3A_583 = vector.broadcast %lt3A_582 : i32 to vector<16xi32>
    %lt3A_584 = arith.cmpi slt, %sub3A_581, %lt3A_583 : vector<16xi32>
    %add3A_585 = arith.addi %sub3A_581, %get3A_6 : vector<16xi32>
    %select_n3A_586 = arith.select %lt3A_584, %add3A_585, %sub3A_581 : vector<16xi1>, vector<16xi32>
    %ge3A_587 = arith.cmpi sge, %select_n3A_586, %get3A_6 : vector<16xi32>
    %sub3A_588 = arith.subi %select_n3A_586, %get3A_6 : vector<16xi32>
    %select_n3A_589 = arith.select %ge3A_587, %sub3A_588, %select_n3A_586 : vector<16xi1>, vector<16xi32>
    %swap3A_590 = arith.constant 3 : i32
    %swap3A_591 = arith.index_cast %swap3A_590 : i32 to index
    %swap3A_592 = arith.constant 32 : index
    %swap3A_593 = tpu.vector_load %arg8[%swap3A_591, %swap3A_592] {strides = array<i32>} : memref<5x128xi32, #tpu.memory_space<vmem>>, vector<1x16xi32>,
    %swap3A_594 = vector.shape_cast %swap3A_593 : vector<1x16xi32> to vector<16xi32>
    %swap3A_595 = vector.shape_cast %select_n3A_589 : vector<16xi32> to vector<1x16xi32>
    tpu.vector_store %arg8[%swap3A_591, %swap3A_592], %swap3A_595 {strides = array<i32>} : memref<5x128xi32, #tpu.memory_space<vmem>>, vector<1x16xi32>,
    %add3A_596 = arith.constant 432 : i32
    %add3A_597 = vector.broadcast %add3A_596 : i32 to vector<16xi32>
    %add3A_598 = arith.addi %add3A_597, %iota3A : vector<16xi32>
    %convert_element_type3A_599 = arith.sitofp %add3A_598 : vector<16xi32> to vector<16xf32>
    %div3A_600 = arith.divf %convert_element_type3A_599, %convert_element_type3A_7 : vector<16xf32>
    %convert_element_type3A_601 = arith.fptosi %div3A_600 : vector<16xf32> to vector<16xi32>
    %mul3A_602 = arith.muli %convert_element_type3A_601, %get3A_6 : vector<16xi32>
    %sub3A_603 = arith.subi %add3A_598, %mul3A_602 : vector<16xi32>
    %lt3A_604 = arith.constant 0 : i32
    %lt3A_605 = vector.broadcast %lt3A_604 : i32 to vector<16xi32>
    %lt3A_606 = arith.cmpi slt, %sub3A_603, %lt3A_605 : vector<16xi32>
    %add3A_607 = arith.addi %sub3A_603, %get3A_6 : vector<16xi32>
    %select_n3A_608 = arith.select %lt3A_606, %add3A_607, %sub3A_603 : vector<16xi1>, vector<16xi32>
    %ge3A_609 = arith.cmpi sge, %select_n3A_608, %get3A_6 : vector<16xi32>
    %sub3A_610 = arith.subi %select_n3A_608, %get3A_6 : vector<16xi32>
    %select_n3A_611 = arith.select %ge3A_609, %sub3A_610, %select_n3A_608 : vector<16xi1>, vector<16xi32>
    %swap3A_612 = arith.constant 3 : i32
    %swap3A_613 = arith.index_cast %swap3A_612 : i32 to index
    %swap3A_614 = arith.constant 48 : index
    %swap3A_615 = tpu.vector_load %arg8[%swap3A_613, %swap3A_614] {strides = array<i32>} : memref<5x128xi32, #tpu.memory_space<vmem>>, vector<1x16xi32>,
    %swap3A_616 = vector.shape_cast %swap3A_615 : vector<1x16xi32> to vector<16xi32>
    %swap3A_617 = vector.shape_cast %select_n3A_611 : vector<16xi32> to vector<1x16xi32>
    tpu.vector_store %arg8[%swap3A_613, %swap3A_614], %swap3A_617 {strides = array<i32>} : memref<5x128xi32, #tpu.memory_space<vmem>>, vector<1x16xi32>,
    %add3A_618 = arith.constant 448 : i32
    %add3A_619 = vector.broadcast %add3A_618 : i32 to vector<16xi32>
    %add3A_620 = arith.addi %add3A_619, %iota3A : vector<16xi32>
    %convert_element_type3A_621 = arith.sitofp %add3A_620 : vector<16xi32> to vector<16xf32>
    %div3A_622 = arith.divf %convert_element_type3A_621, %convert_element_type3A_7 : vector<16xf32>
    %convert_element_type3A_623 = arith.fptosi %div3A_622 : vector<16xf32> to vector<16xi32>
    %mul3A_624 = arith.muli %convert_element_type3A_623, %get3A_6 : vector<16xi32>
    %sub3A_625 = arith.subi %add3A_620, %mul3A_624 : vector<16xi32>
    %lt3A_626 = arith.constant 0 : i32
    %lt3A_627 = vector.broadcast %lt3A_626 : i32 to vector<16xi32>
    %lt3A_628 = arith.cmpi slt, %sub3A_625, %lt3A_627 : vector<16xi32>
    %add3A_629 = arith.addi %sub3A_625, %get3A_6 : vector<16xi32>
    %select_n3A_630 = arith.select %lt3A_628, %add3A_629, %sub3A_625 : vector<16xi1>, vector<16xi32>
    %ge3A_631 = arith.cmpi sge, %select_n3A_630, %get3A_6 : vector<16xi32>
    %sub3A_632 = arith.subi %select_n3A_630, %get3A_6 : vector<16xi32>
    %select_n3A_633 = arith.select %ge3A_631, %sub3A_632, %select_n3A_630 : vector<16xi1>, vector<16xi32>
    %swap3A_634 = arith.constant 3 : i32
    %swap3A_635 = arith.index_cast %swap3A_634 : i32 to index
    %swap3A_636 = arith.constant 64 : index
    %swap3A_637 = tpu.vector_load %arg8[%swap3A_635, %swap3A_636] {strides = array<i32>} : memref<5x128xi32, #tpu.memory_space<vmem>>, vector<1x16xi32>,
    %swap3A_638 = vector.shape_cast %swap3A_637 : vector<1x16xi32> to vector<16xi32>
    %swap3A_639 = vector.shape_cast %select_n3A_633 : vector<16xi32> to vector<1x16xi32>
    tpu.vector_store %arg8[%swap3A_635, %swap3A_636], %swap3A_639 {strides = array<i32>} : memref<5x128xi32, #tpu.memory_space<vmem>>, vector<1x16xi32>,
    %add3A_640 = arith.constant 464 : i32
    %add3A_641 = vector.broadcast %add3A_640 : i32 to vector<16xi32>
    %add3A_642 = arith.addi %add3A_641, %iota3A : vector<16xi32>
    %convert_element_type3A_643 = arith.sitofp %add3A_642 : vector<16xi32> to vector<16xf32>
    %div3A_644 = arith.divf %convert_element_type3A_643, %convert_element_type3A_7 : vector<16xf32>
    %convert_element_type3A_645 = arith.fptosi %div3A_644 : vector<16xf32> to vector<16xi32>
    %mul3A_646 = arith.muli %convert_element_type3A_645, %get3A_6 : vector<16xi32>
    %sub3A_647 = arith.subi %add3A_642, %mul3A_646 : vector<16xi32>
    %lt3A_648 = arith.constant 0 : i32
    %lt3A_649 = vector.broadcast %lt3A_648 : i32 to vector<16xi32>
    %lt3A_650 = arith.cmpi slt, %sub3A_647, %lt3A_649 : vector<16xi32>
    %add3A_651 = arith.addi %sub3A_647, %get3A_6 : vector<16xi32>
    %select_n3A_652 = arith.select %lt3A_650, %add3A_651, %sub3A_647 : vector<16xi1>, vector<16xi32>
    %ge3A_653 = arith.cmpi sge, %select_n3A_652, %get3A_6 : vector<16xi32>
    %sub3A_654 = arith.subi %select_n3A_652, %get3A_6 : vector<16xi32>
    %select_n3A_655 = arith.select %ge3A_653, %sub3A_654, %select_n3A_652 : vector<16xi1>, vector<16xi32>
    %swap3A_656 = arith.constant 3 : i32
    %swap3A_657 = arith.index_cast %swap3A_656 : i32 to index
    %swap3A_658 = arith.constant 80 : index
    %swap3A_659 = tpu.vector_load %arg8[%swap3A_657, %swap3A_658] {strides = array<i32>} : memref<5x128xi32, #tpu.memory_space<vmem>>, vector<1x16xi32>,
    %swap3A_660 = vector.shape_cast %swap3A_659 : vector<1x16xi32> to vector<16xi32>
    %swap3A_661 = vector.shape_cast %select_n3A_655 : vector<16xi32> to vector<1x16xi32>
    tpu.vector_store %arg8[%swap3A_657, %swap3A_658], %swap3A_661 {strides = array<i32>} : memref<5x128xi32, #tpu.memory_space<vmem>>, vector<1x16xi32>,
    %add3A_662 = arith.constant 480 : i32
    %add3A_663 = vector.broadcast %add3A_662 : i32 to vector<16xi32>
    %add3A_664 = arith.addi %add3A_663, %iota3A : vector<16xi32>
    %convert_element_type3A_665 = arith.sitofp %add3A_664 : vector<16xi32> to vector<16xf32>
    %div3A_666 = arith.divf %convert_element_type3A_665, %convert_element_type3A_7 : vector<16xf32>
    %convert_element_type3A_667 = arith.fptosi %div3A_666 : vector<16xf32> to vector<16xi32>
    %mul3A_668 = arith.muli %convert_element_type3A_667, %get3A_6 : vector<16xi32>
    %sub3A_669 = arith.subi %add3A_664, %mul3A_668 : vector<16xi32>
    %lt3A_670 = arith.constant 0 : i32
    %lt3A_671 = vector.broadcast %lt3A_670 : i32 to vector<16xi32>
    %lt3A_672 = arith.cmpi slt, %sub3A_669, %lt3A_671 : vector<16xi32>
    %add3A_673 = arith.addi %sub3A_669, %get3A_6 : vector<16xi32>
    %select_n3A_674 = arith.select %lt3A_672, %add3A_673, %sub3A_669 : vector<16xi1>, vector<16xi32>
    %ge3A_675 = arith.cmpi sge, %select_n3A_674, %get3A_6 : vector<16xi32>
    %sub3A_676 = arith.subi %select_n3A_674, %get3A_6 : vector<16xi32>
    %select_n3A_677 = arith.select %ge3A_675, %sub3A_676, %select_n3A_674 : vector<16xi1>, vector<16xi32>
    %swap3A_678 = arith.constant 3 : i32
    %swap3A_679 = arith.index_cast %swap3A_678 : i32 to index
    %swap3A_680 = arith.constant 96 : index
    %swap3A_681 = tpu.vector_load %arg8[%swap3A_679, %swap3A_680] {strides = array<i32>} : memref<5x128xi32, #tpu.memory_space<vmem>>, vector<1x16xi32>,
    %swap3A_682 = vector.shape_cast %swap3A_681 : vector<1x16xi32> to vector<16xi32>
    %swap3A_683 = vector.shape_cast %select_n3A_677 : vector<16xi32> to vector<1x16xi32>
    tpu.vector_store %arg8[%swap3A_679, %swap3A_680], %swap3A_683 {strides = array<i32>} : memref<5x128xi32, #tpu.memory_space<vmem>>, vector<1x16xi32>,
    %add3A_684 = arith.constant 496 : i32
    %add3A_685 = vector.broadcast %add3A_684 : i32 to vector<16xi32>
    %add3A_686 = arith.addi %add3A_685, %iota3A : vector<16xi32>
    %convert_element_type3A_687 = arith.sitofp %add3A_686 : vector<16xi32> to vector<16xf32>
    %div3A_688 = arith.divf %convert_element_type3A_687, %convert_element_type3A_7 : vector<16xf32>
    %convert_element_type3A_689 = arith.fptosi %div3A_688 : vector<16xf32> to vector<16xi32>
    %mul3A_690 = arith.muli %convert_element_type3A_689, %get3A_6 : vector<16xi32>
    %sub3A_691 = arith.subi %add3A_686, %mul3A_690 : vector<16xi32>
    %lt3A_692 = arith.constant 0 : i32
    %lt3A_693 = vector.broadcast %lt3A_692 : i32 to vector<16xi32>
    %lt3A_694 = arith.cmpi slt, %sub3A_691, %lt3A_693 : vector<16xi32>
    %add3A_695 = arith.addi %sub3A_691, %get3A_6 : vector<16xi32>
    %select_n3A_696 = arith.select %lt3A_694, %add3A_695, %sub3A_691 : vector<16xi1>, vector<16xi32>
    %ge3A_697 = arith.cmpi sge, %select_n3A_696, %get3A_6 : vector<16xi32>
    %sub3A_698 = arith.subi %select_n3A_696, %get3A_6 : vector<16xi32>
    %select_n3A_699 = arith.select %ge3A_697, %sub3A_698, %select_n3A_696 : vector<16xi1>, vector<16xi32>
    %swap3A_700 = arith.constant 3 : i32
    %swap3A_701 = arith.index_cast %swap3A_700 : i32 to index
    %swap3A_702 = arith.constant 112 : index
    %swap3A_703 = tpu.vector_load %arg8[%swap3A_701, %swap3A_702] {strides = array<i32>} : memref<5x128xi32, #tpu.memory_space<vmem>>, vector<1x16xi32>,
    %swap3A_704 = vector.shape_cast %swap3A_703 : vector<1x16xi32> to vector<16xi32>
    %swap3A_705 = vector.shape_cast %select_n3A_699 : vector<16xi32> to vector<1x16xi32>
    tpu.vector_store %arg8[%swap3A_701, %swap3A_702], %swap3A_705 {strides = array<i32>} : memref<5x128xi32, #tpu.memory_space<vmem>>, vector<1x16xi32>,
    %add3A_706 = arith.constant 512 : i32
    %add3A_707 = vector.broadcast %add3A_706 : i32 to vector<16xi32>
    %add3A_708 = arith.addi %add3A_707, %iota3A : vector<16xi32>
    %convert_element_type3A_709 = arith.sitofp %add3A_708 : vector<16xi32> to vector<16xf32>
    %div3A_710 = arith.divf %convert_element_type3A_709, %convert_element_type3A_7 : vector<16xf32>
    %convert_element_type3A_711 = arith.fptosi %div3A_710 : vector<16xf32> to vector<16xi32>
    %mul3A_712 = arith.muli %convert_element_type3A_711, %get3A_6 : vector<16xi32>
    %sub3A_713 = arith.subi %add3A_708, %mul3A_712 : vector<16xi32>
    %lt3A_714 = arith.constant 0 : i32
    %lt3A_715 = vector.broadcast %lt3A_714 : i32 to vector<16xi32>
    %lt3A_716 = arith.cmpi slt, %sub3A_713, %lt3A_715 : vector<16xi32>
    %add3A_717 = arith.addi %sub3A_713, %get3A_6 : vector<16xi32>
    %select_n3A_718 = arith.select %lt3A_716, %add3A_717, %sub3A_713 : vector<16xi1>, vector<16xi32>
    %ge3A_719 = arith.cmpi sge, %select_n3A_718, %get3A_6 : vector<16xi32>
    %sub3A_720 = arith.subi %select_n3A_718, %get3A_6 : vector<16xi32>
    %select_n3A_721 = arith.select %ge3A_719, %sub3A_720, %select_n3A_718 : vector<16xi1>, vector<16xi32>
    %swap3A_722 = arith.constant 4 : i32
    %swap3A_723 = arith.index_cast %swap3A_722 : i32 to index
    %swap3A_724 = arith.constant 0 : index
    %swap3A_725 = tpu.vector_load %arg8[%swap3A_723, %swap3A_724] {strides = array<i32>} : memref<5x128xi32, #tpu.memory_space<vmem>>, vector<1x16xi32>,
    %swap3A_726 = vector.shape_cast %swap3A_725 : vector<1x16xi32> to vector<16xi32>
    %swap3A_727 = vector.shape_cast %select_n3A_721 : vector<16xi32> to vector<1x16xi32>
    tpu.vector_store %arg8[%swap3A_723, %swap3A_724], %swap3A_727 {strides = array<i32>} : memref<5x128xi32, #tpu.memory_space<vmem>>, vector<1x16xi32>,
    %add3A_728 = arith.constant 528 : i32
    %add3A_729 = vector.broadcast %add3A_728 : i32 to vector<16xi32>
    %add3A_730 = arith.addi %add3A_729, %iota3A : vector<16xi32>
    %convert_element_type3A_731 = arith.sitofp %add3A_730 : vector<16xi32> to vector<16xf32>
    %div3A_732 = arith.divf %convert_element_type3A_731, %convert_element_type3A_7 : vector<16xf32>
    %convert_element_type3A_733 = arith.fptosi %div3A_732 : vector<16xf32> to vector<16xi32>
    %mul3A_734 = arith.muli %convert_element_type3A_733, %get3A_6 : vector<16xi32>
    %sub3A_735 = arith.subi %add3A_730, %mul3A_734 : vector<16xi32>
    %lt3A_736 = arith.constant 0 : i32
    %lt3A_737 = vector.broadcast %lt3A_736 : i32 to vector<16xi32>
    %lt3A_738 = arith.cmpi slt, %sub3A_735, %lt3A_737 : vector<16xi32>
    %add3A_739 = arith.addi %sub3A_735, %get3A_6 : vector<16xi32>
    %select_n3A_740 = arith.select %lt3A_738, %add3A_739, %sub3A_735 : vector<16xi1>, vector<16xi32>
    %ge3A_741 = arith.cmpi sge, %select_n3A_740, %get3A_6 : vector<16xi32>
    %sub3A_742 = arith.subi %select_n3A_740, %get3A_6 : vector<16xi32>
    %select_n3A_743 = arith.select %ge3A_741, %sub3A_742, %select_n3A_740 : vector<16xi1>, vector<16xi32>
    %swap3A_744 = arith.constant 4 : i32
    %swap3A_745 = arith.index_cast %swap3A_744 : i32 to index
    %swap3A_746 = arith.constant 16 : index
    %swap3A_747 = tpu.vector_load %arg8[%swap3A_745, %swap3A_746] {strides = array<i32>} : memref<5x128xi32, #tpu.memory_space<vmem>>, vector<1x16xi32>,
    %swap3A_748 = vector.shape_cast %swap3A_747 : vector<1x16xi32> to vector<16xi32>
    %swap3A_749 = vector.shape_cast %select_n3A_743 : vector<16xi32> to vector<1x16xi32>
    tpu.vector_store %arg8[%swap3A_745, %swap3A_746], %swap3A_749 {strides = array<i32>} : memref<5x128xi32, #tpu.memory_space<vmem>>, vector<1x16xi32>,
    %add3A_750 = arith.constant 544 : i32
    %add3A_751 = vector.broadcast %add3A_750 : i32 to vector<16xi32>
    %add3A_752 = arith.addi %add3A_751, %iota3A : vector<16xi32>
    %convert_element_type3A_753 = arith.sitofp %add3A_752 : vector<16xi32> to vector<16xf32>
    %div3A_754 = arith.divf %convert_element_type3A_753, %convert_element_type3A_7 : vector<16xf32>
    %convert_element_type3A_755 = arith.fptosi %div3A_754 : vector<16xf32> to vector<16xi32>
    %mul3A_756 = arith.muli %convert_element_type3A_755, %get3A_6 : vector<16xi32>
    %sub3A_757 = arith.subi %add3A_752, %mul3A_756 : vector<16xi32>
    %lt3A_758 = arith.constant 0 : i32
    %lt3A_759 = vector.broadcast %lt3A_758 : i32 to vector<16xi32>
    %lt3A_760 = arith.cmpi slt, %sub3A_757, %lt3A_759 : vector<16xi32>
    %add3A_761 = arith.addi %sub3A_757, %get3A_6 : vector<16xi32>
    %select_n3A_762 = arith.select %lt3A_760, %add3A_761, %sub3A_757 : vector<16xi1>, vector<16xi32>
    %ge3A_763 = arith.cmpi sge, %select_n3A_762, %get3A_6 : vector<16xi32>
    %sub3A_764 = arith.subi %select_n3A_762, %get3A_6 : vector<16xi32>
    %select_n3A_765 = arith.select %ge3A_763, %sub3A_764, %select_n3A_762 : vector<16xi1>, vector<16xi32>
    %swap3A_766 = arith.constant 4 : i32
    %swap3A_767 = arith.index_cast %swap3A_766 : i32 to index
    %swap3A_768 = arith.constant 32 : index
    %swap3A_769 = tpu.vector_load %arg8[%swap3A_767, %swap3A_768] {strides = array<i32>} : memref<5x128xi32, #tpu.memory_space<vmem>>, vector<1x16xi32>,
    %swap3A_770 = vector.shape_cast %swap3A_769 : vector<1x16xi32> to vector<16xi32>
    %swap3A_771 = vector.shape_cast %select_n3A_765 : vector<16xi32> to vector<1x16xi32>
    tpu.vector_store %arg8[%swap3A_767, %swap3A_768], %swap3A_771 {strides = array<i32>} : memref<5x128xi32, #tpu.memory_space<vmem>>, vector<1x16xi32>,
    %add3A_772 = arith.constant 560 : i32
    %add3A_773 = vector.broadcast %add3A_772 : i32 to vector<16xi32>
    %add3A_774 = arith.addi %add3A_773, %iota3A : vector<16xi32>
    %convert_element_type3A_775 = arith.sitofp %add3A_774 : vector<16xi32> to vector<16xf32>
    %div3A_776 = arith.divf %convert_element_type3A_775, %convert_element_type3A_7 : vector<16xf32>
    %convert_element_type3A_777 = arith.fptosi %div3A_776 : vector<16xf32> to vector<16xi32>
    %mul3A_778 = arith.muli %convert_element_type3A_777, %get3A_6 : vector<16xi32>
    %sub3A_779 = arith.subi %add3A_774, %mul3A_778 : vector<16xi32>
    %lt3A_780 = arith.constant 0 : i32
    %lt3A_781 = vector.broadcast %lt3A_780 : i32 to vector<16xi32>
    %lt3A_782 = arith.cmpi slt, %sub3A_779, %lt3A_781 : vector<16xi32>
    %add3A_783 = arith.addi %sub3A_779, %get3A_6 : vector<16xi32>
    %select_n3A_784 = arith.select %lt3A_782, %add3A_783, %sub3A_779 : vector<16xi1>, vector<16xi32>
    %ge3A_785 = arith.cmpi sge, %select_n3A_784, %get3A_6 : vector<16xi32>
    %sub3A_786 = arith.subi %select_n3A_784, %get3A_6 : vector<16xi32>
    %select_n3A_787 = arith.select %ge3A_785, %sub3A_786, %select_n3A_784 : vector<16xi1>, vector<16xi32>
    %swap3A_788 = arith.constant 4 : i32
    %swap3A_789 = arith.index_cast %swap3A_788 : i32 to index
    %swap3A_790 = arith.constant 48 : index
    %swap3A_791 = tpu.vector_load %arg8[%swap3A_789, %swap3A_790] {strides = array<i32>} : memref<5x128xi32, #tpu.memory_space<vmem>>, vector<1x16xi32>,
    %swap3A_792 = vector.shape_cast %swap3A_791 : vector<1x16xi32> to vector<16xi32>
    %swap3A_793 = vector.shape_cast %select_n3A_787 : vector<16xi32> to vector<1x16xi32>
    tpu.vector_store %arg8[%swap3A_789, %swap3A_790], %swap3A_793 {strides = array<i32>} : memref<5x128xi32, #tpu.memory_space<vmem>>, vector<1x16xi32>,
    %add3A_794 = arith.constant 576 : i32
    %add3A_795 = vector.broadcast %add3A_794 : i32 to vector<16xi32>
    %add3A_796 = arith.addi %add3A_795, %iota3A : vector<16xi32>
    %convert_element_type3A_797 = arith.sitofp %add3A_796 : vector<16xi32> to vector<16xf32>
    %div3A_798 = arith.divf %convert_element_type3A_797, %convert_element_type3A_7 : vector<16xf32>
    %convert_element_type3A_799 = arith.fptosi %div3A_798 : vector<16xf32> to vector<16xi32>
    %mul3A_800 = arith.muli %convert_element_type3A_799, %get3A_6 : vector<16xi32>
    %sub3A_801 = arith.subi %add3A_796, %mul3A_800 : vector<16xi32>
    %lt3A_802 = arith.constant 0 : i32
    %lt3A_803 = vector.broadcast %lt3A_802 : i32 to vector<16xi32>
    %lt3A_804 = arith.cmpi slt, %sub3A_801, %lt3A_803 : vector<16xi32>
    %add3A_805 = arith.addi %sub3A_801, %get3A_6 : vector<16xi32>
    %select_n3A_806 = arith.select %lt3A_804, %add3A_805, %sub3A_801 : vector<16xi1>, vector<16xi32>
    %ge3A_807 = arith.cmpi sge, %select_n3A_806, %get3A_6 : vector<16xi32>
    %sub3A_808 = arith.subi %select_n3A_806, %get3A_6 : vector<16xi32>
    %select_n3A_809 = arith.select %ge3A_807, %sub3A_808, %select_n3A_806 : vector<16xi1>, vector<16xi32>
    %swap3A_810 = arith.constant 4 : i32
    %swap3A_811 = arith.index_cast %swap3A_810 : i32 to index
    %swap3A_812 = arith.constant 64 : index
    %swap3A_813 = tpu.vector_load %arg8[%swap3A_811, %swap3A_812] {strides = array<i32>} : memref<5x128xi32, #tpu.memory_space<vmem>>, vector<1x16xi32>,
    %swap3A_814 = vector.shape_cast %swap3A_813 : vector<1x16xi32> to vector<16xi32>
    %swap3A_815 = vector.shape_cast %select_n3A_809 : vector<16xi32> to vector<1x16xi32>
    tpu.vector_store %arg8[%swap3A_811, %swap3A_812], %swap3A_815 {strides = array<i32>} : memref<5x128xi32, #tpu.memory_space<vmem>>, vector<1x16xi32>,
    %add3A_816 = arith.constant 592 : i32
    %add3A_817 = vector.broadcast %add3A_816 : i32 to vector<16xi32>
    %add3A_818 = arith.addi %add3A_817, %iota3A : vector<16xi32>
    %convert_element_type3A_819 = arith.sitofp %add3A_818 : vector<16xi32> to vector<16xf32>
    %div3A_820 = arith.divf %convert_element_type3A_819, %convert_element_type3A_7 : vector<16xf32>
    %convert_element_type3A_821 = arith.fptosi %div3A_820 : vector<16xf32> to vector<16xi32>
    %mul3A_822 = arith.muli %convert_element_type3A_821, %get3A_6 : vector<16xi32>
    %sub3A_823 = arith.subi %add3A_818, %mul3A_822 : vector<16xi32>
    %lt3A_824 = arith.constant 0 : i32
    %lt3A_825 = vector.broadcast %lt3A_824 : i32 to vector<16xi32>
    %lt3A_826 = arith.cmpi slt, %sub3A_823, %lt3A_825 : vector<16xi32>
    %add3A_827 = arith.addi %sub3A_823, %get3A_6 : vector<16xi32>
    %select_n3A_828 = arith.select %lt3A_826, %add3A_827, %sub3A_823 : vector<16xi1>, vector<16xi32>
    %ge3A_829 = arith.cmpi sge, %select_n3A_828, %get3A_6 : vector<16xi32>
    %sub3A_830 = arith.subi %select_n3A_828, %get3A_6 : vector<16xi32>
    %select_n3A_831 = arith.select %ge3A_829, %sub3A_830, %select_n3A_828 : vector<16xi1>, vector<16xi32>
    %swap3A_832 = arith.constant 4 : i32
    %swap3A_833 = arith.index_cast %swap3A_832 : i32 to index
    %swap3A_834 = arith.constant 80 : index
    %swap3A_835 = tpu.vector_load %arg8[%swap3A_833, %swap3A_834] {strides = array<i32>} : memref<5x128xi32, #tpu.memory_space<vmem>>, vector<1x16xi32>,
    %swap3A_836 = vector.shape_cast %swap3A_835 : vector<1x16xi32> to vector<16xi32>
    %swap3A_837 = vector.shape_cast %select_n3A_831 : vector<16xi32> to vector<1x16xi32>
    tpu.vector_store %arg8[%swap3A_833, %swap3A_834], %swap3A_837 {strides = array<i32>} : memref<5x128xi32, #tpu.memory_space<vmem>>, vector<1x16xi32>,
    %add3A_838 = arith.constant 608 : i32
    %add3A_839 = vector.broadcast %add3A_838 : i32 to vector<16xi32>
    %add3A_840 = arith.addi %add3A_839, %iota3A : vector<16xi32>
    %convert_element_type3A_841 = arith.sitofp %add3A_840 : vector<16xi32> to vector<16xf32>
    %div3A_842 = arith.divf %convert_element_type3A_841, %convert_element_type3A_7 : vector<16xf32>
    %convert_element_type3A_843 = arith.fptosi %div3A_842 : vector<16xf32> to vector<16xi32>
    %mul3A_844 = arith.muli %convert_element_type3A_843, %get3A_6 : vector<16xi32>
    %sub3A_845 = arith.subi %add3A_840, %mul3A_844 : vector<16xi32>
    %lt3A_846 = arith.constant 0 : i32
    %lt3A_847 = vector.broadcast %lt3A_846 : i32 to vector<16xi32>
    %lt3A_848 = arith.cmpi slt, %sub3A_845, %lt3A_847 : vector<16xi32>
    %add3A_849 = arith.addi %sub3A_845, %get3A_6 : vector<16xi32>
    %select_n3A_850 = arith.select %lt3A_848, %add3A_849, %sub3A_845 : vector<16xi1>, vector<16xi32>
    %ge3A_851 = arith.cmpi sge, %select_n3A_850, %get3A_6 : vector<16xi32>
    %sub3A_852 = arith.subi %select_n3A_850, %get3A_6 : vector<16xi32>
    %select_n3A_853 = arith.select %ge3A_851, %sub3A_852, %select_n3A_850 : vector<16xi1>, vector<16xi32>
    %swap3A_854 = arith.constant 4 : i32
    %swap3A_855 = arith.index_cast %swap3A_854 : i32 to index
    %swap3A_856 = arith.constant 96 : index
    %swap3A_857 = tpu.vector_load %arg8[%swap3A_855, %swap3A_856] {strides = array<i32>} : memref<5x128xi32, #tpu.memory_space<vmem>>, vector<1x16xi32>,
    %swap3A_858 = vector.shape_cast %swap3A_857 : vector<1x16xi32> to vector<16xi32>
    %swap3A_859 = vector.shape_cast %select_n3A_853 : vector<16xi32> to vector<1x16xi32>
    tpu.vector_store %arg8[%swap3A_855, %swap3A_856], %swap3A_859 {strides = array<i32>} : memref<5x128xi32, #tpu.memory_space<vmem>>, vector<1x16xi32>,
    %add3A_860 = arith.constant 624 : i32
    %add3A_861 = vector.broadcast %add3A_860 : i32 to vector<16xi32>
    %add3A_862 = arith.addi %add3A_861, %iota3A : vector<16xi32>
    %convert_element_type3A_863 = arith.sitofp %add3A_862 : vector<16xi32> to vector<16xf32>
    %div3A_864 = arith.divf %convert_element_type3A_863, %convert_element_type3A_7 : vector<16xf32>
    %convert_element_type3A_865 = arith.fptosi %div3A_864 : vector<16xf32> to vector<16xi32>
    %mul3A_866 = arith.muli %convert_element_type3A_865, %get3A_6 : vector<16xi32>
    %sub3A_867 = arith.subi %add3A_862, %mul3A_866 : vector<16xi32>
    %lt3A_868 = arith.constant 0 : i32
    %lt3A_869 = vector.broadcast %lt3A_868 : i32 to vector<16xi32>
    %lt3A_870 = arith.cmpi slt, %sub3A_867, %lt3A_869 : vector<16xi32>
    %add3A_871 = arith.addi %sub3A_867, %get3A_6 : vector<16xi32>
    %select_n3A_872 = arith.select %lt3A_870, %add3A_871, %sub3A_867 : vector<16xi1>, vector<16xi32>
    %ge3A_873 = arith.cmpi sge, %select_n3A_872, %get3A_6 : vector<16xi32>
    %sub3A_874 = arith.subi %select_n3A_872, %get3A_6 : vector<16xi32>
    %select_n3A_875 = arith.select %ge3A_873, %sub3A_874, %select_n3A_872 : vector<16xi1>, vector<16xi32>
    %swap3A_876 = arith.constant 4 : i32
    %swap3A_877 = arith.index_cast %swap3A_876 : i32 to index
    %swap3A_878 = arith.constant 112 : index
    %swap3A_879 = tpu.vector_load %arg8[%swap3A_877, %swap3A_878] {strides = array<i32>} : memref<5x128xi32, #tpu.memory_space<vmem>>, vector<1x16xi32>,
    %swap3A_880 = vector.shape_cast %swap3A_879 : vector<1x16xi32> to vector<16xi32>
    %swap3A_881 = vector.shape_cast %select_n3A_875 : vector<16xi32> to vector<1x16xi32>
    tpu.vector_store %arg8[%swap3A_877, %swap3A_878], %swap3A_881 {strides = array<i32>} : memref<5x128xi32, #tpu.memory_space<vmem>>, vector<1x16xi32>,
    %dma_start3A = arith.constant 0 : i32
    %dma_start3A_882 = arith.constant 0 : i32
    %dma_start3A_883 = arith.constant 0 : i32
    %dma_start3A_884 = tpu.memref_slice %arg10[%dma_start3A_882, %dma_start3A_883] : memref<640x64xf32, #tpu.memory_space<vmem>> -> memref<128x64xf32, #tpu.memory_space<vmem>>
    %dma_start3A_885 = arith.constant 0 : i32
    %dma_start3A_886 = tpu.memref_slice %arg8[%dma_start3A, %dma_start3A_885] : memref<5x128xi32, #tpu.memory_space<vmem>> -> memref<1x128xi32, #tpu.memory_space<vmem>>
    %dma_start3A_887 = tpu.memref_squeeze %dma_start3A_886 : memref<1x128xi32, #tpu.memory_space<vmem>> -> memref<128xi32, #tpu.memory_space<vmem>>
    %dma_start3A_888 = arith.constant 0 : i32
    %dma_start3A_889 = arith.constant 0 : i32
    %dma_start3A_890 = tpu.memref_slice %arg4[%dma_start3A_888, %dma_start3A_889] : memref<100x64xf32, #tpu.memory_space<hbm>> -> memref<100x64xf32, #tpu.memory_space<hbm>>
    tpu.enqueue_indirect_dma source(%dma_start3A_890 : memref<100x64xf32, #tpu.memory_space<hbm>>) target(%dma_start3A_884 : memref<128x64xf32, #tpu.memory_space<vmem>>) offsets(%dma_start3A_887 : memref<128xi32, #tpu.memory_space<vmem>>) semaphore(%arg16 : memref<!tpu.dma_semaphore, #tpu.memory_space<semaphore_mem>>)
    %dma_start3A_891 = arith.constant 1 : i32
    %dma_start3A_892 = arith.constant 128 : i32
    %dma_start3A_893 = arith.constant 0 : i32
    %dma_start3A_894 = tpu.memref_slice %arg10[%dma_start3A_892, %dma_start3A_893] : memref<640x64xf32, #tpu.memory_space<vmem>> -> memref<128x64xf32, #tpu.memory_space<vmem>>
    %dma_start3A_895 = arith.constant 0 : i32
    %dma_start3A_896 = tpu.memref_slice %arg8[%dma_start3A_891, %dma_start3A_895] : memref<5x128xi32, #tpu.memory_space<vmem>> -> memref<1x128xi32, #tpu.memory_space<vmem>>
    %dma_start3A_897 = tpu.memref_squeeze %dma_start3A_896 : memref<1x128xi32, #tpu.memory_space<vmem>> -> memref<128xi32, #tpu.memory_space<vmem>>
    %dma_start3A_898 = arith.constant 0 : i32
    %dma_start3A_899 = arith.constant 0 : i32
    %dma_start3A_900 = tpu.memref_slice %arg4[%dma_start3A_898, %dma_start3A_899] : memref<100x64xf32, #tpu.memory_space<hbm>> -> memref<100x64xf32, #tpu.memory_space<hbm>>
    tpu.enqueue_indirect_dma source(%dma_start3A_900 : memref<100x64xf32, #tpu.memory_space<hbm>>) target(%dma_start3A_894 : memref<128x64xf32, #tpu.memory_space<vmem>>) offsets(%dma_start3A_897 : memref<128xi32, #tpu.memory_space<vmem>>) semaphore(%arg16 : memref<!tpu.dma_semaphore, #tpu.memory_space<semaphore_mem>>)
    %dma_start3A_901 = arith.constant 2 : i32
    %dma_start3A_902 = arith.constant 256 : i32
    %dma_start3A_903 = arith.constant 0 : i32
    %dma_start3A_904 = tpu.memref_slice %arg10[%dma_start3A_902, %dma_start3A_903] : memref<640x64xf32, #tpu.memory_space<vmem>> -> memref<128x64xf32, #tpu.memory_space<vmem>>
    %dma_start3A_905 = arith.constant 0 : i32
    %dma_start3A_906 = tpu.memref_slice %arg8[%dma_start3A_901, %dma_start3A_905] : memref<5x128xi32, #tpu.memory_space<vmem>> -> memref<1x128xi32, #tpu.memory_space<vmem>>
    %dma_start3A_907 = tpu.memref_squeeze %dma_start3A_906 : memref<1x128xi32, #tpu.memory_space<vmem>> -> memref<128xi32, #tpu.memory_space<vmem>>
    %dma_start3A_908 = arith.constant 0 : i32
    %dma_start3A_909 = arith.constant 0 : i32
    %dma_start3A_910 = tpu.memref_slice %arg4[%dma_start3A_908, %dma_start3A_909] : memref<100x64xf32, #tpu.memory_space<hbm>> -> memref<100x64xf32, #tpu.memory_space<hbm>>
    tpu.enqueue_indirect_dma source(%dma_start3A_910 : memref<100x64xf32, #tpu.memory_space<hbm>>) target(%dma_start3A_904 : memref<128x64xf32, #tpu.memory_space<vmem>>) offsets(%dma_start3A_907 : memref<128xi32, #tpu.memory_space<vmem>>) semaphore(%arg16 : memref<!tpu.dma_semaphore, #tpu.memory_space<semaphore_mem>>)
    %dma_start3A_911 = arith.constant 3 : i32
    %dma_start3A_912 = arith.constant 384 : i32
    %dma_start3A_913 = arith.constant 0 : i32
    %dma_start3A_914 = tpu.memref_slice %arg10[%dma_start3A_912, %dma_start3A_913] : memref<640x64xf32, #tpu.memory_space<vmem>> -> memref<128x64xf32, #tpu.memory_space<vmem>>
    %dma_start3A_915 = arith.constant 0 : i32
    %dma_start3A_916 = tpu.memref_slice %arg8[%dma_start3A_911, %dma_start3A_915] : memref<5x128xi32, #tpu.memory_space<vmem>> -> memref<1x128xi32, #tpu.memory_space<vmem>>
    %dma_start3A_917 = tpu.memref_squeeze %dma_start3A_916 : memref<1x128xi32, #tpu.memory_space<vmem>> -> memref<128xi32, #tpu.memory_space<vmem>>
    %dma_start3A_918 = arith.constant 0 : i32
    %dma_start3A_919 = arith.constant 0 : i32
    %dma_start3A_920 = tpu.memref_slice %arg4[%dma_start3A_918, %dma_start3A_919] : memref<100x64xf32, #tpu.memory_space<hbm>> -> memref<100x64xf32, #tpu.memory_space<hbm>>
    tpu.enqueue_indirect_dma source(%dma_start3A_920 : memref<100x64xf32, #tpu.memory_space<hbm>>) target(%dma_start3A_914 : memref<128x64xf32, #tpu.memory_space<vmem>>) offsets(%dma_start3A_917 : memref<128xi32, #tpu.memory_space<vmem>>) semaphore(%arg16 : memref<!tpu.dma_semaphore, #tpu.memory_space<semaphore_mem>>)
    %dma_start3A_921 = arith.constant 4 : i32
    %dma_start3A_922 = arith.constant 512 : i32
    %dma_start3A_923 = arith.constant 0 : i32
    %dma_start3A_924 = tpu.memref_slice %arg10[%dma_start3A_922, %dma_start3A_923] : memref<640x64xf32, #tpu.memory_space<vmem>> -> memref<128x64xf32, #tpu.memory_space<vmem>>
    %dma_start3A_925 = arith.constant 0 : i32
    %dma_start3A_926 = tpu.memref_slice %arg8[%dma_start3A_921, %dma_start3A_925] : memref<5x128xi32, #tpu.memory_space<vmem>> -> memref<1x128xi32, #tpu.memory_space<vmem>>
    %dma_start3A_927 = tpu.memref_squeeze %dma_start3A_926 : memref<1x128xi32, #tpu.memory_space<vmem>> -> memref<128xi32, #tpu.memory_space<vmem>>
    %dma_start3A_928 = arith.constant 0 : i32
    %dma_start3A_929 = arith.constant 0 : i32
    %dma_start3A_930 = tpu.memref_slice %arg4[%dma_start3A_928, %dma_start3A_929] : memref<100x64xf32, #tpu.memory_space<hbm>> -> memref<100x64xf32, #tpu.memory_space<hbm>>
    tpu.enqueue_indirect_dma source(%dma_start3A_930 : memref<100x64xf32, #tpu.memory_space<hbm>>) target(%dma_start3A_924 : memref<128x64xf32, #tpu.memory_space<vmem>>) offsets(%dma_start3A_927 : memref<128xi32, #tpu.memory_space<vmem>>) semaphore(%arg16 : memref<!tpu.dma_semaphore, #tpu.memory_space<semaphore_mem>>)
    %dma_wait3A = arith.constant 0 : i32
    %dma_wait3A_931 = arith.constant 0 : i32
    %dma_wait3A_932 = arith.constant 0 : i32
    %dma_wait3A_933 = tpu.memref_slice %arg10[%dma_wait3A_931, %dma_wait3A_932] : memref<640x64xf32, #tpu.memory_space<vmem>> -> memref<128x64xf32, #tpu.memory_space<vmem>>
    %dma_wait3A_934 = arith.constant 0 : i32
    %dma_wait3A_935 = tpu.memref_slice %arg8[%dma_wait3A, %dma_wait3A_934] : memref<5x128xi32, #tpu.memory_space<vmem>> -> memref<1x128xi32, #tpu.memory_space<vmem>>
    %dma_wait3A_936 = tpu.memref_squeeze %dma_wait3A_935 : memref<1x128xi32, #tpu.memory_space<vmem>> -> memref<128xi32, #tpu.memory_space<vmem>>
    %dma_wait3A_937 = arith.constant 0 : i32
    %dma_wait3A_938 = arith.constant 0 : i32
    %dma_wait3A_939 = tpu.memref_slice %arg4[%dma_wait3A_937, %dma_wait3A_938] : memref<100x64xf32, #tpu.memory_space<hbm>> -> memref<100x64xf32, #tpu.memory_space<hbm>>
    tpu.wait_indirect_dma semaphore(%arg16 : memref<!tpu.dma_semaphore, #tpu.memory_space<semaphore_mem>>) src(%dma_wait3A_939 : memref<100x64xf32, #tpu.memory_space<hbm>>) dst(%dma_wait3A_933 : memref<128x64xf32, #tpu.memory_space<vmem>>)
    %dma_wait3A_940 = arith.constant 1 : i32
    %dma_wait3A_941 = arith.constant 128 : i32
    %dma_wait3A_942 = arith.constant 0 : i32
    %dma_wait3A_943 = tpu.memref_slice %arg10[%dma_wait3A_941, %dma_wait3A_942] : memref<640x64xf32, #tpu.memory_space<vmem>> -> memref<128x64xf32, #tpu.memory_space<vmem>>
    %dma_wait3A_944 = arith.constant 0 : i32
    %dma_wait3A_945 = tpu.memref_slice %arg8[%dma_wait3A_940, %dma_wait3A_944] : memref<5x128xi32, #tpu.memory_space<vmem>> -> memref<1x128xi32, #tpu.memory_space<vmem>>
    %dma_wait3A_946 = tpu.memref_squeeze %dma_wait3A_945 : memref<1x128xi32, #tpu.memory_space<vmem>> -> memref<128xi32, #tpu.memory_space<vmem>>
    %dma_wait3A_947 = arith.constant 0 : i32
    %dma_wait3A_948 = arith.constant 0 : i32
    %dma_wait3A_949 = tpu.memref_slice %arg4[%dma_wait3A_947, %dma_wait3A_948] : memref<100x64xf32, #tpu.memory_space<hbm>> -> memref<100x64xf32, #tpu.memory_space<hbm>>
    tpu.wait_indirect_dma semaphore(%arg16 : memref<!tpu.dma_semaphore, #tpu.memory_space<semaphore_mem>>) src(%dma_wait3A_949 : memref<100x64xf32, #tpu.memory_space<hbm>>) dst(%dma_wait3A_943 : memref<128x64xf32, #tpu.memory_space<vmem>>)
    %dma_wait3A_950 = arith.constant 2 : i32
    %dma_wait3A_951 = arith.constant 256 : i32
    %dma_wait3A_952 = arith.constant 0 : i32
    %dma_wait3A_953 = tpu.memref_slice %arg10[%dma_wait3A_951, %dma_wait3A_952] : memref<640x64xf32, #tpu.memory_space<vmem>> -> memref<128x64xf32, #tpu.memory_space<vmem>>
    %dma_wait3A_954 = arith.constant 0 : i32
    %dma_wait3A_955 = tpu.memref_slice %arg8[%dma_wait3A_950, %dma_wait3A_954] : memref<5x128xi32, #tpu.memory_space<vmem>> -> memref<1x128xi32, #tpu.memory_space<vmem>>
    %dma_wait3A_956 = tpu.memref_squeeze %dma_wait3A_955 : memref<1x128xi32, #tpu.memory_space<vmem>> -> memref<128xi32, #tpu.memory_space<vmem>>
    %dma_wait3A_957 = arith.constant 0 : i32
    %dma_wait3A_958 = arith.constant 0 : i32
    %dma_wait3A_959 = tpu.memref_slice %arg4[%dma_wait3A_957, %dma_wait3A_958] : memref<100x64xf32, #tpu.memory_space<hbm>> -> memref<100x64xf32, #tpu.memory_space<hbm>>
    tpu.wait_indirect_dma semaphore(%arg16 : memref<!tpu.dma_semaphore, #tpu.memory_space<semaphore_mem>>) src(%dma_wait3A_959 : memref<100x64xf32, #tpu.memory_space<hbm>>) dst(%dma_wait3A_953 : memref<128x64xf32, #tpu.memory_space<vmem>>)
    %dma_wait3A_960 = arith.constant 3 : i32
    %dma_wait3A_961 = arith.constant 384 : i32
    %dma_wait3A_962 = arith.constant 0 : i32
    %dma_wait3A_963 = tpu.memref_slice %arg10[%dma_wait3A_961, %dma_wait3A_962] : memref<640x64xf32, #tpu.memory_space<vmem>> -> memref<128x64xf32, #tpu.memory_space<vmem>>
    %dma_wait3A_964 = arith.constant 0 : i32
    %dma_wait3A_965 = tpu.memref_slice %arg8[%dma_wait3A_960, %dma_wait3A_964] : memref<5x128xi32, #tpu.memory_space<vmem>> -> memref<1x128xi32, #tpu.memory_space<vmem>>
    %dma_wait3A_966 = tpu.memref_squeeze %dma_wait3A_965 : memref<1x128xi32, #tpu.memory_space<vmem>> -> memref<128xi32, #tpu.memory_space<vmem>>
    %dma_wait3A_967 = arith.constant 0 : i32
    %dma_wait3A_968 = arith.constant 0 : i32
    %dma_wait3A_969 = tpu.memref_slice %arg4[%dma_wait3A_967, %dma_wait3A_968] : memref<100x64xf32, #tpu.memory_space<hbm>> -> memref<100x64xf32, #tpu.memory_space<hbm>>
    tpu.wait_indirect_dma semaphore(%arg16 : memref<!tpu.dma_semaphore, #tpu.memory_space<semaphore_mem>>) src(%dma_wait3A_969 : memref<100x64xf32, #tpu.memory_space<hbm>>) dst(%dma_wait3A_963 : memref<128x64xf32, #tpu.memory_space<vmem>>)
    %dma_wait3A_970 = arith.constant 4 : i32
    %dma_wait3A_971 = arith.constant 512 : i32
    %dma_wait3A_972 = arith.constant 0 : i32
    %dma_wait3A_973 = tpu.memref_slice %arg10[%dma_wait3A_971, %dma_wait3A_972] : memref<640x64xf32, #tpu.memory_space<vmem>> -> memref<128x64xf32, #tpu.memory_space<vmem>>
    %dma_wait3A_974 = arith.constant 0 : i32
    %dma_wait3A_975 = tpu.memref_slice %arg8[%dma_wait3A_970, %dma_wait3A_974] : memref<5x128xi32, #tpu.memory_space<vmem>> -> memref<1x128xi32, #tpu.memory_space<vmem>>
    %dma_wait3A_976 = tpu.memref_squeeze %dma_wait3A_975 : memref<1x128xi32, #tpu.memory_space<vmem>> -> memref<128xi32, #tpu.memory_space<vmem>>
    %dma_wait3A_977 = arith.constant 0 : i32
    %dma_wait3A_978 = arith.constant 0 : i32
    %dma_wait3A_979 = tpu.memref_slice %arg4[%dma_wait3A_977, %dma_wait3A_978] : memref<100x64xf32, #tpu.memory_space<hbm>> -> memref<100x64xf32, #tpu.memory_space<hbm>>
    tpu.wait_indirect_dma semaphore(%arg16 : memref<!tpu.dma_semaphore, #tpu.memory_space<semaphore_mem>>) src(%dma_wait3A_979 : memref<100x64xf32, #tpu.memory_space<hbm>>) dst(%dma_wait3A_973 : memref<128x64xf32, #tpu.memory_space<vmem>>)
    %add3A_980 = arith.constant 0 : i32
    %add3A_981 = arith.addi %mul3A_2, %add3A_980 : i32
    %add3A_982 = arith.constant 0 : i32
    %add3A_983 = arith.addi %add3A_981, %add3A_982 : i32
    %dma_start3A_984 = arith.constant 0 : i32
    %dma_start3A_985 = arith.constant 0 : i32
    %dma_start3A_986 = arith.constant 0 : i32
    %dma_start3A_987 = arith.constant 0 : i32
    %dma_start3A_988 = tpu.memref_slice %arg7[%dma_start3A_984, %dma_start3A_985, %dma_start3A_987] : memref<2x4x128xi32, #tpu.memory_space<vmem>> -> memref<1x1x128xi32, #tpu.memory_space<vmem>>
    %dma_start3A_989 = tpu.memref_squeeze %dma_start3A_988 : memref<1x1x128xi32, #tpu.memory_space<vmem>> -> memref<128xi32, #tpu.memory_space<vmem>>
    %dma_start3A_990 = tpu.memref_slice %arg2[%add3A_983] : memref<327680xi32, #tpu.memory_space<hbm>> -> memref<128xi32, #tpu.memory_space<hbm>>
    %dma_start3A_991 = tpu.memref_slice %arg14[%dma_start3A_986] : memref<2x!tpu.dma_semaphore, #tpu.memory_space<semaphore_mem>> -> memref<1x!tpu.dma_semaphore, #tpu.memory_space<semaphore_mem>>
    %dma_start3A_992 = tpu.memref_squeeze %dma_start3A_991 : memref<1x!tpu.dma_semaphore, #tpu.memory_space<semaphore_mem>> -> memref<!tpu.dma_semaphore, #tpu.memory_space<semaphore_mem>>
    %dma_start3A_993 = arith.constant 0 : i32
    %dma_start3A_994 = tpu.memref_slice %arg7[%dma_start3A_984, %dma_start3A_985, %dma_start3A_993] : memref<2x4x128xi32, #tpu.memory_space<vmem>> -> memref<1x1x128xi32, #tpu.memory_space<vmem>>
    %dma_start3A_995 = tpu.memref_squeeze %dma_start3A_994 : memref<1x1x128xi32, #tpu.memory_space<vmem>> -> memref<128xi32, #tpu.memory_space<vmem>>
    %dma_start3A_996 = tpu.memref_slice %arg2[%add3A_983] : memref<327680xi32, #tpu.memory_space<hbm>> -> memref<128xi32, #tpu.memory_space<hbm>>
    tpu.enqueue_dma source(%dma_start3A_996 : memref<128xi32, #tpu.memory_space<hbm>>) target(%dma_start3A_995 : memref<128xi32, #tpu.memory_space<vmem>>) target_semaphore(%dma_start3A_992 : memref<!tpu.dma_semaphore, #tpu.memory_space<semaphore_mem>>)
    %add3A_997 = arith.constant 128 : i32
    %add3A_998 = arith.addi %add3A_981, %add3A_997 : i32
    %dma_start3A_999 = arith.constant 0 : i32
    %dma_start3A_1000 = arith.constant 1 : i32
    %dma_start3A_1001 = arith.constant 0 : i32
    %dma_start3A_1002 = arith.constant 0 : i32
    %dma_start3A_1003 = tpu.memref_slice %arg7[%dma_start3A_999, %dma_start3A_1000, %dma_start3A_1002] : memref<2x4x128xi32, #tpu.memory_space<vmem>> -> memref<1x1x128xi32, #tpu.memory_space<vmem>>
    %dma_start3A_1004 = tpu.memref_squeeze %dma_start3A_1003 : memref<1x1x128xi32, #tpu.memory_space<vmem>> -> memref<128xi32, #tpu.memory_space<vmem>>
    %dma_start3A_1005 = tpu.memref_slice %arg2[%add3A_998] : memref<327680xi32, #tpu.memory_space<hbm>> -> memref<128xi32, #tpu.memory_space<hbm>>
    %dma_start3A_1006 = tpu.memref_slice %arg14[%dma_start3A_1001] : memref<2x!tpu.dma_semaphore, #tpu.memory_space<semaphore_mem>> -> memref<1x!tpu.dma_semaphore, #tpu.memory_space<semaphore_mem>>
    %dma_start3A_1007 = tpu.memref_squeeze %dma_start3A_1006 : memref<1x!tpu.dma_semaphore, #tpu.memory_space<semaphore_mem>> -> memref<!tpu.dma_semaphore, #tpu.memory_space<semaphore_mem>>
    %dma_start3A_1008 = arith.constant 0 : i32
    %dma_start3A_1009 = tpu.memref_slice %arg7[%dma_start3A_999, %dma_start3A_1000, %dma_start3A_1008] : memref<2x4x128xi32, #tpu.memory_space<vmem>> -> memref<1x1x128xi32, #tpu.memory_space<vmem>>
    %dma_start3A_1010 = tpu.memref_squeeze %dma_start3A_1009 : memref<1x1x128xi32, #tpu.memory_space<vmem>> -> memref<128xi32, #tpu.memory_space<vmem>>
    %dma_start3A_1011 = tpu.memref_slice %arg2[%add3A_998] : memref<327680xi32, #tpu.memory_space<hbm>> -> memref<128xi32, #tpu.memory_space<hbm>>
    tpu.enqueue_dma source(%dma_start3A_1011 : memref<128xi32, #tpu.memory_space<hbm>>) target(%dma_start3A_1010 : memref<128xi32, #tpu.memory_space<vmem>>) target_semaphore(%dma_start3A_1007 : memref<!tpu.dma_semaphore, #tpu.memory_space<semaphore_mem>>)
    %add3A_1012 = arith.constant 256 : i32
    %add3A_1013 = arith.addi %add3A_981, %add3A_1012 : i32
    %dma_start3A_1014 = arith.constant 0 : i32
    %dma_start3A_1015 = arith.constant 2 : i32
    %dma_start3A_1016 = arith.constant 0 : i32
    %dma_start3A_1017 = arith.constant 0 : i32
    %dma_start3A_1018 = tpu.memref_slice %arg7[%dma_start3A_1014, %dma_start3A_1015, %dma_start3A_1017] : memref<2x4x128xi32, #tpu.memory_space<vmem>> -> memref<1x1x128xi32, #tpu.memory_space<vmem>>
    %dma_start3A_1019 = tpu.memref_squeeze %dma_start3A_1018 : memref<1x1x128xi32, #tpu.memory_space<vmem>> -> memref<128xi32, #tpu.memory_space<vmem>>
    %dma_start3A_1020 = tpu.memref_slice %arg2[%add3A_1013] : memref<327680xi32, #tpu.memory_space<hbm>> -> memref<128xi32, #tpu.memory_space<hbm>>
    %dma_start3A_1021 = tpu.memref_slice %arg14[%dma_start3A_1016] : memref<2x!tpu.dma_semaphore, #tpu.memory_space<semaphore_mem>> -> memref<1x!tpu.dma_semaphore, #tpu.memory_space<semaphore_mem>>
    %dma_start3A_1022 = tpu.memref_squeeze %dma_start3A_1021 : memref<1x!tpu.dma_semaphore, #tpu.memory_space<semaphore_mem>> -> memref<!tpu.dma_semaphore, #tpu.memory_space<semaphore_mem>>
    %dma_start3A_1023 = arith.constant 0 : i32
    %dma_start3A_1024 = tpu.memref_slice %arg7[%dma_start3A_1014, %dma_start3A_1015, %dma_start3A_1023] : memref<2x4x128xi32, #tpu.memory_space<vmem>> -> memref<1x1x128xi32, #tpu.memory_space<vmem>>
    %dma_start3A_1025 = tpu.memref_squeeze %dma_start3A_1024 : memref<1x1x128xi32, #tpu.memory_space<vmem>> -> memref<128xi32, #tpu.memory_space<vmem>>
    %dma_start3A_1026 = tpu.memref_slice %arg2[%add3A_1013] : memref<327680xi32, #tpu.memory_space<hbm>> -> memref<128xi32, #tpu.memory_space<hbm>>
    tpu.enqueue_dma source(%dma_start3A_1026 : memref<128xi32, #tpu.memory_space<hbm>>) target(%dma_start3A_1025 : memref<128xi32, #tpu.memory_space<vmem>>) target_semaphore(%dma_start3A_1022 : memref<!tpu.dma_semaphore, #tpu.memory_space<semaphore_mem>>)
    %add3A_1027 = arith.constant 384 : i32
    %add3A_1028 = arith.addi %add3A_981, %add3A_1027 : i32
    %dma_start3A_1029 = arith.constant 0 : i32
    %dma_start3A_1030 = arith.constant 3 : i32
    %dma_start3A_1031 = arith.constant 0 : i32
    %dma_start3A_1032 = arith.constant 0 : i32
    %dma_start3A_1033 = tpu.memref_slice %arg7[%dma_start3A_1029, %dma_start3A_1030, %dma_start3A_1032] : memref<2x4x128xi32, #tpu.memory_space<vmem>> -> memref<1x1x128xi32, #tpu.memory_space<vmem>>
    %dma_start3A_1034 = tpu.memref_squeeze %dma_start3A_1033 : memref<1x1x128xi32, #tpu.memory_space<vmem>> -> memref<128xi32, #tpu.memory_space<vmem>>
    %dma_start3A_1035 = tpu.memref_slice %arg2[%add3A_1028] : memref<327680xi32, #tpu.memory_space<hbm>> -> memref<128xi32, #tpu.memory_space<hbm>>
    %dma_start3A_1036 = tpu.memref_slice %arg14[%dma_start3A_1031] : memref<2x!tpu.dma_semaphore, #tpu.memory_space<semaphore_mem>> -> memref<1x!tpu.dma_semaphore, #tpu.memory_space<semaphore_mem>>
    %dma_start3A_1037 = tpu.memref_squeeze %dma_start3A_1036 : memref<1x!tpu.dma_semaphore, #tpu.memory_space<semaphore_mem>> -> memref<!tpu.dma_semaphore, #tpu.memory_space<semaphore_mem>>
    %dma_start3A_1038 = arith.constant 0 : i32
    %dma_start3A_1039 = tpu.memref_slice %arg7[%dma_start3A_1029, %dma_start3A_1030, %dma_start3A_1038] : memref<2x4x128xi32, #tpu.memory_space<vmem>> -> memref<1x1x128xi32, #tpu.memory_space<vmem>>
    %dma_start3A_1040 = tpu.memref_squeeze %dma_start3A_1039 : memref<1x1x128xi32, #tpu.memory_space<vmem>> -> memref<128xi32, #tpu.memory_space<vmem>>
    %dma_start3A_1041 = tpu.memref_slice %arg2[%add3A_1028] : memref<327680xi32, #tpu.memory_space<hbm>> -> memref<128xi32, #tpu.memory_space<hbm>>
    tpu.enqueue_dma source(%dma_start3A_1041 : memref<128xi32, #tpu.memory_space<hbm>>) target(%dma_start3A_1040 : memref<128xi32, #tpu.memory_space<vmem>>) target_semaphore(%dma_start3A_1037 : memref<!tpu.dma_semaphore, #tpu.memory_space<semaphore_mem>>)
    %add3A_1042 = arith.constant 512 : i32
    %add3A_1043 = arith.addi %mul3A_2, %add3A_1042 : i32
    %add3A_1044 = arith.constant 0 : i32
    %add3A_1045 = arith.addi %add3A_1043, %add3A_1044 : i32
    %dma_start3A_1046 = arith.constant 1 : i32
    %dma_start3A_1047 = arith.constant 0 : i32
    %dma_start3A_1048 = arith.constant 1 : i32
    %dma_start3A_1049 = arith.constant 0 : i32
    %dma_start3A_1050 = tpu.memref_slice %arg7[%dma_start3A_1046, %dma_start3A_1047, %dma_start3A_1049] : memref<2x4x128xi32, #tpu.memory_space<vmem>> -> memref<1x1x128xi32, #tpu.memory_space<vmem>>
    %dma_start3A_1051 = tpu.memref_squeeze %dma_start3A_1050 : memref<1x1x128xi32, #tpu.memory_space<vmem>> -> memref<128xi32, #tpu.memory_space<vmem>>
    %dma_start3A_1052 = tpu.memref_slice %arg2[%add3A_1045] : memref<327680xi32, #tpu.memory_space<hbm>> -> memref<128xi32, #tpu.memory_space<hbm>>
    %dma_start3A_1053 = tpu.memref_slice %arg14[%dma_start3A_1048] : memref<2x!tpu.dma_semaphore, #tpu.memory_space<semaphore_mem>> -> memref<1x!tpu.dma_semaphore, #tpu.memory_space<semaphore_mem>>
    %dma_start3A_1054 = tpu.memref_squeeze %dma_start3A_1053 : memref<1x!tpu.dma_semaphore, #tpu.memory_space<semaphore_mem>> -> memref<!tpu.dma_semaphore, #tpu.memory_space<semaphore_mem>>
    %dma_start3A_1055 = arith.constant 0 : i32
    %dma_start3A_1056 = tpu.memref_slice %arg7[%dma_start3A_1046, %dma_start3A_1047, %dma_start3A_1055] : memref<2x4x128xi32, #tpu.memory_space<vmem>> -> memref<1x1x128xi32, #tpu.memory_space<vmem>>
    %dma_start3A_1057 = tpu.memref_squeeze %dma_start3A_1056 : memref<1x1x128xi32, #tpu.memory_space<vmem>> -> memref<128xi32, #tpu.memory_space<vmem>>
    %dma_start3A_1058 = tpu.memref_slice %arg2[%add3A_1045] : memref<327680xi32, #tpu.memory_space<hbm>> -> memref<128xi32, #tpu.memory_space<hbm>>
    tpu.enqueue_dma source(%dma_start3A_1058 : memref<128xi32, #tpu.memory_space<hbm>>) target(%dma_start3A_1057 : memref<128xi32, #tpu.memory_space<vmem>>) target_semaphore(%dma_start3A_1054 : memref<!tpu.dma_semaphore, #tpu.memory_space<semaphore_mem>>)
    %add3A_1059 = arith.constant 128 : i32
    %add3A_1060 = arith.addi %add3A_1043, %add3A_1059 : i32
    %dma_start3A_1061 = arith.constant 1 : i32
    %dma_start3A_1062 = arith.constant 1 : i32
    %dma_start3A_1063 = arith.constant 1 : i32
    %dma_start3A_1064 = arith.constant 0 : i32
    %dma_start3A_1065 = tpu.memref_slice %arg7[%dma_start3A_1061, %dma_start3A_1062, %dma_start3A_1064] : memref<2x4x128xi32, #tpu.memory_space<vmem>> -> memref<1x1x128xi32, #tpu.memory_space<vmem>>
    %dma_start3A_1066 = tpu.memref_squeeze %dma_start3A_1065 : memref<1x1x128xi32, #tpu.memory_space<vmem>> -> memref<128xi32, #tpu.memory_space<vmem>>
    %dma_start3A_1067 = tpu.memref_slice %arg2[%add3A_1060] : memref<327680xi32, #tpu.memory_space<hbm>> -> memref<128xi32, #tpu.memory_space<hbm>>
    %dma_start3A_1068 = tpu.memref_slice %arg14[%dma_start3A_1063] : memref<2x!tpu.dma_semaphore, #tpu.memory_space<semaphore_mem>> -> memref<1x!tpu.dma_semaphore, #tpu.memory_space<semaphore_mem>>
    %dma_start3A_1069 = tpu.memref_squeeze %dma_start3A_1068 : memref<1x!tpu.dma_semaphore, #tpu.memory_space<semaphore_mem>> -> memref<!tpu.dma_semaphore, #tpu.memory_space<semaphore_mem>>
    %dma_start3A_1070 = arith.constant 0 : i32
    %dma_start3A_1071 = tpu.memref_slice %arg7[%dma_start3A_1061, %dma_start3A_1062, %dma_start3A_1070] : memref<2x4x128xi32, #tpu.memory_space<vmem>> -> memref<1x1x128xi32, #tpu.memory_space<vmem>>
    %dma_start3A_1072 = tpu.memref_squeeze %dma_start3A_1071 : memref<1x1x128xi32, #tpu.memory_space<vmem>> -> memref<128xi32, #tpu.memory_space<vmem>>
    %dma_start3A_1073 = tpu.memref_slice %arg2[%add3A_1060] : memref<327680xi32, #tpu.memory_space<hbm>> -> memref<128xi32, #tpu.memory_space<hbm>>
    tpu.enqueue_dma source(%dma_start3A_1073 : memref<128xi32, #tpu.memory_space<hbm>>) target(%dma_start3A_1072 : memref<128xi32, #tpu.memory_space<vmem>>) target_semaphore(%dma_start3A_1069 : memref<!tpu.dma_semaphore, #tpu.memory_space<semaphore_mem>>)
    %add3A_1074 = arith.constant 256 : i32
    %add3A_1075 = arith.addi %add3A_1043, %add3A_1074 : i32
    %dma_start3A_1076 = arith.constant 1 : i32
    %dma_start3A_1077 = arith.constant 2 : i32
    %dma_start3A_1078 = arith.constant 1 : i32
    %dma_start3A_1079 = arith.constant 0 : i32
    %dma_start3A_1080 = tpu.memref_slice %arg7[%dma_start3A_1076, %dma_start3A_1077, %dma_start3A_1079] : memref<2x4x128xi32, #tpu.memory_space<vmem>> -> memref<1x1x128xi32, #tpu.memory_space<vmem>>
    %dma_start3A_1081 = tpu.memref_squeeze %dma_start3A_1080 : memref<1x1x128xi32, #tpu.memory_space<vmem>> -> memref<128xi32, #tpu.memory_space<vmem>>
    %dma_start3A_1082 = tpu.memref_slice %arg2[%add3A_1075] : memref<327680xi32, #tpu.memory_space<hbm>> -> memref<128xi32, #tpu.memory_space<hbm>>
    %dma_start3A_1083 = tpu.memref_slice %arg14[%dma_start3A_1078] : memref<2x!tpu.dma_semaphore, #tpu.memory_space<semaphore_mem>> -> memref<1x!tpu.dma_semaphore, #tpu.memory_space<semaphore_mem>>
    %dma_start3A_1084 = tpu.memref_squeeze %dma_start3A_1083 : memref<1x!tpu.dma_semaphore, #tpu.memory_space<semaphore_mem>> -> memref<!tpu.dma_semaphore, #tpu.memory_space<semaphore_mem>>
    %dma_start3A_1085 = arith.constant 0 : i32
    %dma_start3A_1086 = tpu.memref_slice %arg7[%dma_start3A_1076, %dma_start3A_1077, %dma_start3A_1085] : memref<2x4x128xi32, #tpu.memory_space<vmem>> -> memref<1x1x128xi32, #tpu.memory_space<vmem>>
    %dma_start3A_1087 = tpu.memref_squeeze %dma_start3A_1086 : memref<1x1x128xi32, #tpu.memory_space<vmem>> -> memref<128xi32, #tpu.memory_space<vmem>>
    %dma_start3A_1088 = tpu.memref_slice %arg2[%add3A_1075] : memref<327680xi32, #tpu.memory_space<hbm>> -> memref<128xi32, #tpu.memory_space<hbm>>
    tpu.enqueue_dma source(%dma_start3A_1088 : memref<128xi32, #tpu.memory_space<hbm>>) target(%dma_start3A_1087 : memref<128xi32, #tpu.memory_space<vmem>>) target_semaphore(%dma_start3A_1084 : memref<!tpu.dma_semaphore, #tpu.memory_space<semaphore_mem>>)
    %add3A_1089 = arith.constant 384 : i32
    %add3A_1090 = arith.addi %add3A_1043, %add3A_1089 : i32
    %dma_start3A_1091 = arith.constant 1 : i32
    %dma_start3A_1092 = arith.constant 3 : i32
    %dma_start3A_1093 = arith.constant 1 : i32
    %dma_start3A_1094 = arith.constant 0 : i32
    %dma_start3A_1095 = tpu.memref_slice %arg7[%dma_start3A_1091, %dma_start3A_1092, %dma_start3A_1094] : memref<2x4x128xi32, #tpu.memory_space<vmem>> -> memref<1x1x128xi32, #tpu.memory_space<vmem>>
    %dma_start3A_1096 = tpu.memref_squeeze %dma_start3A_1095 : memref<1x1x128xi32, #tpu.memory_space<vmem>> -> memref<128xi32, #tpu.memory_space<vmem>>
    %dma_start3A_1097 = tpu.memref_slice %arg2[%add3A_1090] : memref<327680xi32, #tpu.memory_space<hbm>> -> memref<128xi32, #tpu.memory_space<hbm>>
    %dma_start3A_1098 = tpu.memref_slice %arg14[%dma_start3A_1093] : memref<2x!tpu.dma_semaphore, #tpu.memory_space<semaphore_mem>> -> memref<1x!tpu.dma_semaphore, #tpu.memory_space<semaphore_mem>>
    %dma_start3A_1099 = tpu.memref_squeeze %dma_start3A_1098 : memref<1x!tpu.dma_semaphore, #tpu.memory_space<semaphore_mem>> -> memref<!tpu.dma_semaphore, #tpu.memory_space<semaphore_mem>>
    %dma_start3A_1100 = arith.constant 0 : i32
    %dma_start3A_1101 = tpu.memref_slice %arg7[%dma_start3A_1091, %dma_start3A_1092, %dma_start3A_1100] : memref<2x4x128xi32, #tpu.memory_space<vmem>> -> memref<1x1x128xi32, #tpu.memory_space<vmem>>
    %dma_start3A_1102 = tpu.memref_squeeze %dma_start3A_1101 : memref<1x1x128xi32, #tpu.memory_space<vmem>> -> memref<128xi32, #tpu.memory_space<vmem>>
    %dma_start3A_1103 = tpu.memref_slice %arg2[%add3A_1090] : memref<327680xi32, #tpu.memory_space<hbm>> -> memref<128xi32, #tpu.memory_space<hbm>>
    tpu.enqueue_dma source(%dma_start3A_1103 : memref<128xi32, #tpu.memory_space<hbm>>) target(%dma_start3A_1102 : memref<128xi32, #tpu.memory_space<vmem>>) target_semaphore(%dma_start3A_1099 : memref<!tpu.dma_semaphore, #tpu.memory_space<semaphore_mem>>)
    %add3A_1104 = arith.constant 0 : i32
    %add3A_1105 = arith.addi %mul3A_2, %add3A_1104 : i32
    %add3A_1106 = arith.constant 0 : i32
    %add3A_1107 = arith.addi %add3A_1105, %add3A_1106 : i32
    %dma_wait3A_1108 = arith.constant 0 : i32
    %dma_wait3A_1109 = arith.constant 0 : i32
    %dma_wait3A_1110 = arith.constant 0 : i32
    %dma_wait3A_1111 = arith.constant 0 : i32
    %dma_wait3A_1112 = tpu.memref_slice %arg7[%dma_wait3A_1108, %dma_wait3A_1109, %dma_wait3A_1111] : memref<2x4x128xi32, #tpu.memory_space<vmem>> -> memref<1x1x128xi32, #tpu.memory_space<vmem>>
    %dma_wait3A_1113 = tpu.memref_squeeze %dma_wait3A_1112 : memref<1x1x128xi32, #tpu.memory_space<vmem>> -> memref<128xi32, #tpu.memory_space<vmem>>
    %dma_wait3A_1114 = tpu.memref_slice %arg2[%add3A_1107] : memref<327680xi32, #tpu.memory_space<hbm>> -> memref<128xi32, #tpu.memory_space<hbm>>
    %dma_wait3A_1115 = tpu.memref_slice %arg14[%dma_wait3A_1110] : memref<2x!tpu.dma_semaphore, #tpu.memory_space<semaphore_mem>> -> memref<1x!tpu.dma_semaphore, #tpu.memory_space<semaphore_mem>>
    %dma_wait3A_1116 = tpu.memref_squeeze %dma_wait3A_1115 : memref<1x!tpu.dma_semaphore, #tpu.memory_space<semaphore_mem>> -> memref<!tpu.dma_semaphore, #tpu.memory_space<semaphore_mem>>
    %dma_wait3A_1117 = arith.constant 0 : i32
    %dma_wait3A_1118 = tpu.memref_slice %arg7[%dma_wait3A_1108, %dma_wait3A_1109, %dma_wait3A_1117] : memref<2x4x128xi32, #tpu.memory_space<vmem>> -> memref<1x1x128xi32, #tpu.memory_space<vmem>>
    %dma_wait3A_1119 = tpu.memref_squeeze %dma_wait3A_1118 : memref<1x1x128xi32, #tpu.memory_space<vmem>> -> memref<128xi32, #tpu.memory_space<vmem>>
    %dma_wait3A_1120 = tpu.memref_slice %arg2[%add3A_1107] : memref<327680xi32, #tpu.memory_space<hbm>> -> memref<128xi32, #tpu.memory_space<hbm>>
    tpu.wait_dma2 semaphore(%dma_wait3A_1116 : memref<!tpu.dma_semaphore, #tpu.memory_space<semaphore_mem>>) src(%dma_wait3A_1120 : memref<128xi32, #tpu.memory_space<hbm>>) dst(%dma_wait3A_1119 : memref<128xi32, #tpu.memory_space<vmem>>)
    %add3A_1121 = arith.constant 128 : i32
    %add3A_1122 = arith.addi %add3A_1105, %add3A_1121 : i32
    %dma_wait3A_1123 = arith.constant 0 : i32
    %dma_wait3A_1124 = arith.constant 1 : i32
    %dma_wait3A_1125 = arith.constant 0 : i32
    %dma_wait3A_1126 = arith.constant 0 : i32
    %dma_wait3A_1127 = tpu.memref_slice %arg7[%dma_wait3A_1123, %dma_wait3A_1124, %dma_wait3A_1126] : memref<2x4x128xi32, #tpu.memory_space<vmem>> -> memref<1x1x128xi32, #tpu.memory_space<vmem>>
    %dma_wait3A_1128 = tpu.memref_squeeze %dma_wait3A_1127 : memref<1x1x128xi32, #tpu.memory_space<vmem>> -> memref<128xi32, #tpu.memory_space<vmem>>
    %dma_wait3A_1129 = tpu.memref_slice %arg2[%add3A_1122] : memref<327680xi32, #tpu.memory_space<hbm>> -> memref<128xi32, #tpu.memory_space<hbm>>
    %dma_wait3A_1130 = tpu.memref_slice %arg14[%dma_wait3A_1125] : memref<2x!tpu.dma_semaphore, #tpu.memory_space<semaphore_mem>> -> memref<1x!tpu.dma_semaphore, #tpu.memory_space<semaphore_mem>>
    %dma_wait3A_1131 = tpu.memref_squeeze %dma_wait3A_1130 : memref<1x!tpu.dma_semaphore, #tpu.memory_space<semaphore_mem>> -> memref<!tpu.dma_semaphore, #tpu.memory_space<semaphore_mem>>
    %dma_wait3A_1132 = arith.constant 0 : i32
    %dma_wait3A_1133 = tpu.memref_slice %arg7[%dma_wait3A_1123, %dma_wait3A_1124, %dma_wait3A_1132] : memref<2x4x128xi32, #tpu.memory_space<vmem>> -> memref<1x1x128xi32, #tpu.memory_space<vmem>>
    %dma_wait3A_1134 = tpu.memref_squeeze %dma_wait3A_1133 : memref<1x1x128xi32, #tpu.memory_space<vmem>> -> memref<128xi32, #tpu.memory_space<vmem>>
    %dma_wait3A_1135 = tpu.memref_slice %arg2[%add3A_1122] : memref<327680xi32, #tpu.memory_space<hbm>> -> memref<128xi32, #tpu.memory_space<hbm>>
    tpu.wait_dma2 semaphore(%dma_wait3A_1131 : memref<!tpu.dma_semaphore, #tpu.memory_space<semaphore_mem>>) src(%dma_wait3A_1135 : memref<128xi32, #tpu.memory_space<hbm>>) dst(%dma_wait3A_1134 : memref<128xi32, #tpu.memory_space<vmem>>)
    %add3A_1136 = arith.constant 256 : i32
    %add3A_1137 = arith.addi %add3A_1105, %add3A_1136 : i32
    %dma_wait3A_1138 = arith.constant 0 : i32
    %dma_wait3A_1139 = arith.constant 2 : i32
    %dma_wait3A_1140 = arith.constant 0 : i32
    %dma_wait3A_1141 = arith.constant 0 : i32
    %dma_wait3A_1142 = tpu.memref_slice %arg7[%dma_wait3A_1138, %dma_wait3A_1139, %dma_wait3A_1141] : memref<2x4x128xi32, #tpu.memory_space<vmem>> -> memref<1x1x128xi32, #tpu.memory_space<vmem>>
    %dma_wait3A_1143 = tpu.memref_squeeze %dma_wait3A_1142 : memref<1x1x128xi32, #tpu.memory_space<vmem>> -> memref<128xi32, #tpu.memory_space<vmem>>
    %dma_wait3A_1144 = tpu.memref_slice %arg2[%add3A_1137] : memref<327680xi32, #tpu.memory_space<hbm>> -> memref<128xi32, #tpu.memory_space<hbm>>
    %dma_wait3A_1145 = tpu.memref_slice %arg14[%dma_wait3A_1140] : memref<2x!tpu.dma_semaphore, #tpu.memory_space<semaphore_mem>> -> memref<1x!tpu.dma_semaphore, #tpu.memory_space<semaphore_mem>>
    %dma_wait3A_1146 = tpu.memref_squeeze %dma_wait3A_1145 : memref<1x!tpu.dma_semaphore, #tpu.memory_space<semaphore_mem>> -> memref<!tpu.dma_semaphore, #tpu.memory_space<semaphore_mem>>
    %dma_wait3A_1147 = arith.constant 0 : i32
    %dma_wait3A_1148 = tpu.memref_slice %arg7[%dma_wait3A_1138, %dma_wait3A_1139, %dma_wait3A_1147] : memref<2x4x128xi32, #tpu.memory_space<vmem>> -> memref<1x1x128xi32, #tpu.memory_space<vmem>>
    %dma_wait3A_1149 = tpu.memref_squeeze %dma_wait3A_1148 : memref<1x1x128xi32, #tpu.memory_space<vmem>> -> memref<128xi32, #tpu.memory_space<vmem>>
    %dma_wait3A_1150 = tpu.memref_slice %arg2[%add3A_1137] : memref<327680xi32, #tpu.memory_space<hbm>> -> memref<128xi32, #tpu.memory_space<hbm>>
    tpu.wait_dma2 semaphore(%dma_wait3A_1146 : memref<!tpu.dma_semaphore, #tpu.memory_space<semaphore_mem>>) src(%dma_wait3A_1150 : memref<128xi32, #tpu.memory_space<hbm>>) dst(%dma_wait3A_1149 : memref<128xi32, #tpu.memory_space<vmem>>)
    %add3A_1151 = arith.constant 384 : i32
    %add3A_1152 = arith.addi %add3A_1105, %add3A_1151 : i32
    %dma_wait3A_1153 = arith.constant 0 : i32
    %dma_wait3A_1154 = arith.constant 3 : i32
    %dma_wait3A_1155 = arith.constant 0 : i32
    %dma_wait3A_1156 = arith.constant 0 : i32
    %dma_wait3A_1157 = tpu.memref_slice %arg7[%dma_wait3A_1153, %dma_wait3A_1154, %dma_wait3A_1156] : memref<2x4x128xi32, #tpu.memory_space<vmem>> -> memref<1x1x128xi32, #tpu.memory_space<vmem>>
    %dma_wait3A_1158 = tpu.memref_squeeze %dma_wait3A_1157 : memref<1x1x128xi32, #tpu.memory_space<vmem>> -> memref<128xi32, #tpu.memory_space<vmem>>
    %dma_wait3A_1159 = tpu.memref_slice %arg2[%add3A_1152] : memref<327680xi32, #tpu.memory_space<hbm>> -> memref<128xi32, #tpu.memory_space<hbm>>
    %dma_wait3A_1160 = tpu.memref_slice %arg14[%dma_wait3A_1155] : memref<2x!tpu.dma_semaphore, #tpu.memory_space<semaphore_mem>> -> memref<1x!tpu.dma_semaphore, #tpu.memory_space<semaphore_mem>>
    %dma_wait3A_1161 = tpu.memref_squeeze %dma_wait3A_1160 : memref<1x!tpu.dma_semaphore, #tpu.memory_space<semaphore_mem>> -> memref<!tpu.dma_semaphore, #tpu.memory_space<semaphore_mem>>
    %dma_wait3A_1162 = arith.constant 0 : i32
    %dma_wait3A_1163 = tpu.memref_slice %arg7[%dma_wait3A_1153, %dma_wait3A_1154, %dma_wait3A_1162] : memref<2x4x128xi32, #tpu.memory_space<vmem>> -> memref<1x1x128xi32, #tpu.memory_space<vmem>>
    %dma_wait3A_1164 = tpu.memref_squeeze %dma_wait3A_1163 : memref<1x1x128xi32, #tpu.memory_space<vmem>> -> memref<128xi32, #tpu.memory_space<vmem>>
    %dma_wait3A_1165 = tpu.memref_slice %arg2[%add3A_1152] : memref<327680xi32, #tpu.memory_space<hbm>> -> memref<128xi32, #tpu.memory_space<hbm>>
    tpu.wait_dma2 semaphore(%dma_wait3A_1161 : memref<!tpu.dma_semaphore, #tpu.memory_space<semaphore_mem>>) src(%dma_wait3A_1165 : memref<128xi32, #tpu.memory_space<hbm>>) dst(%dma_wait3A_1164 : memref<128xi32, #tpu.memory_space<vmem>>)
    %dma_start3A_1166 = arith.constant 0 : i32
    %dma_start3A_1167 = arith.constant 0 : i32
    %dma_start3A_1168 = arith.constant 0 : i32
    %dma_start3A_1169 = arith.constant 0 : i32
    %dma_start3A_1170 = arith.constant 0 : i32
    %dma_start3A_1171 = arith.constant 0 : i32
    %dma_start3A_1172 = tpu.memref_slice %arg9[%dma_start3A_1168, %dma_start3A_1170, %dma_start3A_1171] : memref<2x512x64xf32, #tpu.memory_space<vmem>> -> memref<1x128x64xf32, #tpu.memory_space<vmem>>
    %dma_start3A_1173 = tpu.memref_squeeze %dma_start3A_1172 : memref<1x128x64xf32, #tpu.memory_space<vmem>> -> memref<128x64xf32, #tpu.memory_space<vmem>>
    %dma_start3A_1174 = arith.constant 0 : i32
    %dma_start3A_1175 = tpu.memref_slice %arg7[%dma_start3A_1166, %dma_start3A_1167, %dma_start3A_1174] : memref<2x4x128xi32, #tpu.memory_space<vmem>> -> memref<1x1x128xi32, #tpu.memory_space<vmem>>
    %dma_start3A_1176 = tpu.memref_squeeze %dma_start3A_1175 : memref<1x1x128xi32, #tpu.memory_space<vmem>> -> memref<128xi32, #tpu.memory_space<vmem>>
    %dma_start3A_1177 = arith.constant 0 : i32
    %dma_start3A_1178 = arith.constant 0 : i32
    %dma_start3A_1179 = tpu.memref_slice %arg12[%dma_start3A_1177, %dma_start3A_1178] : memref<1000x64xf32, #tpu.memory_space<vmem_shared>> -> memref<1000x64xf32, #tpu.memory_space<vmem_shared>>
    %dma_start3A_1180 = tpu.memref_slice %arg13[%dma_start3A_1169] : memref<2x!tpu.dma_semaphore, #tpu.memory_space<semaphore_mem>> -> memref<1x!tpu.dma_semaphore, #tpu.memory_space<semaphore_mem>>
    %dma_start3A_1181 = tpu.memref_squeeze %dma_start3A_1180 : memref<1x!tpu.dma_semaphore, #tpu.memory_space<semaphore_mem>> -> memref<!tpu.dma_semaphore, #tpu.memory_space<semaphore_mem>>
    tpu.enqueue_indirect_dma source(%dma_start3A_1179 : memref<1000x64xf32, #tpu.memory_space<vmem_shared>>) target(%dma_start3A_1173 : memref<128x64xf32, #tpu.memory_space<vmem>>) offsets(%dma_start3A_1176 : memref<128xi32, #tpu.memory_space<vmem>>) semaphore(%dma_start3A_1181 : memref<!tpu.dma_semaphore, #tpu.memory_space<semaphore_mem>>)
    %dma_start3A_1182 = arith.constant 0 : i32
    %dma_start3A_1183 = arith.constant 1 : i32
    %dma_start3A_1184 = arith.constant 0 : i32
    %dma_start3A_1185 = arith.constant 0 : i32
    %dma_start3A_1186 = arith.constant 128 : i32
    %dma_start3A_1187 = arith.constant 0 : i32
    %dma_start3A_1188 = tpu.memref_slice %arg9[%dma_start3A_1184, %dma_start3A_1186, %dma_start3A_1187] : memref<2x512x64xf32, #tpu.memory_space<vmem>> -> memref<1x128x64xf32, #tpu.memory_space<vmem>>
    %dma_start3A_1189 = tpu.memref_squeeze %dma_start3A_1188 : memref<1x128x64xf32, #tpu.memory_space<vmem>> -> memref<128x64xf32, #tpu.memory_space<vmem>>
    %dma_start3A_1190 = arith.constant 0 : i32
    %dma_start3A_1191 = tpu.memref_slice %arg7[%dma_start3A_1182, %dma_start3A_1183, %dma_start3A_1190] : memref<2x4x128xi32, #tpu.memory_space<vmem>> -> memref<1x1x128xi32, #tpu.memory_space<vmem>>
    %dma_start3A_1192 = tpu.memref_squeeze %dma_start3A_1191 : memref<1x1x128xi32, #tpu.memory_space<vmem>> -> memref<128xi32, #tpu.memory_space<vmem>>
    %dma_start3A_1193 = arith.constant 0 : i32
    %dma_start3A_1194 = arith.constant 0 : i32
    %dma_start3A_1195 = tpu.memref_slice %arg12[%dma_start3A_1193, %dma_start3A_1194] : memref<1000x64xf32, #tpu.memory_space<vmem_shared>> -> memref<1000x64xf32, #tpu.memory_space<vmem_shared>>
    %dma_start3A_1196 = tpu.memref_slice %arg13[%dma_start3A_1185] : memref<2x!tpu.dma_semaphore, #tpu.memory_space<semaphore_mem>> -> memref<1x!tpu.dma_semaphore, #tpu.memory_space<semaphore_mem>>
    %dma_start3A_1197 = tpu.memref_squeeze %dma_start3A_1196 : memref<1x!tpu.dma_semaphore, #tpu.memory_space<semaphore_mem>> -> memref<!tpu.dma_semaphore, #tpu.memory_space<semaphore_mem>>
    tpu.enqueue_indirect_dma source(%dma_start3A_1195 : memref<1000x64xf32, #tpu.memory_space<vmem_shared>>) target(%dma_start3A_1189 : memref<128x64xf32, #tpu.memory_space<vmem>>) offsets(%dma_start3A_1192 : memref<128xi32, #tpu.memory_space<vmem>>) semaphore(%dma_start3A_1197 : memref<!tpu.dma_semaphore, #tpu.memory_space<semaphore_mem>>)
    %dma_start3A_1198 = arith.constant 0 : i32
    %dma_start3A_1199 = arith.constant 2 : i32
    %dma_start3A_1200 = arith.constant 0 : i32
    %dma_start3A_1201 = arith.constant 0 : i32
    %dma_start3A_1202 = arith.constant 256 : i32
    %dma_start3A_1203 = arith.constant 0 : i32
    %dma_start3A_1204 = tpu.memref_slice %arg9[%dma_start3A_1200, %dma_start3A_1202, %dma_start3A_1203] : memref<2x512x64xf32, #tpu.memory_space<vmem>> -> memref<1x128x64xf32, #tpu.memory_space<vmem>>
    %dma_start3A_1205 = tpu.memref_squeeze %dma_start3A_1204 : memref<1x128x64xf32, #tpu.memory_space<vmem>> -> memref<128x64xf32, #tpu.memory_space<vmem>>
    %dma_start3A_1206 = arith.constant 0 : i32
    %dma_start3A_1207 = tpu.memref_slice %arg7[%dma_start3A_1198, %dma_start3A_1199, %dma_start3A_1206] : memref<2x4x128xi32, #tpu.memory_space<vmem>> -> memref<1x1x128xi32, #tpu.memory_space<vmem>>
    %dma_start3A_1208 = tpu.memref_squeeze %dma_start3A_1207 : memref<1x1x128xi32, #tpu.memory_space<vmem>> -> memref<128xi32, #tpu.memory_space<vmem>>
    %dma_start3A_1209 = arith.constant 0 : i32
    %dma_start3A_1210 = arith.constant 0 : i32
    %dma_start3A_1211 = tpu.memref_slice %arg12[%dma_start3A_1209, %dma_start3A_1210] : memref<1000x64xf32, #tpu.memory_space<vmem_shared>> -> memref<1000x64xf32, #tpu.memory_space<vmem_shared>>
    %dma_start3A_1212 = tpu.memref_slice %arg13[%dma_start3A_1201] : memref<2x!tpu.dma_semaphore, #tpu.memory_space<semaphore_mem>> -> memref<1x!tpu.dma_semaphore, #tpu.memory_space<semaphore_mem>>
    %dma_start3A_1213 = tpu.memref_squeeze %dma_start3A_1212 : memref<1x!tpu.dma_semaphore, #tpu.memory_space<semaphore_mem>> -> memref<!tpu.dma_semaphore, #tpu.memory_space<semaphore_mem>>
    tpu.enqueue_indirect_dma source(%dma_start3A_1211 : memref<1000x64xf32, #tpu.memory_space<vmem_shared>>) target(%dma_start3A_1205 : memref<128x64xf32, #tpu.memory_space<vmem>>) offsets(%dma_start3A_1208 : memref<128xi32, #tpu.memory_space<vmem>>) semaphore(%dma_start3A_1213 : memref<!tpu.dma_semaphore, #tpu.memory_space<semaphore_mem>>)
    %dma_start3A_1214 = arith.constant 0 : i32
    %dma_start3A_1215 = arith.constant 3 : i32
    %dma_start3A_1216 = arith.constant 0 : i32
    %dma_start3A_1217 = arith.constant 0 : i32
    %dma_start3A_1218 = arith.constant 384 : i32
    %dma_start3A_1219 = arith.constant 0 : i32
    %dma_start3A_1220 = tpu.memref_slice %arg9[%dma_start3A_1216, %dma_start3A_1218, %dma_start3A_1219] : memref<2x512x64xf32, #tpu.memory_space<vmem>> -> memref<1x128x64xf32, #tpu.memory_space<vmem>>
    %dma_start3A_1221 = tpu.memref_squeeze %dma_start3A_1220 : memref<1x128x64xf32, #tpu.memory_space<vmem>> -> memref<128x64xf32, #tpu.memory_space<vmem>>
    %dma_start3A_1222 = arith.constant 0 : i32
    %dma_start3A_1223 = tpu.memref_slice %arg7[%dma_start3A_1214, %dma_start3A_1215, %dma_start3A_1222] : memref<2x4x128xi32, #tpu.memory_space<vmem>> -> memref<1x1x128xi32, #tpu.memory_space<vmem>>
    %dma_start3A_1224 = tpu.memref_squeeze %dma_start3A_1223 : memref<1x1x128xi32, #tpu.memory_space<vmem>> -> memref<128xi32, #tpu.memory_space<vmem>>
    %dma_start3A_1225 = arith.constant 0 : i32
    %dma_start3A_1226 = arith.constant 0 : i32
    %dma_start3A_1227 = tpu.memref_slice %arg12[%dma_start3A_1225, %dma_start3A_1226] : memref<1000x64xf32, #tpu.memory_space<vmem_shared>> -> memref<1000x64xf32, #tpu.memory_space<vmem_shared>>
    %dma_start3A_1228 = tpu.memref_slice %arg13[%dma_start3A_1217] : memref<2x!tpu.dma_semaphore, #tpu.memory_space<semaphore_mem>> -> memref<1x!tpu.dma_semaphore, #tpu.memory_space<semaphore_mem>>
    %dma_start3A_1229 = tpu.memref_squeeze %dma_start3A_1228 : memref<1x!tpu.dma_semaphore, #tpu.memory_space<semaphore_mem>> -> memref<!tpu.dma_semaphore, #tpu.memory_space<semaphore_mem>>
    tpu.enqueue_indirect_dma source(%dma_start3A_1227 : memref<1000x64xf32, #tpu.memory_space<vmem_shared>>) target(%dma_start3A_1221 : memref<128x64xf32, #tpu.memory_space<vmem>>) offsets(%dma_start3A_1224 : memref<128xi32, #tpu.memory_space<vmem>>) semaphore(%dma_start3A_1229 : memref<!tpu.dma_semaphore, #tpu.memory_space<semaphore_mem>>)
    %scan3A = arith.constant 0 : i32
    %scan3A_1230 = arith.constant 0 : i32
    %scan3A_1231 = arith.constant 20 : i32
    %scan3A_1232 = arith.addi %scan3A_1230, %scan3A_1231 : i32
    %scan3A_1233 = arith.constant 1 : i32
    scf.for %scan3A_1294 = %scan3A_1230 to %scan3A_1232 step %scan3A_1233  : i32 {
      %and3A = arith.constant 1 : i32
      %and3A_1295 = arith.andi %scan3A_1294, %and3A : i32
      %sub3A_1296 = arith.constant 1 : i32
      %sub3A_1297 = arith.subi %sub3A_1296, %and3A_1295 : i32
      %dma_wait3A_1298 = arith.constant 0 : i32
      %dma_wait3A_1299 = arith.constant 0 : i32
      %dma_wait3A_1300 = arith.constant 0 : i32
      %dma_wait3A_1301 = tpu.memref_slice %arg9[%and3A_1295, %dma_wait3A_1299, %dma_wait3A_1300] : memref<2x512x64xf32, #tpu.memory_space<vmem>> -> memref<1x128x64xf32, #tpu.memory_space<vmem>>
      %dma_wait3A_1302 = tpu.memref_squeeze %dma_wait3A_1301 : memref<1x128x64xf32, #tpu.memory_space<vmem>> -> memref<128x64xf32, #tpu.memory_space<vmem>>
      %dma_wait3A_1303 = arith.constant 0 : i32
      %dma_wait3A_1304 = tpu.memref_slice %arg7[%and3A_1295, %dma_wait3A_1298, %dma_wait3A_1303] : memref<2x4x128xi32, #tpu.memory_space<vmem>> -> memref<1x1x128xi32, #tpu.memory_space<vmem>>
      %dma_wait3A_1305 = tpu.memref_squeeze %dma_wait3A_1304 : memref<1x1x128xi32, #tpu.memory_space<vmem>> -> memref<128xi32, #tpu.memory_space<vmem>>
      %dma_wait3A_1306 = arith.constant 0 : i32
      %dma_wait3A_1307 = arith.constant 0 : i32
      %dma_wait3A_1308 = tpu.memref_slice %arg12[%dma_wait3A_1306, %dma_wait3A_1307] : memref<1000x64xf32, #tpu.memory_space<vmem_shared>> -> memref<1000x64xf32, #tpu.memory_space<vmem_shared>>
      %dma_wait3A_1309 = tpu.memref_slice %arg13[%and3A_1295] : memref<2x!tpu.dma_semaphore, #tpu.memory_space<semaphore_mem>> -> memref<1x!tpu.dma_semaphore, #tpu.memory_space<semaphore_mem>>
      %dma_wait3A_1310 = tpu.memref_squeeze %dma_wait3A_1309 : memref<1x!tpu.dma_semaphore, #tpu.memory_space<semaphore_mem>> -> memref<!tpu.dma_semaphore, #tpu.memory_space<semaphore_mem>>
      tpu.wait_indirect_dma semaphore(%dma_wait3A_1310 : memref<!tpu.dma_semaphore, #tpu.memory_space<semaphore_mem>>) src(%dma_wait3A_1308 : memref<1000x64xf32, #tpu.memory_space<vmem_shared>>) dst(%dma_wait3A_1302 : memref<128x64xf32, #tpu.memory_space<vmem>>)
      %dma_wait3A_1311 = arith.constant 1 : i32
      %dma_wait3A_1312 = arith.constant 128 : i32
      %dma_wait3A_1313 = arith.constant 0 : i32
      %dma_wait3A_1314 = tpu.memref_slice %arg9[%and3A_1295, %dma_wait3A_1312, %dma_wait3A_1313] : memref<2x512x64xf32, #tpu.memory_space<vmem>> -> memref<1x128x64xf32, #tpu.memory_space<vmem>>
      %dma_wait3A_1315 = tpu.memref_squeeze %dma_wait3A_1314 : memref<1x128x64xf32, #tpu.memory_space<vmem>> -> memref<128x64xf32, #tpu.memory_space<vmem>>
      %dma_wait3A_1316 = arith.constant 0 : i32
      %dma_wait3A_1317 = tpu.memref_slice %arg7[%and3A_1295, %dma_wait3A_1311, %dma_wait3A_1316] : memref<2x4x128xi32, #tpu.memory_space<vmem>> -> memref<1x1x128xi32, #tpu.memory_space<vmem>>
      %dma_wait3A_1318 = tpu.memref_squeeze %dma_wait3A_1317 : memref<1x1x128xi32, #tpu.memory_space<vmem>> -> memref<128xi32, #tpu.memory_space<vmem>>
      %dma_wait3A_1319 = arith.constant 0 : i32
      %dma_wait3A_1320 = arith.constant 0 : i32
      %dma_wait3A_1321 = tpu.memref_slice %arg12[%dma_wait3A_1319, %dma_wait3A_1320] : memref<1000x64xf32, #tpu.memory_space<vmem_shared>> -> memref<1000x64xf32, #tpu.memory_space<vmem_shared>>
      %dma_wait3A_1322 = tpu.memref_slice %arg13[%and3A_1295] : memref<2x!tpu.dma_semaphore, #tpu.memory_space<semaphore_mem>> -> memref<1x!tpu.dma_semaphore, #tpu.memory_space<semaphore_mem>>
      %dma_wait3A_1323 = tpu.memref_squeeze %dma_wait3A_1322 : memref<1x!tpu.dma_semaphore, #tpu.memory_space<semaphore_mem>> -> memref<!tpu.dma_semaphore, #tpu.memory_space<semaphore_mem>>
      tpu.wait_indirect_dma semaphore(%dma_wait3A_1323 : memref<!tpu.dma_semaphore, #tpu.memory_space<semaphore_mem>>) src(%dma_wait3A_1321 : memref<1000x64xf32, #tpu.memory_space<vmem_shared>>) dst(%dma_wait3A_1315 : memref<128x64xf32, #tpu.memory_space<vmem>>)
      %dma_wait3A_1324 = arith.constant 2 : i32
      %dma_wait3A_1325 = arith.constant 256 : i32
      %dma_wait3A_1326 = arith.constant 0 : i32
      %dma_wait3A_1327 = tpu.memref_slice %arg9[%and3A_1295, %dma_wait3A_1325, %dma_wait3A_1326] : memref<2x512x64xf32, #tpu.memory_space<vmem>> -> memref<1x128x64xf32, #tpu.memory_space<vmem>>
      %dma_wait3A_1328 = tpu.memref_squeeze %dma_wait3A_1327 : memref<1x128x64xf32, #tpu.memory_space<vmem>> -> memref<128x64xf32, #tpu.memory_space<vmem>>
      %dma_wait3A_1329 = arith.constant 0 : i32
      %dma_wait3A_1330 = tpu.memref_slice %arg7[%and3A_1295, %dma_wait3A_1324, %dma_wait3A_1329] : memref<2x4x128xi32, #tpu.memory_space<vmem>> -> memref<1x1x128xi32, #tpu.memory_space<vmem>>
      %dma_wait3A_1331 = tpu.memref_squeeze %dma_wait3A_1330 : memref<1x1x128xi32, #tpu.memory_space<vmem>> -> memref<128xi32, #tpu.memory_space<vmem>>
      %dma_wait3A_1332 = arith.constant 0 : i32
      %dma_wait3A_1333 = arith.constant 0 : i32
      %dma_wait3A_1334 = tpu.memref_slice %arg12[%dma_wait3A_1332, %dma_wait3A_1333] : memref<1000x64xf32, #tpu.memory_space<vmem_shared>> -> memref<1000x64xf32, #tpu.memory_space<vmem_shared>>
      %dma_wait3A_1335 = tpu.memref_slice %arg13[%and3A_1295] : memref<2x!tpu.dma_semaphore, #tpu.memory_space<semaphore_mem>> -> memref<1x!tpu.dma_semaphore, #tpu.memory_space<semaphore_mem>>
      %dma_wait3A_1336 = tpu.memref_squeeze %dma_wait3A_1335 : memref<1x!tpu.dma_semaphore, #tpu.memory_space<semaphore_mem>> -> memref<!tpu.dma_semaphore, #tpu.memory_space<semaphore_mem>>
      tpu.wait_indirect_dma semaphore(%dma_wait3A_1336 : memref<!tpu.dma_semaphore, #tpu.memory_space<semaphore_mem>>) src(%dma_wait3A_1334 : memref<1000x64xf32, #tpu.memory_space<vmem_shared>>) dst(%dma_wait3A_1328 : memref<128x64xf32, #tpu.memory_space<vmem>>)
      %dma_wait3A_1337 = arith.constant 3 : i32
      %dma_wait3A_1338 = arith.constant 384 : i32
      %dma_wait3A_1339 = arith.constant 0 : i32
      %dma_wait3A_1340 = tpu.memref_slice %arg9[%and3A_1295, %dma_wait3A_1338, %dma_wait3A_1339] : memref<2x512x64xf32, #tpu.memory_space<vmem>> -> memref<1x128x64xf32, #tpu.memory_space<vmem>>
      %dma_wait3A_1341 = tpu.memref_squeeze %dma_wait3A_1340 : memref<1x128x64xf32, #tpu.memory_space<vmem>> -> memref<128x64xf32, #tpu.memory_space<vmem>>
      %dma_wait3A_1342 = arith.constant 0 : i32
      %dma_wait3A_1343 = tpu.memref_slice %arg7[%and3A_1295, %dma_wait3A_1337, %dma_wait3A_1342] : memref<2x4x128xi32, #tpu.memory_space<vmem>> -> memref<1x1x128xi32, #tpu.memory_space<vmem>>
      %dma_wait3A_1344 = tpu.memref_squeeze %dma_wait3A_1343 : memref<1x1x128xi32, #tpu.memory_space<vmem>> -> memref<128xi32, #tpu.memory_space<vmem>>
      %dma_wait3A_1345 = arith.constant 0 : i32
      %dma_wait3A_1346 = arith.constant 0 : i32
      %dma_wait3A_1347 = tpu.memref_slice %arg12[%dma_wait3A_1345, %dma_wait3A_1346] : memref<1000x64xf32, #tpu.memory_space<vmem_shared>> -> memref<1000x64xf32, #tpu.memory_space<vmem_shared>>
      %dma_wait3A_1348 = tpu.memref_slice %arg13[%and3A_1295] : memref<2x!tpu.dma_semaphore, #tpu.memory_space<semaphore_mem>> -> memref<1x!tpu.dma_semaphore, #tpu.memory_space<semaphore_mem>>
      %dma_wait3A_1349 = tpu.memref_squeeze %dma_wait3A_1348 : memref<1x!tpu.dma_semaphore, #tpu.memory_space<semaphore_mem>> -> memref<!tpu.dma_semaphore, #tpu.memory_space<semaphore_mem>>
      tpu.wait_indirect_dma semaphore(%dma_wait3A_1349 : memref<!tpu.dma_semaphore, #tpu.memory_space<semaphore_mem>>) src(%dma_wait3A_1347 : memref<1000x64xf32, #tpu.memory_space<vmem_shared>>) dst(%dma_wait3A_1341 : memref<128x64xf32, #tpu.memory_space<vmem>>)
      %add3A_1350 = arith.constant 2 : i32
      %add3A_1351 = arith.addi %scan3A_1294, %add3A_1350 : i32
      %lt3A_1352 = arith.constant 20 : i32
      %lt3A_1353 = arith.cmpi slt, %add3A_1351, %lt3A_1352 : i32
      %convert_element_type3A_1354 = arith.extui %lt3A_1353 : i1 to i32
      %cond3A_1355 = arith.constant 0 : i32
      %cond3A_1356 = arith.cmpi ne, %convert_element_type3A_1354, %cond3A_1355 : i32
      scf.if %cond3A_1356 {
        %add3A_1392 = arith.constant 2 : i32
        %add3A_1393 = arith.addi %scan3A_1294, %add3A_1392 : i32
        %mul3A_1394 = arith.constant 512 : i32
        %mul3A_1395 = arith.muli %add3A_1393, %mul3A_1394 : i32
        %add3A_1396 = arith.addi %mul3A_2, %mul3A_1395 : i32
        %add3A_1397 = arith.constant 0 : i32
        %add3A_1398 = arith.addi %add3A_1396, %add3A_1397 : i32
        %dma_start3A_1399 = arith.constant 0 : i32
        %dma_start3A_1400 = arith.constant 0 : i32
        %dma_start3A_1401 = tpu.memref_slice %arg7[%and3A_1295, %dma_start3A_1399, %dma_start3A_1400] : memref<2x4x128xi32, #tpu.memory_space<vmem>> -> memref<1x1x128xi32, #tpu.memory_space<vmem>>
        %dma_start3A_1402 = tpu.memref_squeeze %dma_start3A_1401 : memref<1x1x128xi32, #tpu.memory_space<vmem>> -> memref<128xi32, #tpu.memory_space<vmem>>
        %dma_start3A_1403 = tpu.memref_slice %arg2[%add3A_1398] : memref<327680xi32, #tpu.memory_space<hbm>> -> memref<128xi32, #tpu.memory_space<hbm>>
        %dma_start3A_1404 = tpu.memref_slice %arg14[%and3A_1295] : memref<2x!tpu.dma_semaphore, #tpu.memory_space<semaphore_mem>> -> memref<1x!tpu.dma_semaphore, #tpu.memory_space<semaphore_mem>>
        %dma_start3A_1405 = tpu.memref_squeeze %dma_start3A_1404 : memref<1x!tpu.dma_semaphore, #tpu.memory_space<semaphore_mem>> -> memref<!tpu.dma_semaphore, #tpu.memory_space<semaphore_mem>>
        %dma_start3A_1406 = arith.constant 0 : i32
        %dma_start3A_1407 = tpu.memref_slice %arg7[%and3A_1295, %dma_start3A_1399, %dma_start3A_1406] : memref<2x4x128xi32, #tpu.memory_space<vmem>> -> memref<1x1x128xi32, #tpu.memory_space<vmem>>
        %dma_start3A_1408 = tpu.memref_squeeze %dma_start3A_1407 : memref<1x1x128xi32, #tpu.memory_space<vmem>> -> memref<128xi32, #tpu.memory_space<vmem>>
        %dma_start3A_1409 = tpu.memref_slice %arg2[%add3A_1398] : memref<327680xi32, #tpu.memory_space<hbm>> -> memref<128xi32, #tpu.memory_space<hbm>>
        tpu.enqueue_dma source(%dma_start3A_1409 : memref<128xi32, #tpu.memory_space<hbm>>) target(%dma_start3A_1408 : memref<128xi32, #tpu.memory_space<vmem>>) target_semaphore(%dma_start3A_1405 : memref<!tpu.dma_semaphore, #tpu.memory_space<semaphore_mem>>)
        %add3A_1410 = arith.constant 128 : i32
        %add3A_1411 = arith.addi %add3A_1396, %add3A_1410 : i32
        %dma_start3A_1412 = arith.constant 1 : i32
        %dma_start3A_1413 = arith.constant 0 : i32
        %dma_start3A_1414 = tpu.memref_slice %arg7[%and3A_1295, %dma_start3A_1412, %dma_start3A_1413] : memref<2x4x128xi32, #tpu.memory_space<vmem>> -> memref<1x1x128xi32, #tpu.memory_space<vmem>>
        %dma_start3A_1415 = tpu.memref_squeeze %dma_start3A_1414 : memref<1x1x128xi32, #tpu.memory_space<vmem>> -> memref<128xi32, #tpu.memory_space<vmem>>
        %dma_start3A_1416 = tpu.memref_slice %arg2[%add3A_1411] : memref<327680xi32, #tpu.memory_space<hbm>> -> memref<128xi32, #tpu.memory_space<hbm>>
        %dma_start3A_1417 = tpu.memref_slice %arg14[%and3A_1295] : memref<2x!tpu.dma_semaphore, #tpu.memory_space<semaphore_mem>> -> memref<1x!tpu.dma_semaphore, #tpu.memory_space<semaphore_mem>>
        %dma_start3A_1418 = tpu.memref_squeeze %dma_start3A_1417 : memref<1x!tpu.dma_semaphore, #tpu.memory_space<semaphore_mem>> -> memref<!tpu.dma_semaphore, #tpu.memory_space<semaphore_mem>>
        %dma_start3A_1419 = arith.constant 0 : i32
        %dma_start3A_1420 = tpu.memref_slice %arg7[%and3A_1295, %dma_start3A_1412, %dma_start3A_1419] : memref<2x4x128xi32, #tpu.memory_space<vmem>> -> memref<1x1x128xi32, #tpu.memory_space<vmem>>
        %dma_start3A_1421 = tpu.memref_squeeze %dma_start3A_1420 : memref<1x1x128xi32, #tpu.memory_space<vmem>> -> memref<128xi32, #tpu.memory_space<vmem>>
        %dma_start3A_1422 = tpu.memref_slice %arg2[%add3A_1411] : memref<327680xi32, #tpu.memory_space<hbm>> -> memref<128xi32, #tpu.memory_space<hbm>>
        tpu.enqueue_dma source(%dma_start3A_1422 : memref<128xi32, #tpu.memory_space<hbm>>) target(%dma_start3A_1421 : memref<128xi32, #tpu.memory_space<vmem>>) target_semaphore(%dma_start3A_1418 : memref<!tpu.dma_semaphore, #tpu.memory_space<semaphore_mem>>)
        %add3A_1423 = arith.constant 256 : i32
        %add3A_1424 = arith.addi %add3A_1396, %add3A_1423 : i32
        %dma_start3A_1425 = arith.constant 2 : i32
        %dma_start3A_1426 = arith.constant 0 : i32
        %dma_start3A_1427 = tpu.memref_slice %arg7[%and3A_1295, %dma_start3A_1425, %dma_start3A_1426] : memref<2x4x128xi32, #tpu.memory_space<vmem>> -> memref<1x1x128xi32, #tpu.memory_space<vmem>>
        %dma_start3A_1428 = tpu.memref_squeeze %dma_start3A_1427 : memref<1x1x128xi32, #tpu.memory_space<vmem>> -> memref<128xi32, #tpu.memory_space<vmem>>
        %dma_start3A_1429 = tpu.memref_slice %arg2[%add3A_1424] : memref<327680xi32, #tpu.memory_space<hbm>> -> memref<128xi32, #tpu.memory_space<hbm>>
        %dma_start3A_1430 = tpu.memref_slice %arg14[%and3A_1295] : memref<2x!tpu.dma_semaphore, #tpu.memory_space<semaphore_mem>> -> memref<1x!tpu.dma_semaphore, #tpu.memory_space<semaphore_mem>>
        %dma_start3A_1431 = tpu.memref_squeeze %dma_start3A_1430 : memref<1x!tpu.dma_semaphore, #tpu.memory_space<semaphore_mem>> -> memref<!tpu.dma_semaphore, #tpu.memory_space<semaphore_mem>>
        %dma_start3A_1432 = arith.constant 0 : i32
        %dma_start3A_1433 = tpu.memref_slice %arg7[%and3A_1295, %dma_start3A_1425, %dma_start3A_1432] : memref<2x4x128xi32, #tpu.memory_space<vmem>> -> memref<1x1x128xi32, #tpu.memory_space<vmem>>
        %dma_start3A_1434 = tpu.memref_squeeze %dma_start3A_1433 : memref<1x1x128xi32, #tpu.memory_space<vmem>> -> memref<128xi32, #tpu.memory_space<vmem>>
        %dma_start3A_1435 = tpu.memref_slice %arg2[%add3A_1424] : memref<327680xi32, #tpu.memory_space<hbm>> -> memref<128xi32, #tpu.memory_space<hbm>>
        tpu.enqueue_dma source(%dma_start3A_1435 : memref<128xi32, #tpu.memory_space<hbm>>) target(%dma_start3A_1434 : memref<128xi32, #tpu.memory_space<vmem>>) target_semaphore(%dma_start3A_1431 : memref<!tpu.dma_semaphore, #tpu.memory_space<semaphore_mem>>)
        %add3A_1436 = arith.constant 384 : i32
        %add3A_1437 = arith.addi %add3A_1396, %add3A_1436 : i32
        %dma_start3A_1438 = arith.constant 3 : i32
        %dma_start3A_1439 = arith.constant 0 : i32
        %dma_start3A_1440 = tpu.memref_slice %arg7[%and3A_1295, %dma_start3A_1438, %dma_start3A_1439] : memref<2x4x128xi32, #tpu.memory_space<vmem>> -> memref<1x1x128xi32, #tpu.memory_space<vmem>>
        %dma_start3A_1441 = tpu.memref_squeeze %dma_start3A_1440 : memref<1x1x128xi32, #tpu.memory_space<vmem>> -> memref<128xi32, #tpu.memory_space<vmem>>
        %dma_start3A_1442 = tpu.memref_slice %arg2[%add3A_1437] : memref<327680xi32, #tpu.memory_space<hbm>> -> memref<128xi32, #tpu.memory_space<hbm>>
        %dma_start3A_1443 = tpu.memref_slice %arg14[%and3A_1295] : memref<2x!tpu.dma_semaphore, #tpu.memory_space<semaphore_mem>> -> memref<1x!tpu.dma_semaphore, #tpu.memory_space<semaphore_mem>>
        %dma_start3A_1444 = tpu.memref_squeeze %dma_start3A_1443 : memref<1x!tpu.dma_semaphore, #tpu.memory_space<semaphore_mem>> -> memref<!tpu.dma_semaphore, #tpu.memory_space<semaphore_mem>>
        %dma_start3A_1445 = arith.constant 0 : i32
        %dma_start3A_1446 = tpu.memref_slice %arg7[%and3A_1295, %dma_start3A_1438, %dma_start3A_1445] : memref<2x4x128xi32, #tpu.memory_space<vmem>> -> memref<1x1x128xi32, #tpu.memory_space<vmem>>
        %dma_start3A_1447 = tpu.memref_squeeze %dma_start3A_1446 : memref<1x1x128xi32, #tpu.memory_space<vmem>> -> memref<128xi32, #tpu.memory_space<vmem>>
        %dma_start3A_1448 = tpu.memref_slice %arg2[%add3A_1437] : memref<327680xi32, #tpu.memory_space<hbm>> -> memref<128xi32, #tpu.memory_space<hbm>>
        tpu.enqueue_dma source(%dma_start3A_1448 : memref<128xi32, #tpu.memory_space<hbm>>) target(%dma_start3A_1447 : memref<128xi32, #tpu.memory_space<vmem>>) target_semaphore(%dma_start3A_1444 : memref<!tpu.dma_semaphore, #tpu.memory_space<semaphore_mem>>)
      } else {
      }
      %add3A_1357 = arith.constant 1 : i32
      %add3A_1358 = arith.addi %scan3A_1294, %add3A_1357 : i32
      %lt3A_1359 = arith.constant 20 : i32
      %lt3A_1360 = arith.cmpi slt, %add3A_1358, %lt3A_1359 : i32
      %convert_element_type3A_1361 = arith.extui %lt3A_1360 : i1 to i32
      %cond3A_1362 = arith.constant 0 : i32
      %cond3A_1363 = arith.cmpi ne, %convert_element_type3A_1361, %cond3A_1362 : i32
      scf.if %cond3A_1363 {
        %add3A_1392 = arith.constant 1 : i32
        %add3A_1393 = arith.addi %scan3A_1294, %add3A_1392 : i32
        %mul3A_1394 = arith.constant 512 : i32
        %mul3A_1395 = arith.muli %add3A_1393, %mul3A_1394 : i32
        %add3A_1396 = arith.addi %mul3A_2, %mul3A_1395 : i32
        %add3A_1397 = arith.constant 0 : i32
        %add3A_1398 = arith.addi %add3A_1396, %add3A_1397 : i32
        %dma_wait3A_1399 = arith.constant 0 : i32
        %dma_wait3A_1400 = arith.constant 0 : i32
        %dma_wait3A_1401 = tpu.memref_slice %arg7[%sub3A_1297, %dma_wait3A_1399, %dma_wait3A_1400] : memref<2x4x128xi32, #tpu.memory_space<vmem>> -> memref<1x1x128xi32, #tpu.memory_space<vmem>>
        %dma_wait3A_1402 = tpu.memref_squeeze %dma_wait3A_1401 : memref<1x1x128xi32, #tpu.memory_space<vmem>> -> memref<128xi32, #tpu.memory_space<vmem>>
        %dma_wait3A_1403 = tpu.memref_slice %arg2[%add3A_1398] : memref<327680xi32, #tpu.memory_space<hbm>> -> memref<128xi32, #tpu.memory_space<hbm>>
        %dma_wait3A_1404 = tpu.memref_slice %arg14[%sub3A_1297] : memref<2x!tpu.dma_semaphore, #tpu.memory_space<semaphore_mem>> -> memref<1x!tpu.dma_semaphore, #tpu.memory_space<semaphore_mem>>
        %dma_wait3A_1405 = tpu.memref_squeeze %dma_wait3A_1404 : memref<1x!tpu.dma_semaphore, #tpu.memory_space<semaphore_mem>> -> memref<!tpu.dma_semaphore, #tpu.memory_space<semaphore_mem>>
        %dma_wait3A_1406 = arith.constant 0 : i32
        %dma_wait3A_1407 = tpu.memref_slice %arg7[%sub3A_1297, %dma_wait3A_1399, %dma_wait3A_1406] : memref<2x4x128xi32, #tpu.memory_space<vmem>> -> memref<1x1x128xi32, #tpu.memory_space<vmem>>
        %dma_wait3A_1408 = tpu.memref_squeeze %dma_wait3A_1407 : memref<1x1x128xi32, #tpu.memory_space<vmem>> -> memref<128xi32, #tpu.memory_space<vmem>>
        %dma_wait3A_1409 = tpu.memref_slice %arg2[%add3A_1398] : memref<327680xi32, #tpu.memory_space<hbm>> -> memref<128xi32, #tpu.memory_space<hbm>>
        tpu.wait_dma2 semaphore(%dma_wait3A_1405 : memref<!tpu.dma_semaphore, #tpu.memory_space<semaphore_mem>>) src(%dma_wait3A_1409 : memref<128xi32, #tpu.memory_space<hbm>>) dst(%dma_wait3A_1408 : memref<128xi32, #tpu.memory_space<vmem>>)
        %add3A_1410 = arith.constant 128 : i32
        %add3A_1411 = arith.addi %add3A_1396, %add3A_1410 : i32
        %dma_wait3A_1412 = arith.constant 1 : i32
        %dma_wait3A_1413 = arith.constant 0 : i32
        %dma_wait3A_1414 = tpu.memref_slice %arg7[%sub3A_1297, %dma_wait3A_1412, %dma_wait3A_1413] : memref<2x4x128xi32, #tpu.memory_space<vmem>> -> memref<1x1x128xi32, #tpu.memory_space<vmem>>
        %dma_wait3A_1415 = tpu.memref_squeeze %dma_wait3A_1414 : memref<1x1x128xi32, #tpu.memory_space<vmem>> -> memref<128xi32, #tpu.memory_space<vmem>>
        %dma_wait3A_1416 = tpu.memref_slice %arg2[%add3A_1411] : memref<327680xi32, #tpu.memory_space<hbm>> -> memref<128xi32, #tpu.memory_space<hbm>>
        %dma_wait3A_1417 = tpu.memref_slice %arg14[%sub3A_1297] : memref<2x!tpu.dma_semaphore, #tpu.memory_space<semaphore_mem>> -> memref<1x!tpu.dma_semaphore, #tpu.memory_space<semaphore_mem>>
        %dma_wait3A_1418 = tpu.memref_squeeze %dma_wait3A_1417 : memref<1x!tpu.dma_semaphore, #tpu.memory_space<semaphore_mem>> -> memref<!tpu.dma_semaphore, #tpu.memory_space<semaphore_mem>>
        %dma_wait3A_1419 = arith.constant 0 : i32
        %dma_wait3A_1420 = tpu.memref_slice %arg7[%sub3A_1297, %dma_wait3A_1412, %dma_wait3A_1419] : memref<2x4x128xi32, #tpu.memory_space<vmem>> -> memref<1x1x128xi32, #tpu.memory_space<vmem>>
        %dma_wait3A_1421 = tpu.memref_squeeze %dma_wait3A_1420 : memref<1x1x128xi32, #tpu.memory_space<vmem>> -> memref<128xi32, #tpu.memory_space<vmem>>
        %dma_wait3A_1422 = tpu.memref_slice %arg2[%add3A_1411] : memref<327680xi32, #tpu.memory_space<hbm>> -> memref<128xi32, #tpu.memory_space<hbm>>
        tpu.wait_dma2 semaphore(%dma_wait3A_1418 : memref<!tpu.dma_semaphore, #tpu.memory_space<semaphore_mem>>) src(%dma_wait3A_1422 : memref<128xi32, #tpu.memory_space<hbm>>) dst(%dma_wait3A_1421 : memref<128xi32, #tpu.memory_space<vmem>>)
        %add3A_1423 = arith.constant 256 : i32
        %add3A_1424 = arith.addi %add3A_1396, %add3A_1423 : i32
        %dma_wait3A_1425 = arith.constant 2 : i32
        %dma_wait3A_1426 = arith.constant 0 : i32
        %dma_wait3A_1427 = tpu.memref_slice %arg7[%sub3A_1297, %dma_wait3A_1425, %dma_wait3A_1426] : memref<2x4x128xi32, #tpu.memory_space<vmem>> -> memref<1x1x128xi32, #tpu.memory_space<vmem>>
        %dma_wait3A_1428 = tpu.memref_squeeze %dma_wait3A_1427 : memref<1x1x128xi32, #tpu.memory_space<vmem>> -> memref<128xi32, #tpu.memory_space<vmem>>
        %dma_wait3A_1429 = tpu.memref_slice %arg2[%add3A_1424] : memref<327680xi32, #tpu.memory_space<hbm>> -> memref<128xi32, #tpu.memory_space<hbm>>
        %dma_wait3A_1430 = tpu.memref_slice %arg14[%sub3A_1297] : memref<2x!tpu.dma_semaphore, #tpu.memory_space<semaphore_mem>> -> memref<1x!tpu.dma_semaphore, #tpu.memory_space<semaphore_mem>>
        %dma_wait3A_1431 = tpu.memref_squeeze %dma_wait3A_1430 : memref<1x!tpu.dma_semaphore, #tpu.memory_space<semaphore_mem>> -> memref<!tpu.dma_semaphore, #tpu.memory_space<semaphore_mem>>
        %dma_wait3A_1432 = arith.constant 0 : i32
        %dma_wait3A_1433 = tpu.memref_slice %arg7[%sub3A_1297, %dma_wait3A_1425, %dma_wait3A_1432] : memref<2x4x128xi32, #tpu.memory_space<vmem>> -> memref<1x1x128xi32, #tpu.memory_space<vmem>>
        %dma_wait3A_1434 = tpu.memref_squeeze %dma_wait3A_1433 : memref<1x1x128xi32, #tpu.memory_space<vmem>> -> memref<128xi32, #tpu.memory_space<vmem>>
        %dma_wait3A_1435 = tpu.memref_slice %arg2[%add3A_1424] : memref<327680xi32, #tpu.memory_space<hbm>> -> memref<128xi32, #tpu.memory_space<hbm>>
        tpu.wait_dma2 semaphore(%dma_wait3A_1431 : memref<!tpu.dma_semaphore, #tpu.memory_space<semaphore_mem>>) src(%dma_wait3A_1435 : memref<128xi32, #tpu.memory_space<hbm>>) dst(%dma_wait3A_1434 : memref<128xi32, #tpu.memory_space<vmem>>)
        %add3A_1436 = arith.constant 384 : i32
        %add3A_1437 = arith.addi %add3A_1396, %add3A_1436 : i32
        %dma_wait3A_1438 = arith.constant 3 : i32
        %dma_wait3A_1439 = arith.constant 0 : i32
        %dma_wait3A_1440 = tpu.memref_slice %arg7[%sub3A_1297, %dma_wait3A_1438, %dma_wait3A_1439] : memref<2x4x128xi32, #tpu.memory_space<vmem>> -> memref<1x1x128xi32, #tpu.memory_space<vmem>>
        %dma_wait3A_1441 = tpu.memref_squeeze %dma_wait3A_1440 : memref<1x1x128xi32, #tpu.memory_space<vmem>> -> memref<128xi32, #tpu.memory_space<vmem>>
        %dma_wait3A_1442 = tpu.memref_slice %arg2[%add3A_1437] : memref<327680xi32, #tpu.memory_space<hbm>> -> memref<128xi32, #tpu.memory_space<hbm>>
        %dma_wait3A_1443 = tpu.memref_slice %arg14[%sub3A_1297] : memref<2x!tpu.dma_semaphore, #tpu.memory_space<semaphore_mem>> -> memref<1x!tpu.dma_semaphore, #tpu.memory_space<semaphore_mem>>
        %dma_wait3A_1444 = tpu.memref_squeeze %dma_wait3A_1443 : memref<1x!tpu.dma_semaphore, #tpu.memory_space<semaphore_mem>> -> memref<!tpu.dma_semaphore, #tpu.memory_space<semaphore_mem>>
        %dma_wait3A_1445 = arith.constant 0 : i32
        %dma_wait3A_1446 = tpu.memref_slice %arg7[%sub3A_1297, %dma_wait3A_1438, %dma_wait3A_1445] : memref<2x4x128xi32, #tpu.memory_space<vmem>> -> memref<1x1x128xi32, #tpu.memory_space<vmem>>
        %dma_wait3A_1447 = tpu.memref_squeeze %dma_wait3A_1446 : memref<1x1x128xi32, #tpu.memory_space<vmem>> -> memref<128xi32, #tpu.memory_space<vmem>>
        %dma_wait3A_1448 = tpu.memref_slice %arg2[%add3A_1437] : memref<327680xi32, #tpu.memory_space<hbm>> -> memref<128xi32, #tpu.memory_space<hbm>>
        tpu.wait_dma2 semaphore(%dma_wait3A_1444 : memref<!tpu.dma_semaphore, #tpu.memory_space<semaphore_mem>>) src(%dma_wait3A_1448 : memref<128xi32, #tpu.memory_space<hbm>>) dst(%dma_wait3A_1447 : memref<128xi32, #tpu.memory_space<vmem>>)
        %ge3A_1449 = arith.constant 1 : i32
        %ge3A_1450 = arith.cmpi sge, %scan3A_1294, %ge3A_1449 : i32
        %convert_element_type3A_1451 = arith.extui %ge3A_1450 : i1 to i32
        %cond3A_1452 = arith.constant 0 : i32
        %cond3A_1453 = arith.cmpi ne, %convert_element_type3A_1451, %cond3A_1452 : i32
        scf.if %cond3A_1453 {
          %sub3A_1506 = arith.constant 1 : i32
          %sub3A_1507 = arith.subi %scan3A_1294, %sub3A_1506 : i32
          %mul3A_1508 = arith.constant 512 : i32
          %mul3A_1509 = arith.muli %sub3A_1507, %mul3A_1508 : i32
          %add3A_1510 = arith.addi %mul3A_2, %mul3A_1509 : i32
          %rem3A_1511 = arith.remsi %add3A_1510, %squeeze3A : i32
          %dma_wait3A_1512 = arith.constant 0 : i32
          %dma_wait3A_1513 = arith.constant 0 : i32
          %dma_wait3A_1514 = tpu.memref_slice %arg9[%sub3A_1297, %dma_wait3A_1512, %dma_wait3A_1513] : memref<2x512x64xf32, #tpu.memory_space<vmem>> -> memref<1x512x64xf32, #tpu.memory_space<vmem>>
          %dma_wait3A_1515 = tpu.memref_squeeze %dma_wait3A_1514 : memref<1x512x64xf32, #tpu.memory_space<vmem>> -> memref<512x64xf32, #tpu.memory_space<vmem>>
          %dma_wait3A_1516 = arith.constant 0 : i32
          %dma_wait3A_1517 = tpu.memref_slice %arg6[%add3A_1510, %dma_wait3A_1516] : memref<327680x128xf32, #tpu.memory_space<hbm>> -> memref<512x64xf32, #tpu.memory_space<hbm>>
          %dma_wait3A_1518 = tpu.memref_slice %arg15[%sub3A_1297] : memref<2x!tpu.dma_semaphore, #tpu.memory_space<semaphore_mem>> -> memref<1x!tpu.dma_semaphore, #tpu.memory_space<semaphore_mem>>
          %dma_wait3A_1519 = tpu.memref_squeeze %dma_wait3A_1518 : memref<1x!tpu.dma_semaphore, #tpu.memory_space<semaphore_mem>> -> memref<!tpu.dma_semaphore, #tpu.memory_space<semaphore_mem>>
          %dma_wait3A_1520 = arith.constant 0 : i32
          %dma_wait3A_1521 = tpu.memref_slice %arg6[%add3A_1510, %dma_wait3A_1520] : memref<327680x128xf32, #tpu.memory_space<hbm>> -> memref<512x64xf32, #tpu.memory_space<hbm>>
          %dma_wait3A_1522 = arith.constant 0 : i32
          %dma_wait3A_1523 = arith.constant 0 : i32
          %dma_wait3A_1524 = tpu.memref_slice %arg9[%sub3A_1297, %dma_wait3A_1522, %dma_wait3A_1523] : memref<2x512x64xf32, #tpu.memory_space<vmem>> -> memref<1x512x64xf32, #tpu.memory_space<vmem>>
          %dma_wait3A_1525 = tpu.memref_squeeze %dma_wait3A_1524 : memref<1x512x64xf32, #tpu.memory_space<vmem>> -> memref<512x64xf32, #tpu.memory_space<vmem>>
          tpu.wait_dma2 semaphore(%dma_wait3A_1519 : memref<!tpu.dma_semaphore, #tpu.memory_space<semaphore_mem>>) src(%dma_wait3A_1525 : memref<512x64xf32, #tpu.memory_space<vmem>>) dst(%dma_wait3A_1521 : memref<512x64xf32, #tpu.memory_space<hbm>>)
          %dma_wait3A_1526 = arith.constant 0 : i32
          %dma_wait3A_1527 = tpu.memref_slice %arg10[%rem3A_1511, %dma_wait3A_1526] : memref<640x64xf32, #tpu.memory_space<vmem>> -> memref<512x64xf32, #tpu.memory_space<vmem>>
          %dma_wait3A_1528 = arith.constant 64 : i32
          %dma_wait3A_1529 = tpu.memref_slice %arg6[%add3A_1510, %dma_wait3A_1528] : memref<327680x128xf32, #tpu.memory_space<hbm>> -> memref<512x64xf32, #tpu.memory_space<hbm>>
          %dma_wait3A_1530 = tpu.memref_slice %arg15[%sub3A_1297] : memref<2x!tpu.dma_semaphore, #tpu.memory_space<semaphore_mem>> -> memref<1x!tpu.dma_semaphore, #tpu.memory_space<semaphore_mem>>
          %dma_wait3A_1531 = tpu.memref_squeeze %dma_wait3A_1530 : memref<1x!tpu.dma_semaphore, #tpu.memory_space<semaphore_mem>> -> memref<!tpu.dma_semaphore, #tpu.memory_space<semaphore_mem>>
          %dma_wait3A_1532 = arith.constant 64 : i32
          %dma_wait3A_1533 = tpu.memref_slice %arg6[%add3A_1510, %dma_wait3A_1532] : memref<327680x128xf32, #tpu.memory_space<hbm>> -> memref<512x64xf32, #tpu.memory_space<hbm>>
          %dma_wait3A_1534 = arith.constant 0 : i32
          %dma_wait3A_1535 = tpu.memref_slice %arg10[%rem3A_1511, %dma_wait3A_1534] : memref<640x64xf32, #tpu.memory_space<vmem>> -> memref<512x64xf32, #tpu.memory_space<vmem>>
          tpu.wait_dma2 semaphore(%dma_wait3A_1531 : memref<!tpu.dma_semaphore, #tpu.memory_space<semaphore_mem>>) src(%dma_wait3A_1535 : memref<512x64xf32, #tpu.memory_space<vmem>>) dst(%dma_wait3A_1533 : memref<512x64xf32, #tpu.memory_space<hbm>>)
        } else {
        }
        %dma_start3A_1454 = arith.constant 0 : i32
        %dma_start3A_1455 = arith.constant 0 : i32
        %dma_start3A_1456 = arith.constant 0 : i32
        %dma_start3A_1457 = tpu.memref_slice %arg9[%sub3A_1297, %dma_start3A_1455, %dma_start3A_1456] : memref<2x512x64xf32, #tpu.memory_space<vmem>> -> memref<1x128x64xf32, #tpu.memory_space<vmem>>
        %dma_start3A_1458 = tpu.memref_squeeze %dma_start3A_1457 : memref<1x128x64xf32, #tpu.memory_space<vmem>> -> memref<128x64xf32, #tpu.memory_space<vmem>>
        %dma_start3A_1459 = arith.constant 0 : i32
        %dma_start3A_1460 = tpu.memref_slice %arg7[%sub3A_1297, %dma_start3A_1454, %dma_start3A_1459] : memref<2x4x128xi32, #tpu.memory_space<vmem>> -> memref<1x1x128xi32, #tpu.memory_space<vmem>>
        %dma_start3A_1461 = tpu.memref_squeeze %dma_start3A_1460 : memref<1x1x128xi32, #tpu.memory_space<vmem>> -> memref<128xi32, #tpu.memory_space<vmem>>
        %dma_start3A_1462 = arith.constant 0 : i32
        %dma_start3A_1463 = arith.constant 0 : i32
        %dma_start3A_1464 = tpu.memref_slice %arg12[%dma_start3A_1462, %dma_start3A_1463] : memref<1000x64xf32, #tpu.memory_space<vmem_shared>> -> memref<1000x64xf32, #tpu.memory_space<vmem_shared>>
        %dma_start3A_1465 = tpu.memref_slice %arg13[%sub3A_1297] : memref<2x!tpu.dma_semaphore, #tpu.memory_space<semaphore_mem>> -> memref<1x!tpu.dma_semaphore, #tpu.memory_space<semaphore_mem>>
        %dma_start3A_1466 = tpu.memref_squeeze %dma_start3A_1465 : memref<1x!tpu.dma_semaphore, #tpu.memory_space<semaphore_mem>> -> memref<!tpu.dma_semaphore, #tpu.memory_space<semaphore_mem>>
        tpu.enqueue_indirect_dma source(%dma_start3A_1464 : memref<1000x64xf32, #tpu.memory_space<vmem_shared>>) target(%dma_start3A_1458 : memref<128x64xf32, #tpu.memory_space<vmem>>) offsets(%dma_start3A_1461 : memref<128xi32, #tpu.memory_space<vmem>>) semaphore(%dma_start3A_1466 : memref<!tpu.dma_semaphore, #tpu.memory_space<semaphore_mem>>)
        %dma_start3A_1467 = arith.constant 1 : i32
        %dma_start3A_1468 = arith.constant 128 : i32
        %dma_start3A_1469 = arith.constant 0 : i32
        %dma_start3A_1470 = tpu.memref_slice %arg9[%sub3A_1297, %dma_start3A_1468, %dma_start3A_1469] : memref<2x512x64xf32, #tpu.memory_space<vmem>> -> memref<1x128x64xf32, #tpu.memory_space<vmem>>
        %dma_start3A_1471 = tpu.memref_squeeze %dma_start3A_1470 : memref<1x128x64xf32, #tpu.memory_space<vmem>> -> memref<128x64xf32, #tpu.memory_space<vmem>>
        %dma_start3A_1472 = arith.constant 0 : i32
        %dma_start3A_1473 = tpu.memref_slice %arg7[%sub3A_1297, %dma_start3A_1467, %dma_start3A_1472] : memref<2x4x128xi32, #tpu.memory_space<vmem>> -> memref<1x1x128xi32, #tpu.memory_space<vmem>>
        %dma_start3A_1474 = tpu.memref_squeeze %dma_start3A_1473 : memref<1x1x128xi32, #tpu.memory_space<vmem>> -> memref<128xi32, #tpu.memory_space<vmem>>
        %dma_start3A_1475 = arith.constant 0 : i32
        %dma_start3A_1476 = arith.constant 0 : i32
        %dma_start3A_1477 = tpu.memref_slice %arg12[%dma_start3A_1475, %dma_start3A_1476] : memref<1000x64xf32, #tpu.memory_space<vmem_shared>> -> memref<1000x64xf32, #tpu.memory_space<vmem_shared>>
        %dma_start3A_1478 = tpu.memref_slice %arg13[%sub3A_1297] : memref<2x!tpu.dma_semaphore, #tpu.memory_space<semaphore_mem>> -> memref<1x!tpu.dma_semaphore, #tpu.memory_space<semaphore_mem>>
        %dma_start3A_1479 = tpu.memref_squeeze %dma_start3A_1478 : memref<1x!tpu.dma_semaphore, #tpu.memory_space<semaphore_mem>> -> memref<!tpu.dma_semaphore, #tpu.memory_space<semaphore_mem>>
        tpu.enqueue_indirect_dma source(%dma_start3A_1477 : memref<1000x64xf32, #tpu.memory_space<vmem_shared>>) target(%dma_start3A_1471 : memref<128x64xf32, #tpu.memory_space<vmem>>) offsets(%dma_start3A_1474 : memref<128xi32, #tpu.memory_space<vmem>>) semaphore(%dma_start3A_1479 : memref<!tpu.dma_semaphore, #tpu.memory_space<semaphore_mem>>)
        %dma_start3A_1480 = arith.constant 2 : i32
        %dma_start3A_1481 = arith.constant 256 : i32
        %dma_start3A_1482 = arith.constant 0 : i32
        %dma_start3A_1483 = tpu.memref_slice %arg9[%sub3A_1297, %dma_start3A_1481, %dma_start3A_1482] : memref<2x512x64xf32, #tpu.memory_space<vmem>> -> memref<1x128x64xf32, #tpu.memory_space<vmem>>
        %dma_start3A_1484 = tpu.memref_squeeze %dma_start3A_1483 : memref<1x128x64xf32, #tpu.memory_space<vmem>> -> memref<128x64xf32, #tpu.memory_space<vmem>>
        %dma_start3A_1485 = arith.constant 0 : i32
        %dma_start3A_1486 = tpu.memref_slice %arg7[%sub3A_1297, %dma_start3A_1480, %dma_start3A_1485] : memref<2x4x128xi32, #tpu.memory_space<vmem>> -> memref<1x1x128xi32, #tpu.memory_space<vmem>>
        %dma_start3A_1487 = tpu.memref_squeeze %dma_start3A_1486 : memref<1x1x128xi32, #tpu.memory_space<vmem>> -> memref<128xi32, #tpu.memory_space<vmem>>
        %dma_start3A_1488 = arith.constant 0 : i32
        %dma_start3A_1489 = arith.constant 0 : i32
        %dma_start3A_1490 = tpu.memref_slice %arg12[%dma_start3A_1488, %dma_start3A_1489] : memref<1000x64xf32, #tpu.memory_space<vmem_shared>> -> memref<1000x64xf32, #tpu.memory_space<vmem_shared>>
        %dma_start3A_1491 = tpu.memref_slice %arg13[%sub3A_1297] : memref<2x!tpu.dma_semaphore, #tpu.memory_space<semaphore_mem>> -> memref<1x!tpu.dma_semaphore, #tpu.memory_space<semaphore_mem>>
        %dma_start3A_1492 = tpu.memref_squeeze %dma_start3A_1491 : memref<1x!tpu.dma_semaphore, #tpu.memory_space<semaphore_mem>> -> memref<!tpu.dma_semaphore, #tpu.memory_space<semaphore_mem>>
        tpu.enqueue_indirect_dma source(%dma_start3A_1490 : memref<1000x64xf32, #tpu.memory_space<vmem_shared>>) target(%dma_start3A_1484 : memref<128x64xf32, #tpu.memory_space<vmem>>) offsets(%dma_start3A_1487 : memref<128xi32, #tpu.memory_space<vmem>>) semaphore(%dma_start3A_1492 : memref<!tpu.dma_semaphore, #tpu.memory_space<semaphore_mem>>)
        %dma_start3A_1493 = arith.constant 3 : i32
        %dma_start3A_1494 = arith.constant 384 : i32
        %dma_start3A_1495 = arith.constant 0 : i32
        %dma_start3A_1496 = tpu.memref_slice %arg9[%sub3A_1297, %dma_start3A_1494, %dma_start3A_1495] : memref<2x512x64xf32, #tpu.memory_space<vmem>> -> memref<1x128x64xf32, #tpu.memory_space<vmem>>
        %dma_start3A_1497 = tpu.memref_squeeze %dma_start3A_1496 : memref<1x128x64xf32, #tpu.memory_space<vmem>> -> memref<128x64xf32, #tpu.memory_space<vmem>>
        %dma_start3A_1498 = arith.constant 0 : i32
        %dma_start3A_1499 = tpu.memref_slice %arg7[%sub3A_1297, %dma_start3A_1493, %dma_start3A_1498] : memref<2x4x128xi32, #tpu.memory_space<vmem>> -> memref<1x1x128xi32, #tpu.memory_space<vmem>>
        %dma_start3A_1500 = tpu.memref_squeeze %dma_start3A_1499 : memref<1x1x128xi32, #tpu.memory_space<vmem>> -> memref<128xi32, #tpu.memory_space<vmem>>
        %dma_start3A_1501 = arith.constant 0 : i32
        %dma_start3A_1502 = arith.constant 0 : i32
        %dma_start3A_1503 = tpu.memref_slice %arg12[%dma_start3A_1501, %dma_start3A_1502] : memref<1000x64xf32, #tpu.memory_space<vmem_shared>> -> memref<1000x64xf32, #tpu.memory_space<vmem_shared>>
        %dma_start3A_1504 = tpu.memref_slice %arg13[%sub3A_1297] : memref<2x!tpu.dma_semaphore, #tpu.memory_space<semaphore_mem>> -> memref<1x!tpu.dma_semaphore, #tpu.memory_space<semaphore_mem>>
        %dma_start3A_1505 = tpu.memref_squeeze %dma_start3A_1504 : memref<1x!tpu.dma_semaphore, #tpu.memory_space<semaphore_mem>> -> memref<!tpu.dma_semaphore, #tpu.memory_space<semaphore_mem>>
        tpu.enqueue_indirect_dma source(%dma_start3A_1503 : memref<1000x64xf32, #tpu.memory_space<vmem_shared>>) target(%dma_start3A_1497 : memref<128x64xf32, #tpu.memory_space<vmem>>) offsets(%dma_start3A_1500 : memref<128xi32, #tpu.memory_space<vmem>>) semaphore(%dma_start3A_1505 : memref<!tpu.dma_semaphore, #tpu.memory_space<semaphore_mem>>)
      } else {
      }
      %mul3A_1364 = arith.constant 512 : i32
      %mul3A_1365 = arith.muli %scan3A_1294, %mul3A_1364 : i32
      %add3A_1366 = arith.addi %mul3A_2, %mul3A_1365 : i32
      %rem3A_1367 = arith.remsi %add3A_1366, %squeeze3A : i32
      %dma_start3A_1368 = arith.constant 0 : i32
      %dma_start3A_1369 = arith.constant 0 : i32
      %dma_start3A_1370 = tpu.memref_slice %arg9[%and3A_1295, %dma_start3A_1368, %dma_start3A_1369] : memref<2x512x64xf32, #tpu.memory_space<vmem>> -> memref<1x512x64xf32, #tpu.memory_space<vmem>>
      %dma_start3A_1371 = tpu.memref_squeeze %dma_start3A_1370 : memref<1x512x64xf32, #tpu.memory_space<vmem>> -> memref<512x64xf32, #tpu.memory_space<vmem>>
      %dma_start3A_1372 = arith.constant 0 : i32
      %dma_start3A_1373 = tpu.memref_slice %arg6[%add3A_1366, %dma_start3A_1372] : memref<327680x128xf32, #tpu.memory_space<hbm>> -> memref<512x64xf32, #tpu.memory_space<hbm>>
      %dma_start3A_1374 = tpu.memref_slice %arg15[%and3A_1295] : memref<2x!tpu.dma_semaphore, #tpu.memory_space<semaphore_mem>> -> memref<1x!tpu.dma_semaphore, #tpu.memory_space<semaphore_mem>>
      %dma_start3A_1375 = tpu.memref_squeeze %dma_start3A_1374 : memref<1x!tpu.dma_semaphore, #tpu.memory_space<semaphore_mem>> -> memref<!tpu.dma_semaphore, #tpu.memory_space<semaphore_mem>>
      %dma_start3A_1376 = arith.constant 0 : i32
      %dma_start3A_1377 = tpu.memref_slice %arg6[%add3A_1366, %dma_start3A_1376] : memref<327680x128xf32, #tpu.memory_space<hbm>> -> memref<512x64xf32, #tpu.memory_space<hbm>>
      %dma_start3A_1378 = arith.constant 0 : i32
      %dma_start3A_1379 = arith.constant 0 : i32
      %dma_start3A_1380 = tpu.memref_slice %arg9[%and3A_1295, %dma_start3A_1378, %dma_start3A_1379] : memref<2x512x64xf32, #tpu.memory_space<vmem>> -> memref<1x512x64xf32, #tpu.memory_space<vmem>>
      %dma_start3A_1381 = tpu.memref_squeeze %dma_start3A_1380 : memref<1x512x64xf32, #tpu.memory_space<vmem>> -> memref<512x64xf32, #tpu.memory_space<vmem>>
      tpu.enqueue_dma source(%dma_start3A_1381 : memref<512x64xf32, #tpu.memory_space<vmem>>) target(%dma_start3A_1377 : memref<512x64xf32, #tpu.memory_space<hbm>>) target_semaphore(%dma_start3A_1375 : memref<!tpu.dma_semaphore, #tpu.memory_space<semaphore_mem>>)
      %dma_start3A_1382 = arith.constant 0 : i32
      %dma_start3A_1383 = tpu.memref_slice %arg10[%rem3A_1367, %dma_start3A_1382] : memref<640x64xf32, #tpu.memory_space<vmem>> -> memref<512x64xf32, #tpu.memory_space<vmem>>
      %dma_start3A_1384 = arith.constant 64 : i32
      %dma_start3A_1385 = tpu.memref_slice %arg6[%add3A_1366, %dma_start3A_1384] : memref<327680x128xf32, #tpu.memory_space<hbm>> -> memref<512x64xf32, #tpu.memory_space<hbm>>
      %dma_start3A_1386 = tpu.memref_slice %arg15[%and3A_1295] : memref<2x!tpu.dma_semaphore, #tpu.memory_space<semaphore_mem>> -> memref<1x!tpu.dma_semaphore, #tpu.memory_space<semaphore_mem>>
      %dma_start3A_1387 = tpu.memref_squeeze %dma_start3A_1386 : memref<1x!tpu.dma_semaphore, #tpu.memory_space<semaphore_mem>> -> memref<!tpu.dma_semaphore, #tpu.memory_space<semaphore_mem>>
      %dma_start3A_1388 = arith.constant 64 : i32
      %dma_start3A_1389 = tpu.memref_slice %arg6[%add3A_1366, %dma_start3A_1388] : memref<327680x128xf32, #tpu.memory_space<hbm>> -> memref<512x64xf32, #tpu.memory_space<hbm>>
      %dma_start3A_1390 = arith.constant 0 : i32
      %dma_start3A_1391 = tpu.memref_slice %arg10[%rem3A_1367, %dma_start3A_1390] : memref<640x64xf32, #tpu.memory_space<vmem>> -> memref<512x64xf32, #tpu.memory_space<vmem>>
      tpu.enqueue_dma source(%dma_start3A_1391 : memref<512x64xf32, #tpu.memory_space<vmem>>) target(%dma_start3A_1389 : memref<512x64xf32, #tpu.memory_space<hbm>>) target_semaphore(%dma_start3A_1387 : memref<!tpu.dma_semaphore, #tpu.memory_space<semaphore_mem>>)
    }
    %scan3A_1234 = arith.constant 20 : i32
    %add3A_1235 = arith.constant 9216 : i32
    %add3A_1236 = arith.addi %mul3A_2, %add3A_1235 : i32
    %rem3A = arith.remsi %add3A_1236, %squeeze3A : i32
    %dma_wait3A_1237 = arith.constant 0 : i32
    %dma_wait3A_1238 = arith.constant 0 : i32
    %dma_wait3A_1239 = arith.constant 0 : i32
    %dma_wait3A_1240 = arith.constant 0 : i32
    %dma_wait3A_1241 = tpu.memref_slice %arg9[%dma_wait3A_1237, %dma_wait3A_1239, %dma_wait3A_1240] : memref<2x512x64xf32, #tpu.memory_space<vmem>> -> memref<1x512x64xf32, #tpu.memory_space<vmem>>
    %dma_wait3A_1242 = tpu.memref_squeeze %dma_wait3A_1241 : memref<1x512x64xf32, #tpu.memory_space<vmem>> -> memref<512x64xf32, #tpu.memory_space<vmem>>
    %dma_wait3A_1243 = arith.constant 0 : i32
    %dma_wait3A_1244 = tpu.memref_slice %arg6[%add3A_1236, %dma_wait3A_1243] : memref<327680x128xf32, #tpu.memory_space<hbm>> -> memref<512x64xf32, #tpu.memory_space<hbm>>
    %dma_wait3A_1245 = tpu.memref_slice %arg15[%dma_wait3A_1238] : memref<2x!tpu.dma_semaphore, #tpu.memory_space<semaphore_mem>> -> memref<1x!tpu.dma_semaphore, #tpu.memory_space<semaphore_mem>>
    %dma_wait3A_1246 = tpu.memref_squeeze %dma_wait3A_1245 : memref<1x!tpu.dma_semaphore, #tpu.memory_space<semaphore_mem>> -> memref<!tpu.dma_semaphore, #tpu.memory_space<semaphore_mem>>
    %dma_wait3A_1247 = arith.constant 0 : i32
    %dma_wait3A_1248 = tpu.memref_slice %arg6[%add3A_1236, %dma_wait3A_1247] : memref<327680x128xf32, #tpu.memory_space<hbm>> -> memref<512x64xf32, #tpu.memory_space<hbm>>
    %dma_wait3A_1249 = arith.constant 0 : i32
    %dma_wait3A_1250 = arith.constant 0 : i32
    %dma_wait3A_1251 = tpu.memref_slice %arg9[%dma_wait3A_1237, %dma_wait3A_1249, %dma_wait3A_1250] : memref<2x512x64xf32, #tpu.memory_space<vmem>> -> memref<1x512x64xf32, #tpu.memory_space<vmem>>
    %dma_wait3A_1252 = tpu.memref_squeeze %dma_wait3A_1251 : memref<1x512x64xf32, #tpu.memory_space<vmem>> -> memref<512x64xf32, #tpu.memory_space<vmem>>
    tpu.wait_dma2 semaphore(%dma_wait3A_1246 : memref<!tpu.dma_semaphore, #tpu.memory_space<semaphore_mem>>) src(%dma_wait3A_1252 : memref<512x64xf32, #tpu.memory_space<vmem>>) dst(%dma_wait3A_1248 : memref<512x64xf32, #tpu.memory_space<hbm>>)
    %dma_wait3A_1253 = arith.constant 0 : i32
    %dma_wait3A_1254 = arith.constant 0 : i32
    %dma_wait3A_1255 = tpu.memref_slice %arg10[%rem3A, %dma_wait3A_1254] : memref<640x64xf32, #tpu.memory_space<vmem>> -> memref<512x64xf32, #tpu.memory_space<vmem>>
    %dma_wait3A_1256 = arith.constant 64 : i32
    %dma_wait3A_1257 = tpu.memref_slice %arg6[%add3A_1236, %dma_wait3A_1256] : memref<327680x128xf32, #tpu.memory_space<hbm>> -> memref<512x64xf32, #tpu.memory_space<hbm>>
    %dma_wait3A_1258 = tpu.memref_slice %arg15[%dma_wait3A_1253] : memref<2x!tpu.dma_semaphore, #tpu.memory_space<semaphore_mem>> -> memref<1x!tpu.dma_semaphore, #tpu.memory_space<semaphore_mem>>
    %dma_wait3A_1259 = tpu.memref_squeeze %dma_wait3A_1258 : memref<1x!tpu.dma_semaphore, #tpu.memory_space<semaphore_mem>> -> memref<!tpu.dma_semaphore, #tpu.memory_space<semaphore_mem>>
    %dma_wait3A_1260 = arith.constant 64 : i32
    %dma_wait3A_1261 = tpu.memref_slice %arg6[%add3A_1236, %dma_wait3A_1260] : memref<327680x128xf32, #tpu.memory_space<hbm>> -> memref<512x64xf32, #tpu.memory_space<hbm>>
    %dma_wait3A_1262 = arith.constant 0 : i32
    %dma_wait3A_1263 = tpu.memref_slice %arg10[%rem3A, %dma_wait3A_1262] : memref<640x64xf32, #tpu.memory_space<vmem>> -> memref<512x64xf32, #tpu.memory_space<vmem>>
    tpu.wait_dma2 semaphore(%dma_wait3A_1259 : memref<!tpu.dma_semaphore, #tpu.memory_space<semaphore_mem>>) src(%dma_wait3A_1263 : memref<512x64xf32, #tpu.memory_space<vmem>>) dst(%dma_wait3A_1261 : memref<512x64xf32, #tpu.memory_space<hbm>>)
    %add3A_1264 = arith.constant 9728 : i32
    %add3A_1265 = arith.addi %mul3A_2, %add3A_1264 : i32
    %rem3A_1266 = arith.remsi %add3A_1265, %squeeze3A : i32
    %dma_wait3A_1267 = arith.constant 1 : i32
    %dma_wait3A_1268 = arith.constant 1 : i32
    %dma_wait3A_1269 = arith.constant 0 : i32
    %dma_wait3A_1270 = arith.constant 0 : i32
    %dma_wait3A_1271 = tpu.memref_slice %arg9[%dma_wait3A_1267, %dma_wait3A_1269, %dma_wait3A_1270] : memref<2x512x64xf32, #tpu.memory_space<vmem>> -> memref<1x512x64xf32, #tpu.memory_space<vmem>>
    %dma_wait3A_1272 = tpu.memref_squeeze %dma_wait3A_1271 : memref<1x512x64xf32, #tpu.memory_space<vmem>> -> memref<512x64xf32, #tpu.memory_space<vmem>>
    %dma_wait3A_1273 = arith.constant 0 : i32
    %dma_wait3A_1274 = tpu.memref_slice %arg6[%add3A_1265, %dma_wait3A_1273] : memref<327680x128xf32, #tpu.memory_space<hbm>> -> memref<512x64xf32, #tpu.memory_space<hbm>>
    %dma_wait3A_1275 = tpu.memref_slice %arg15[%dma_wait3A_1268] : memref<2x!tpu.dma_semaphore, #tpu.memory_space<semaphore_mem>> -> memref<1x!tpu.dma_semaphore, #tpu.memory_space<semaphore_mem>>
    %dma_wait3A_1276 = tpu.memref_squeeze %dma_wait3A_1275 : memref<1x!tpu.dma_semaphore, #tpu.memory_space<semaphore_mem>> -> memref<!tpu.dma_semaphore, #tpu.memory_space<semaphore_mem>>
    %dma_wait3A_1277 = arith.constant 0 : i32
    %dma_wait3A_1278 = tpu.memref_slice %arg6[%add3A_1265, %dma_wait3A_1277] : memref<327680x128xf32, #tpu.memory_space<hbm>> -> memref<512x64xf32, #tpu.memory_space<hbm>>
    %dma_wait3A_1279 = arith.constant 0 : i32
    %dma_wait3A_1280 = arith.constant 0 : i32
    %dma_wait3A_1281 = tpu.memref_slice %arg9[%dma_wait3A_1267, %dma_wait3A_1279, %dma_wait3A_1280] : memref<2x512x64xf32, #tpu.memory_space<vmem>> -> memref<1x512x64xf32, #tpu.memory_space<vmem>>
    %dma_wait3A_1282 = tpu.memref_squeeze %dma_wait3A_1281 : memref<1x512x64xf32, #tpu.memory_space<vmem>> -> memref<512x64xf32, #tpu.memory_space<vmem>>
    tpu.wait_dma2 semaphore(%dma_wait3A_1276 : memref<!tpu.dma_semaphore, #tpu.memory_space<semaphore_mem>>) src(%dma_wait3A_1282 : memref<512x64xf32, #tpu.memory_space<vmem>>) dst(%dma_wait3A_1278 : memref<512x64xf32, #tpu.memory_space<hbm>>)
    %dma_wait3A_1283 = arith.constant 1 : i32
    %dma_wait3A_1284 = arith.constant 0 : i32
    %dma_wait3A_1285 = tpu.memref_slice %arg10[%rem3A_1266, %dma_wait3A_1284] : memref<640x64xf32, #tpu.memory_space<vmem>> -> memref<512x64xf32, #tpu.memory_space<vmem>>
    %dma_wait3A_1286 = arith.constant 64 : i32
    %dma_wait3A_1287 = tpu.memref_slice %arg6[%add3A_1265, %dma_wait3A_1286] : memref<327680x128xf32, #tpu.memory_space<hbm>> -> memref<512x64xf32, #tpu.memory_space<hbm>>
    %dma_wait3A_1288 = tpu.memref_slice %arg15[%dma_wait3A_1283] : memref<2x!tpu.dma_semaphore, #tpu.memory_space<semaphore_mem>> -> memref<1x!tpu.dma_semaphore, #tpu.memory_space<semaphore_mem>>
    %dma_wait3A_1289 = tpu.memref_squeeze %dma_wait3A_1288 : memref<1x!tpu.dma_semaphore, #tpu.memory_space<semaphore_mem>> -> memref<!tpu.dma_semaphore, #tpu.memory_space<semaphore_mem>>
    %dma_wait3A_1290 = arith.constant 64 : i32
    %dma_wait3A_1291 = tpu.memref_slice %arg6[%add3A_1265, %dma_wait3A_1290] : memref<327680x128xf32, #tpu.memory_space<hbm>> -> memref<512x64xf32, #tpu.memory_space<hbm>>
    %dma_wait3A_1292 = arith.constant 0 : i32
    %dma_wait3A_1293 = tpu.memref_slice %arg10[%rem3A_1266, %dma_wait3A_1292] : memref<640x64xf32, #tpu.memory_space<vmem>> -> memref<512x64xf32, #tpu.memory_space<vmem>>
    tpu.wait_dma2 semaphore(%dma_wait3A_1289 : memref<!tpu.dma_semaphore, #tpu.memory_space<semaphore_mem>>) src(%dma_wait3A_1293 : memref<512x64xf32, #tpu.memory_space<vmem>>) dst(%dma_wait3A_1291 : memref<512x64xf32, #tpu.memory_space<hbm>>)
    return
  }
}

</mosaic_0001>

<sc_bundles>
// kernel: _call.3.cloned.1.call-start
scs
__scs_entry_jumppad:
0x0: {  	(pc) =	sbr.rel $0x88, $3  }
0x1: {  	(tag) =	ssettag $0x0;
	lr =	simm.s32 $0x1  }
0x2: {  	[smem:$0x3F9D] =	sst lr;
	_ =	strace $0xD0000000  }
0x3: {  	_ = 	snop  }
0x4: {  	_ = 	snop  }
0x5: {  	_ = 	snop  }
0x6: {  	_ = 	snop  }
0x7: {  	_ = 	snop  }
__scs_overlays_trampoline_lowered:
0x8: {  	[smem:$0x3FAC] =	sst s0  }
0x9: {  	[smem:$0x3FAD] =	sst s1  }
0xa: {  	[smem:$0x3FAE] =	sst s2  }
0xb: {  	[smem:$0x3FAF] =	sst s3  }
0xc: {  	[smem:$0x3FB0] =	sst s4  }
0xd: {  	[smem:$0x3FB1] =	sst s5  }
0xe: {  	[smem:$0x3FB2] =	sst s6  }
0xf: {  	[smem:$0x3FB3] =	sst s7  }
0x10: {  	[smem:$0x3FB4] =	sst s8  }
0x11: {  	[smem:$0x3FB5] =	sst s9;
	s0 =	simm.s32 @!p0 $0x0  }
0x12: {  	s1 =	sld [smem:$0x3F9B];
	s0 =	simm.s32 @p0 $0x1  }
0x13: {  	[smem:$0x3FB6] =	sst s0;
	s0 =	simm.s32 @!p1 $0x0  }
0x14: {  	s2 =	sld [smem:$0x3F9A];
	s0 =	simm.s32 @p1 $0x1  }
0x15: {  	[smem:$0x3FB7] =	sst s0;
	s0 =	simm.s32 @!p2 $0x0  }
0x16: {  	s3 =	sld [smem:$0x3FDB];
	s0 =	simm.s32 @p2 $0x1  }
0x17: {  	s4 =	simm.s32 $0x1BF5;
	[smem:$0x3FB9] =	sst s0  }
0x18: {  	s0 =	sld [smem:$0x3F9C];
	_ =	swait.ge [sflag:s4], $0x0  }
0x19: {  	s7 =	sld [smem:$0x3F9D]  }
0x1a: {  	s8 =	sadd.s32 $0xFFFFE003, lr  }
0x1b: {  	s9 =	sadd.s32 $0xFFFFFEF7, lr;
	s5 =	simm.s32 $0xFFFFFFFF;
	p2 =	slt.u32 s8, $0xFFFFF086  }
0x1c: {  	p1 =	slt.u32 s9, $0xF7A;
	s5 =	simm.s32 @!p2 $0x0  }
0x1d: {  	s5 =	simm.s32 @p1 $0x1;
	p0 =	seq.s32 s7, s2  }
0x1e: {  	s7 =	smul.u32 @!p0 $0xF7A, s2;
	p2 =	seq.s32 @!p0 s5, $0x0  }
0x1f: {  	s9 =	smul.u32 $0xF7A, s1;
	s8 =	simm.s32 @!p0 $0x1BF5;
	p2 =	por !p2, p0  }
0x20: {  	[sflag:s8] =	ssyncset.s32 @!p0 $0xFFFFF086;
	s6 =	sadd.s32 @!p0 s3, s7;
	s7 =	simm.s32 @!p0 $0x108  }
0x21: {  	s3 =	sadd.s32 s3, s9;
	s6 =	sadd.s32 @!p0 $0x88, s6;
	s7 =	simm.s32 @p2 $0x1082  }
0x22: {  	[simem:s7], [sflag:s8] =	dma.local @!p0 [hbm:s6], $0xF7A  }
0x23: {  	s9 =	sor.u32 $0xD0000000, s2;
	s6 =	simm.s32 $0x108;
	_ =	swait.ge @!p0 [sflag:s8], $0x0  }
0x24: {  	s3 =	sadd.s32 $0x88, s3;
	s6 =	simm.s32 @!p1 $0x1082;
	[sflag:s4] =	ssyncset.s32 $0xFFFFF086  }
0x25: {  	[simem:s6], [sflag:s4] =	dma.local [hbm:s3], $0xF7A  }
0x26: {  	[smem:$0x3F9D] =	sst s1;
	(tag) =	ssettag s2;
	_ =	strace s9  }
0x27: {  	s1 =	sld [smem:$0x3FAD]  }
0x28: {  	s2 =	sld [smem:$0x3FAE]  }
0x29: {  	s4 =	sld [smem:$0x3FB0]  }
0x2a: {  	p0 =	seq.s32 s5, $0x0;
	s5 =	sld [smem:$0x3FB1]  }
0x2b: {  	s6 =	sld [smem:$0x3FB2]  }
0x2c: {  	s7 =	sld [smem:$0x3FB3]  }
0x2d: {  	s3 =	simm.s32 $0x108;
	s8 =	sld [smem:$0x3FB4]  }
0x2e: {  	s3 =	simm.s32 @!p0 $0x1082;
	s9 =	sld [smem:$0x3FB5]  }
0x2f: {  	lr =	sadd.s32 s0, s3;
	s0 =	sld [smem:$0x3FAC]  }
0x30: {  	s3 =	sld [smem:$0x3FAF]  }
0x31: {  	[smem:$0x3FB8] =	sst s10  }
0x32: {  	s10 =	sld [smem:$0x3FB6];
	_ =	sdelay $0x3  }
0x33: {  	p0 =	seq.s32 s10, $0x1;
	s10 =	sld [smem:$0x3FB8];
	_ =	sdelay $0x3  }
0x34: {  	[smem:$0x3FB8] =	sst s10  }
0x35: {  	s10 =	sld [smem:$0x3FB7];
	_ =	sdelay $0x3  }
0x36: {  	p1 =	seq.s32 s10, $0x1;
	s10 =	sld [smem:$0x3FB8];
	_ =	sdelay $0x3  }
0x37: {  	[smem:$0x3FB8] =	sst s10  }
0x38: {  	s10 =	sld [smem:$0x3FB9]  }
0x39: {  	_ = 	snop;
	(pc) =	sbr.ind lr, $3  }
0x3a: {  	_ = 	snop  }
0x3b: {  	_ = 	snop  }
0x3c: {  	p2 =	seq.s32 s10, $0x1;
	s10 =	sld [smem:$0x3FB8]  }
0x3d: {  	_ =	shalt  }
0x3e: {  	_ =	shalt  }
0x3f: {  	_ =	shalt  }
0x40: {  	_ =	shalt  }
0x41: {  	_ =	shalt  }
0x42: {  	_ =	shalt  }
0x43: {  	_ =	shalt  }
0x44: {  	_ =	shalt  }
0x45: {  	_ =	shalt  }
0x46: {  	_ =	shalt  }
0x47: {  	_ =	shalt  }
0x48: {  	_ =	shalt  }
0x49: {  	_ =	shalt  }
0x4a: {  	_ =	shalt  }
0x4b: {  	_ =	shalt  }
0x4c: {  	_ =	shalt  }
0x4d: {  	_ =	shalt  }
0x4e: {  	_ =	shalt  }
0x4f: {  	_ =	shalt  }
0x50: {  	_ =	shalt  }
0x51: {  	_ =	shalt  }
0x52: {  	_ =	shalt  }
0x53: {  	_ =	shalt  }
0x54: {  	_ =	shalt  }
0x55: {  	_ =	shalt  }
0x56: {  	_ =	shalt  }
0x57: {  	_ =	shalt  }
0x58: {  	_ =	shalt  }
0x59: {  	_ =	shalt  }
0x5a: {  	_ =	shalt  }
0x5b: {  	_ =	shalt  }
0x5c: {  	_ =	shalt  }
0x5d: {  	_ =	shalt  }
0x5e: {  	_ =	shalt  }
0x5f: {  	_ =	shalt  }
0x60: {  	_ =	shalt  }
0x61: {  	_ =	shalt  }
0x62: {  	_ =	shalt  }
0x63: {  	_ =	shalt  }
0x64: {  	_ =	shalt  }
0x65: {  	_ =	shalt  }
0x66: {  	_ =	shalt  }
0x67: {  	_ =	shalt  }
0x68: {  	_ =	shalt  }
0x69: {  	_ =	shalt  }
0x6a: {  	_ =	shalt  }
0x6b: {  	_ =	shalt  }
0x6c: {  	_ =	shalt  }
0x6d: {  	_ =	shalt  }
0x6e: {  	_ =	shalt  }
0x6f: {  	_ =	shalt  }
0x70: {  	_ =	shalt  }
0x71: {  	_ =	shalt  }
0x72: {  	_ =	shalt  }
0x73: {  	_ =	shalt  }
0x74: {  	_ =	shalt  }
0x75: {  	_ =	shalt  }
0x76: {  	_ =	shalt  }
0x77: {  	_ =	shalt  }
0x78: {  	_ =	shalt  }
0x79: {  	_ =	shalt  }
0x7a: {  	_ =	shalt  }
0x7b: {  	_ =	shalt  }
0x7c: {  	_ =	shalt  }
0x7d: {  	_ =	shalt  }
0x7e: {  	_ =	shalt  }
0x7f: {  	_ =	shalt  }
0x80: {  	_ =	shalt  }
0x81: {  	_ =	shalt  }
0x82: {  	_ =	shalt  }
0x83: {  	_ =	shalt  }
0x84: {  	_ =	shalt  }
0x85: {  	_ =	shalt  }
0x86: {  	_ =	shalt  }
0x87: {  	_ =	shalt  }
.Lfunc_end0:
.L_simem_size_0:
called_computation_lowered:
.L_overlay_start_0:
0x88: {  	s2 =	sld [smem:$0x3FD9]  }
0x89: {  	s3 =	sld [smem:$0x3FFE];
	_ =	sdelay $0x1  }
0x8a: {  	s1 =	srdreg.scid  }
0x8b: {  	s0 =	sand.u32 $0x1, s1  }
0x8c: {  	s17 =	sshll.u32 s0, $0xA;
	s2 =	sadd.s32 s3, s2  }
0x8d: {  	s2 =	sadd.s32 s2, s17  }
0x8e: {  	[smem:$0x3FC4] =	sst s2  }
0x8f: {  	_ = 	snop  }
0x90: {  	s2 =	sld [smem:$0x3FC9]  }
0x91: {  	s18 =	sld [smem:$0x3FC6]  }
0x92: {  	s4 =	sld [smem:$0x3FD0];
	(tm) =	ssettm $0x1  }
0x93: {  	s5 =	sld [smem:$0x3FFB];
	_ =	sdelay $0x3  }
0x94: {  	_ =	strace s5  }
0x95: {  	s5 =	sld [smem:$0x3FFC];
	_ =	sdelay $0x3  }
0x96: {  	_ =	strace s5  }
0x97: {  	s5 =	sld [smem:$0x3FFD];
	_ =	sdelay $0x3  }
0x98: {  	_ =	strace s5  }
0x99: {  	_ =	strace $0x8FFFFFFF  }
0x9a: {  	s19 =	sld [smem:$0x3FDB];
	_ =	sdelay $0x1  }
0x9b: {  	s6 =	simm.s32 $_scs_section_size  }
0x9c: {  	s7 =	simm.s32 $_size__tile_overlayer_lowered;
	s8 =	simm.s32 $_tile_overlayer_lowered  }
0x9d: {  	s22 =	simm.s32 $0x1BFF;
	s21 =	sshll.u32 s8, $0x1;
	s5 =	sadd.s32 s6, s19  }
0x9e: {  	s9 =	simm.s32 $0x0;
	s20 =	sshll.u32 s7, $0x1;
	s7 =	sadd.s32 s21, s5  }
0x9f: {  	[timem:s9], [sflag:s22] =	dma.local [hbm:s7], s20  }
0xa0: {  	_ =	swait.ge [sflag:s22], s20  }
0xa1: {  	s6 =	ssub.s32 $0x0, s20;
	[sflag:s22] =	ssyncset.done $0x0  }
0xa2: {  	[sflag:s22] =	ssyncadd.s32 s6;
	_ =	sdelay $0x1  }
0xa3: {  	s23 =	simm.s32 $0x1B8B  }
0xa4: {  	_ =	swait.ge [sflag:s23], $0x1  }
0xa5: {  	[sflag:s23] =	ssyncset.done $0x0  }
0xa6: {  	s25 =	simm.s32 $0x1B8E;
	s24 =	sld [smem:$0x3FFE];
	[sflag:s23] =	ssyncadd.s32 $0xFFFFFFFF  }
0xa7: {  	s26 =	simm.s32 $execute0_lowered;
	[smem:$0x3FD2] =	sst s25  }
0xa8: {  	s7 =	sshll.u32 s26, $0x1;
	_ =	strace $0x80000046;
	[dreg:$0x1] =	wrdreg $0xFFFFFFFF  }
0xa9: {  	s28 =	simm.s32 $_size_execute0_lowered;
	s5 =	sadd.s32 s5, s7;
	[dreg:$0x0] =	wrdreg $0x0  }
0xaa: {  	s7 =	sshll.u32 s28, $0x1;
	[dreg:$0x2] =	wrdreg s5  }
0xab: {  	[dreg:$0x3] =	wrdreg s7  }
0xac: {  	[dreg:$0x4] =	wrdreg $0xC0  }
0xad: {  	_ =	task [dreg:s9], $0x5FFFF  }
0xae: {  	[dreg:$0x1] =	wrdreg $0xFFFFFFFF  }
0xaf: {  	[dreg:$0x0] =	wrdreg $0x60  }
0xb0: {  	[dreg:$0x2] =	wrdreg s2  }
0xb1: {  	[dreg:$0x3] =	wrdreg s24  }
0xb2: {  	[dreg:$0x4] =	wrdreg s18  }
0xb3: {  	[dreg:$0x5] =	wrdreg s4  }
0xb4: {  	[dreg:$0x6] =	wrdreg $0x1A6900  }
0xb5: {  	[dreg:$0x7] =	wrdreg $0x9  }
0xb6: {  	_ =	task.clear_ibuf [dreg:s9], $0x8FFFF;
	_ =	strace $0x90000046  }
0xb7: {  	s29 =	simm.s32 $0x9;
	_ =	strace $0x80000048  }
0xb8: {  	_ =	swait.ge [sflag:s29], $0x1  }
0xb9: {  	[sflag:s29] =	ssyncadd.s32 $0xFFFFFFFF  }
0xba: {  	_ =	strace $0x90000048  }
0xbb: {  	_ =	sfence  }
0xbc: {  	s30 =	sld [smem:$0x0];
	_ =	sdelay $0x2  }
0xbd: {  	s31 =	sshll.u32 s1, $0xD;
	s1 =	sshrl.u32 s1, $0x2  }
0xbe: {  	s3 =	sand.u32 $0x4000, s31;
	s1 =	sadd.s32 s1, s30  }
0xbf: {  	s0 =	sor.u32 s3, s0;
	s1 =	sshll.u32 s1, $0x11  }
0xc0: {  	s0 =	sor.u32 s1, s0  }
0xc1: {  	s0 =	sadd.s32 $0x8F2B, s0  }
0xc2: {  	[sflag:s0] =	ssyncadd.remote.s32 $0x1  }
0xc3: {  	_ =	sfence.sel $0xFFFF  }
0xc4: {  	[dreg:$0x0] =	wrdreg $0xFFFFFFFF;
	(pc) =	sbr.abs _section_cstart, $3  }
0xc5: {  	[dreg:$0x1] =	wrdreg $0xFFFFFFFF  }
0xc6: {  	_ =	task.clear_ibuf [dreg:s9], $0x2FFFF;
	_ =	strace $0x9FFFFFFF  }
0xc7: {  	(tm) =	ssettm $0x7FFFFFFF  }
tec
execute0_lowered:
.L_overlay_start_1:
0x0: {  	(tag) =	ssettag $0x1  }
0x1: {  	v0 =	vimm.f32 $1.500000000e+01;
	vm14 =	vcmask $0x300  }
0x2: {  	vm13 =	vcmask $0x704;
	v0 =	vsel vm14, $0x0, v0  }
0x3: {  	vm12 =	vcmask $0xB08;
	v0 =	vsel vm13, $0x3F800000, v0  }
0x4: {  	vm11 =	vcmask $0xF0C;
	v0 =	vsel vm12, $0x40000000, v0  }
0x5: {  	vm10 =	vcmask $0x1310;
	v0 =	vsel vm11, $0x40400000, v0  }
0x6: {  	vm9 =	vcmask $0x1714;
	v0 =	vsel vm10, $0x40800000, v0  }
0x7: {  	vm8 =	vcmask $0x1B18;
	v0 =	vsel vm9, $0x40A00000, v0  }
0x8: {  	vm7 =	vcmask $0x1F1C;
	v0 =	vsel vm8, $0x40C00000, v0  }
0x9: {  	vm6 =	vcmask $0x2320;
	v0 =	vsel vm7, $0x40E00000, v0  }
0xa: {  	vm5 =	vcmask $0x2724;
	v0 =	vsel vm6, $0x41000000, v0  }
0xb: {  	vm4 =	vcmask $0x2B28;
	v0 =	vsel vm5, $0x41100000, v0  }
0xc: {  	vm3 =	vcmask $0x2F2C;
	v0 =	vsel vm4, $0x41200000, v0  }
0xd: {  	vm2 =	vcmask $0x3330;
	v0 =	vsel vm3, $0x41300000, v0  }
0xe: {  	vm1 =	vcmask $0x3734;
	v0 =	vsel vm2, $0x41400000, v0  }
0xf: {  	vm0 =	vcmask $0x3B38;
	v0 =	vsel vm1, $0x41500000, v0  }
0x10: {  	v1 =	vimm.f32 $3.100000000e+01;
	v0 =	vsel vm0, $0x41600000, v0  }
0x11: {  	[tilespmem:$0x1FD40] =	vst v0;
	v0 =	vsel vm14, $0x41800000, v1  }
0x12: {  	v0 =	vsel vm13, $0x41880000, v0  }
0x13: {  	v2 =	vimm.f32 $4.700000000e+01;
	v0 =	vsel vm12, $0x41900000, v0  }
0x14: {  	v2 =	vsel vm14, $0x42000000, v2;
	v0 =	vsel vm11, $0x41980000, v0  }
0x15: {  	v3 =	vimm.f32 $6.300000000e+01;
	v2 =	vsel vm13, $0x42040000, v2;
	v0 =	vsel vm10, $0x41A00000, v0  }
0x16: {  	v3 =	vsel vm14, $0x42400000, v3;
	v2 =	vsel vm12, $0x42080000, v2;
	v0 =	vsel vm9, $0x41A80000, v0  }
0x17: {  	v3 =	vsel vm13, $0x42440000, v3;
	v2 =	vsel vm11, $0x420C0000, v2;
	v0 =	vsel vm8, $0x41B00000, v0  }
0x18: {  	v3 =	vsel vm12, $0x42480000, v3;
	v2 =	vsel vm10, $0x42100000, v2;
	v0 =	vsel vm7, $0x41B80000, v0  }
0x19: {  	v3 =	vsel vm11, $0x424C0000, v3;
	v2 =	vsel vm9, $0x42140000, v2;
	v0 =	vsel vm6, $0x41C00000, v0  }
0x1a: {  	v3 =	vsel vm10, $0x42500000, v3;
	v2 =	vsel vm8, $0x42180000, v2;
	v0 =	vsel vm5, $0x41C80000, v0  }
0x1b: {  	v3 =	vsel vm9, $0x42540000, v3;
	v2 =	vsel vm7, $0x421C0000, v2;
	v0 =	vsel vm4, $0x41D00000, v0  }
0x1c: {  	v3 =	vsel vm8, $0x42580000, v3;
	v2 =	vsel vm6, $0x42200000, v2;
	v0 =	vsel vm3, $0x41D80000, v0  }
0x1d: {  	v3 =	vsel vm7, $0x425C0000, v3;
	v2 =	vsel vm5, $0x42240000, v2;
	v0 =	vsel vm2, $0x41E00000, v0  }
0x1e: {  	v3 =	vsel vm6, $0x42600000, v3;
	v2 =	vsel vm4, $0x42280000, v2;
	v0 =	vsel vm1, $0x41E80000, v0  }
0x1f: {  	v3 =	vsel vm5, $0x42640000, v3;
	v2 =	vsel vm3, $0x422C0000, v2;
	v0 =	vsel vm0, $0x41F00000, v0  }
0x20: {  	v3 =	vsel vm4, $0x42680000, v3;
	[tilespmem:$0x1FD50] =	vst v0;
	v0 =	vsel vm2, $0x42300000, v2  }
0x21: {  	v2 =	vsel vm3, $0x426C0000, v3;
	v0 =	vsel vm1, $0x42340000, v0  }
0x22: {  	v2 =	vsel vm2, $0x42700000, v2;
	v0 =	vsel vm0, $0x42380000, v0  }
0x23: {  	[tilespmem:$0x1FD70] =	vst v0;
	v0 =	vsel vm1, $0x42740000, v2  }
0x24: {  	v2 =	vimm.f32 $7.900000000e+01;
	v0 =	vsel vm0, $0x42780000, v0  }
0x25: {  	v1 =	vlaneseq.u32;
	[tilespmem:$0x1FD90] =	vst v0;
	v0 =	vsel vm14, $0x42800000, v2  }
0x26: {  	v2 =	vor.u32 $0x30, v1;
	v0 =	vsel vm13, $0x42820000, v0  }
0x27: {  	v3 =	vor.u32 $0x10, v1;
	[tilespmem:$0x1FDA0] =	vst v2;
	v2 =	vimm.f32 $9.500000000e+01;
	v0 =	vsel vm12, $0x42840000, v0  }
0x28: {  	[tilespmem:$0x1FD60] =	vst v3;
	v3 =	vor.u32 $0x20, v1;
	v2 =	vsel vm14, $0x42A00000, v2;
	v0 =	vsel vm11, $0x42860000, v0  }
0x29: {  	[tilespmem:$0x1FD80] =	vst v3;
	v3 =	vimm.f32 $1.110000000e+02;
	v2 =	vsel vm13, $0x42A20000, v2;
	v0 =	vsel vm10, $0x42880000, v0  }
0x2a: {  	v3 =	vsel vm14, $0x42C00000, v3;
	v2 =	vsel vm12, $0x42A40000, v2;
	v0 =	vsel vm9, $0x428A0000, v0  }
0x2b: {  	v3 =	vsel vm13, $0x42C20000, v3;
	v2 =	vsel vm11, $0x42A60000, v2;
	v0 =	vsel vm8, $0x428C0000, v0  }
0x2c: {  	v3 =	vsel vm12, $0x42C40000, v3;
	v2 =	vsel vm10, $0x42A80000, v2;
	v0 =	vsel vm7, $0x428E0000, v0  }
0x2d: {  	v3 =	vsel vm11, $0x42C60000, v3;
	v2 =	vsel vm9, $0x42AA0000, v2;
	v0 =	vsel vm6, $0x42900000, v0  }
0x2e: {  	v3 =	vsel vm10, $0x42C80000, v3;
	v2 =	vsel vm8, $0x42AC0000, v2;
	v0 =	vsel vm5, $0x42920000, v0  }
0x2f: {  	v3 =	vsel vm9, $0x42CA0000, v3;
	v2 =	vsel vm7, $0x42AE0000, v2;
	v0 =	vsel vm4, $0x42940000, v0  }
0x30: {  	v3 =	vsel vm8, $0x42CC0000, v3;
	v2 =	vsel vm6, $0x42B00000, v2;
	v0 =	vsel vm3, $0x42960000, v0  }
0x31: {  	v3 =	vsel vm7, $0x42CE0000, v3;
	v2 =	vsel vm5, $0x42B20000, v2;
	v0 =	vsel vm2, $0x42980000, v0  }
0x32: {  	v3 =	vsel vm6, $0x42D00000, v3;
	v2 =	vsel vm4, $0x42B40000, v2;
	v0 =	vsel vm1, $0x429A0000, v0  }
0x33: {  	v3 =	vsel vm5, $0x42D20000, v3;
	v2 =	vsel vm3, $0x42B60000, v2;
	v0 =	vsel vm0, $0x429C0000, v0  }
0x34: {  	v3 =	vsel vm4, $0x42D40000, v3;
	[tilespmem:$0x1FDB0] =	vst v0;
	v0 =	vsel vm2, $0x42B80000, v2  }
0x35: {  	v2 =	vsel vm3, $0x42D60000, v3;
	v0 =	vsel vm1, $0x42BA0000, v0  }
0x36: {  	v2 =	vsel vm2, $0x42D80000, v2;
	v0 =	vsel vm0, $0x42BC0000, v0  }
0x37: {  	[tilespmem:$0x1FDD0] =	vst v0;
	v0 =	vsel vm1, $0x42DA0000, v2  }
0x38: {  	v2 =	vimm.f32 $1.270000000e+02;
	v0 =	vsel vm0, $0x42DC0000, v0  }
0x39: {  	[tilespmem:$0x1FDF0] =	vst v0;
	v0 =	vsel vm14, $0x42E00000, v2  }
0x3a: {  	v2 =	vor.u32 $0x60, v1;
	v0 =	vsel vm13, $0x42E20000, v0  }
0x3b: {  	v3 =	vor.u32 $0x40, v1;
	[tilespmem:$0x1FE00] =	vst v2;
	v2 =	vimm.f32 $1.430000000e+02;
	v0 =	vsel vm12, $0x42E40000, v0  }
0x3c: {  	[tilespmem:$0x1FDC0] =	vst v3;
	v3 =	vor.u32 $0x50, v1;
	v2 =	vsel vm14, $0x43000000, v2;
	v0 =	vsel vm11, $0x42E60000, v0  }
0x3d: {  	[tilespmem:$0x1FDE0] =	vst v3;
	v3 =	vimm.f32 $1.590000000e+02;
	v2 =	vsel vm13, $0x43010000, v2;
	v0 =	vsel vm10, $0x42E80000, v0  }
0x3e: {  	v3 =	vsel vm14, $0x43100000, v3;
	v2 =	vsel vm12, $0x43020000, v2;
	v0 =	vsel vm9, $0x42EA0000, v0  }
0x3f: {  	v3 =	vsel vm13, $0x43110000, v3;
	v2 =	vsel vm11, $0x43030000, v2;
	v0 =	vsel vm8, $0x42EC0000, v0  }
0x40: {  	v3 =	vsel vm12, $0x43120000, v3;
	v2 =	vsel vm10, $0x43040000, v2;
	v0 =	vsel vm7, $0x42EE0000, v0  }
0x41: {  	v3 =	vsel vm11, $0x43130000, v3;
	v2 =	vsel vm9, $0x43050000, v2;
	v0 =	vsel vm6, $0x42F00000, v0  }
0x42: {  	v3 =	vsel vm10, $0x43140000, v3;
	v2 =	vsel vm8, $0x43060000, v2;
	v0 =	vsel vm5, $0x42F20000, v0  }
0x43: {  	v3 =	vsel vm9, $0x43150000, v3;
	v2 =	vsel vm7, $0x43070000, v2;
	v0 =	vsel vm4, $0x42F40000, v0  }
0x44: {  	v3 =	vsel vm8, $0x43160000, v3;
	v2 =	vsel vm6, $0x43080000, v2;
	v0 =	vsel vm3, $0x42F60000, v0  }
0x45: {  	v3 =	vsel vm7, $0x43170000, v3;
	v2 =	vsel vm5, $0x43090000, v2;
	v0 =	vsel vm2, $0x42F80000, v0  }
0x46: {  	v3 =	vsel vm6, $0x43180000, v3;
	v2 =	vsel vm4, $0x430A0000, v2;
	v0 =	vsel vm1, $0x42FA0000, v0  }
0x47: {  	v3 =	vsel vm5, $0x43190000, v3;
	v2 =	vsel vm3, $0x430B0000, v2;
	v0 =	vsel vm0, $0x42FC0000, v0  }
0x48: {  	v3 =	vsel vm4, $0x431A0000, v3;
	[tilespmem:$0x1FE10] =	vst v0;
	v0 =	vsel vm2, $0x430C0000, v2  }
0x49: {  	v2 =	vsel vm3, $0x431B0000, v3;
	v0 =	vsel vm1, $0x430D0000, v0  }
0x4a: {  	v2 =	vsel vm2, $0x431C0000, v2;
	v0 =	vsel vm0, $0x430E0000, v0  }
0x4b: {  	[tilespmem:$0x1FE30] =	vst v0;
	v0 =	vsel vm1, $0x431D0000, v2  }
0x4c: {  	v2 =	vimm.f32 $1.750000000e+02;
	v0 =	vsel vm0, $0x431E0000, v0  }
0x4d: {  	[tilespmem:$0x1FE50] =	vst v0;
	v0 =	vsel vm14, $0x43200000, v2  }
0x4e: {  	v2 =	vor.u32 $0x90, v1;
	v0 =	vsel vm13, $0x43210000, v0  }
0x4f: {  	v3 =	vor.u32 $0x70, v1;
	[tilespmem:$0x1FE60] =	vst v2;
	v2 =	vimm.f32 $1.910000000e+02;
	v0 =	vsel vm12, $0x43220000, v0  }
0x50: {  	[tilespmem:$0x1FE20] =	vst v3;
	v3 =	vor.u32 $0x80, v1;
	v2 =	vsel vm14, $0x43300000, v2;
	v0 =	vsel vm11, $0x43230000, v0  }
0x51: {  	[tilespmem:$0x1FE40] =	vst v3;
	v3 =	vimm.f32 $2.070000000e+02;
	v2 =	vsel vm13, $0x43310000, v2;
	v0 =	vsel vm10, $0x43240000, v0  }
0x52: {  	v3 =	vsel vm14, $0x43400000, v3;
	v2 =	vsel vm12, $0x43320000, v2;
	v0 =	vsel vm9, $0x43250000, v0  }
0x53: {  	v3 =	vsel vm13, $0x43410000, v3;
	v2 =	vsel vm11, $0x43330000, v2;
	v0 =	vsel vm8, $0x43260000, v0  }
0x54: {  	v3 =	vsel vm12, $0x43420000, v3;
	v2 =	vsel vm10, $0x43340000, v2;
	v0 =	vsel vm7, $0x43270000, v0  }
0x55: {  	v3 =	vsel vm11, $0x43430000, v3;
	v2 =	vsel vm9, $0x43350000, v2;
	v0 =	vsel vm6, $0x43280000, v0  }
0x56: {  	v3 =	vsel vm10, $0x43440000, v3;
	v2 =	vsel vm8, $0x43360000, v2;
	v0 =	vsel vm5, $0x43290000, v0  }
0x57: {  	v3 =	vsel vm9, $0x43450000, v3;
	v2 =	vsel vm7, $0x43370000, v2;
	v0 =	vsel vm4, $0x432A0000, v0  }
0x58: {  	v3 =	vsel vm8, $0x43460000, v3;
	v2 =	vsel vm6, $0x43380000, v2;
	v0 =	vsel vm3, $0x432B0000, v0  }
0x59: {  	v3 =	vsel vm7, $0x43470000, v3;
	v2 =	vsel vm5, $0x43390000, v2;
	v0 =	vsel vm2, $0x432C0000, v0  }
0x5a: {  	v3 =	vsel vm6, $0x43480000, v3;
	v2 =	vsel vm4, $0x433A0000, v2;
	v0 =	vsel vm1, $0x432D0000, v0  }
0x5b: {  	v3 =	vsel vm5, $0x43490000, v3;
	v2 =	vsel vm3, $0x433B0000, v2;
	v0 =	vsel vm0, $0x432E0000, v0  }
0x5c: {  	v3 =	vsel vm4, $0x434A0000, v3;
	[tilespmem:$0x1FE70] =	vst v0;
	v0 =	vsel vm2, $0x433C0000, v2  }
0x5d: {  	v2 =	vsel vm3, $0x434B0000, v3;
	v0 =	vsel vm1, $0x433D0000, v0  }
0x5e: {  	v2 =	vsel vm2, $0x434C0000, v2;
	v0 =	vsel vm0, $0x433E0000, v0  }
0x5f: {  	[tilespmem:$0x1FE90] =	vst v0;
	v0 =	vsel vm1, $0x434D0000, v2  }
0x60: {  	v2 =	vimm.f32 $2.230000000e+02;
	v0 =	vsel vm0, $0x434E0000, v0  }
0x61: {  	[tilespmem:$0x1FEB0] =	vst v0;
	v0 =	vsel vm14, $0x43500000, v2  }
0x62: {  	v2 =	vor.u32 $0xC0, v1;
	v0 =	vsel vm13, $0x43510000, v0  }
0x63: {  	v3 =	vor.u32 $0xA0, v1;
	[tilespmem:$0x1FEC0] =	vst v2;
	v2 =	vimm.f32 $2.390000000e+02;
	v0 =	vsel vm12, $0x43520000, v0  }
0x64: {  	[tilespmem:$0x1FE80] =	vst v3;
	v3 =	vor.u32 $0xB0, v1;
	v2 =	vsel vm14, $0x43600000, v2;
	v0 =	vsel vm11, $0x43530000, v0  }
0x65: {  	[tilespmem:$0x1FEA0] =	vst v3;
	v3 =	vimm.f32 $2.550000000e+02;
	v2 =	vsel vm13, $0x43610000, v2;
	v0 =	vsel vm10, $0x43540000, v0  }
0x66: {  	v3 =	vsel vm14, $0x43700000, v3;
	v2 =	vsel vm12, $0x43620000, v2;
	v0 =	vsel vm9, $0x43550000, v0  }
0x67: {  	v3 =	vsel vm13, $0x43710000, v3;
	v2 =	vsel vm11, $0x43630000, v2;
	v0 =	vsel vm8, $0x43560000, v0  }
0x68: {  	v3 =	vsel vm12, $0x43720000, v3;
	v2 =	vsel vm10, $0x43640000, v2;
	v0 =	vsel vm7, $0x43570000, v0  }
0x69: {  	v3 =	vsel vm11, $0x43730000, v3;
	v2 =	vsel vm9, $0x43650000, v2;
	v0 =	vsel vm6, $0x43580000, v0  }
0x6a: {  	v3 =	vsel vm10, $0x43740000, v3;
	v2 =	vsel vm8, $0x43660000, v2;
	v0 =	vsel vm5, $0x43590000, v0  }
0x6b: {  	v3 =	vsel vm9, $0x43750000, v3;
	v2 =	vsel vm7, $0x43670000, v2;
	v0 =	vsel vm4, $0x435A0000, v0  }
0x6c: {  	v3 =	vsel vm8, $0x43760000, v3;
	v2 =	vsel vm6, $0x43680000, v2;
	v0 =	vsel vm3, $0x435B0000, v0  }
0x6d: {  	v3 =	vsel vm7, $0x43770000, v3;
	v2 =	vsel vm5, $0x43690000, v2;
	v0 =	vsel vm2, $0x435C0000, v0  }
0x6e: {  	v3 =	vsel vm6, $0x43780000, v3;
	v2 =	vsel vm4, $0x436A0000, v2;
	v0 =	vsel vm1, $0x435D0000, v0  }
0x6f: {  	v3 =	vsel vm5, $0x43790000, v3;
	v2 =	vsel vm3, $0x436B0000, v2;
	v0 =	vsel vm0, $0x435E0000, v0  }
0x70: {  	v3 =	vsel vm4, $0x437A0000, v3;
	[tilespmem:$0x1FED0] =	vst v0;
	v0 =	vsel vm2, $0x436C0000, v2  }
0x71: {  	v2 =	vsel vm3, $0x437B0000, v3;
	v0 =	vsel vm1, $0x436D0000, v0  }
0x72: {  	v2 =	vsel vm2, $0x437C0000, v2;
	v0 =	vsel vm0, $0x436E0000, v0  }
0x73: {  	[tilespmem:$0x1FEF0] =	vst v0;
	v0 =	vsel vm1, $0x437D0000, v2  }
0x74: {  	v2 =	vimm.f32 $2.710000000e+02;
	v0 =	vsel vm0, $0x437E0000, v0  }
0x75: {  	[tilespmem:$0x1FF10] =	vst v0;
	v0 =	vsel vm14, $0x43800000, v2  }
0x76: {  	v2 =	vor.u32 $0xF0, v1;
	v0 =	vsel vm13, $0x43808000, v0  }
0x77: {  	v3 =	vor.u32 $0xD0, v1;
	[tilespmem:$0x1FF20] =	vst v2;
	v2 =	vimm.f32 $2.870000000e+02;
	v0 =	vsel vm12, $0x43810000, v0  }
0x78: {  	[tilespmem:$0x1FEE0] =	vst v3;
	v3 =	vor.u32 $0xE0, v1;
	v2 =	vsel vm14, $0x43880000, v2;
	v0 =	vsel vm11, $0x43818000, v0  }
0x79: {  	[tilespmem:$0x1FF00] =	vst v3;
	v3 =	vimm.f32 $3.030000000e+02;
	v2 =	vsel vm13, $0x43888000, v2;
	v0 =	vsel vm10, $0x43820000, v0  }
0x7a: {  	v3 =	vsel vm14, $0x43900000, v3;
	v2 =	vsel vm12, $0x43890000, v2;
	v0 =	vsel vm9, $0x43828000, v0  }
0x7b: {  	v3 =	vsel vm13, $0x43908000, v3;
	v2 =	vsel vm11, $0x43898000, v2;
	v0 =	vsel vm8, $0x43830000, v0  }
0x7c: {  	v3 =	vsel vm12, $0x43910000, v3;
	v2 =	vsel vm10, $0x438A0000, v2;
	v0 =	vsel vm7, $0x43838000, v0  }
0x7d: {  	v3 =	vsel vm11, $0x43918000, v3;
	v2 =	vsel vm9, $0x438A8000, v2;
	v0 =	vsel vm6, $0x43840000, v0  }
0x7e: {  	v3 =	vsel vm10, $0x43920000, v3;
	v2 =	vsel vm8, $0x438B0000, v2;
	v0 =	vsel vm5, $0x43848000, v0  }
0x7f: {  	v3 =	vsel vm9, $0x43928000, v3;
	v2 =	vsel vm7, $0x438B8000, v2;
	v0 =	vsel vm4, $0x43850000, v0  }
0x80: {  	v3 =	vsel vm8, $0x43930000, v3;
	v2 =	vsel vm6, $0x438C0000, v2;
	v0 =	vsel vm3, $0x43858000, v0  }
0x81: {  	v3 =	vsel vm7, $0x43938000, v3;
	v2 =	vsel vm5, $0x438C8000, v2;
	v0 =	vsel vm2, $0x43860000, v0  }
0x82: {  	v3 =	vsel vm6, $0x43940000, v3;
	v2 =	vsel vm4, $0x438D0000, v2;
	v0 =	vsel vm1, $0x43868000, v0  }
0x83: {  	v3 =	vsel vm5, $0x43948000, v3;
	v2 =	vsel vm3, $0x438D8000, v2;
	v0 =	vsel vm0, $0x43870000, v0  }
0x84: {  	v3 =	vsel vm4, $0x43950000, v3;
	[tilespmem:$0x1FF30] =	vst v0;
	v0 =	vsel vm2, $0x438E0000, v2  }
0x85: {  	v2 =	vsel vm3, $0x43958000, v3;
	v0 =	vsel vm1, $0x438E8000, v0  }
0x86: {  	v2 =	vsel vm2, $0x43960000, v2;
	v0 =	vsel vm0, $0x438F0000, v0  }
0x87: {  	[tilespmem:$0x1FF50] =	vst v0;
	v0 =	vsel vm1, $0x43968000, v2  }
0x88: {  	v2 =	vimm.f32 $3.190000000e+02;
	v0 =	vsel vm0, $0x43970000, v0  }
0x89: {  	[tilespmem:$0x1FF70] =	vst v0;
	v0 =	vsel vm14, $0x43980000, v2  }
0x8a: {  	v2 =	vor.u32 $0x120, v1;
	v0 =	vsel vm13, $0x43988000, v0  }
0x8b: {  	v3 =	vor.u32 $0x100, v1;
	[tilespmem:$0x1FF80] =	vst v2;
	v2 =	vimm.f32 $3.350000000e+02;
	v0 =	vsel vm12, $0x43990000, v0  }
0x8c: {  	[tilespmem:$0x1FF40] =	vst v3;
	v3 =	vor.u32 $0x110, v1;
	v2 =	vsel vm14, $0x43A00000, v2;
	v0 =	vsel vm11, $0x43998000, v0  }
0x8d: {  	[tilespmem:$0x1FF60] =	vst v3;
	v3 =	vimm.f32 $3.510000000e+02;
	v2 =	vsel vm13, $0x43A08000, v2;
	v0 =	vsel vm10, $0x439A0000, v0  }
0x8e: {  	v3 =	vsel vm14, $0x43A80000, v3;
	v2 =	vsel vm12, $0x43A10000, v2;
	v0 =	vsel vm9, $0x439A8000, v0  }
0x8f: {  	v3 =	vsel vm13, $0x43A88000, v3;
	v2 =	vsel vm11, $0x43A18000, v2;
	v0 =	vsel vm8, $0x439B0000, v0  }
0x90: {  	v3 =	vsel vm12, $0x43A90000, v3;
	v2 =	vsel vm10, $0x43A20000, v2;
	v0 =	vsel vm7, $0x439B8000, v0  }
0x91: {  	v3 =	vsel vm11, $0x43A98000, v3;
	v2 =	vsel vm9, $0x43A28000, v2;
	v0 =	vsel vm6, $0x439C0000, v0  }
0x92: {  	v3 =	vsel vm10, $0x43AA0000, v3;
	v2 =	vsel vm8, $0x43A30000, v2;
	v0 =	vsel vm5, $0x439C8000, v0  }
0x93: {  	v3 =	vsel vm9, $0x43AA8000, v3;
	v2 =	vsel vm7, $0x43A38000, v2;
	v0 =	vsel vm4, $0x439D0000, v0  }
0x94: {  	v3 =	vsel vm8, $0x43AB0000, v3;
	v2 =	vsel vm6, $0x43A40000, v2;
	v0 =	vsel vm3, $0x439D8000, v0  }
0x95: {  	v3 =	vsel vm7, $0x43AB8000, v3;
	v2 =	vsel vm5, $0x43A48000, v2;
	v0 =	vsel vm2, $0x439E0000, v0  }
0x96: {  	v3 =	vsel vm6, $0x43AC0000, v3;
	v2 =	vsel vm4, $0x43A50000, v2;
	v0 =	vsel vm1, $0x439E8000, v0  }
0x97: {  	v3 =	vsel vm5, $0x43AC8000, v3;
	v2 =	vsel vm3, $0x43A58000, v2;
	v0 =	vsel vm0, $0x439F0000, v0  }
0x98: {  	v3 =	vsel vm4, $0x43AD0000, v3;
	[tilespmem:$0x1FF90] =	vst v0;
	v0 =	vsel vm2, $0x43A60000, v2  }
0x99: {  	v2 =	vsel vm3, $0x43AD8000, v3;
	v0 =	vsel vm1, $0x43A68000, v0  }
0x9a: {  	v2 =	vsel vm2, $0x43AE0000, v2;
	v0 =	vsel vm0, $0x43A70000, v0  }
0x9b: {  	v45 =	vor.u32 $0x160, v1;
	v47 =	vor.u32 $0x170, v1;
	[tilespmem:$0x1FFB0] =	vst v0;
	v0 =	vsel vm1, $0x43AE8000, v2  }
0x9c: {  	v4 =	vor.u32 $0x1B0, v1;
	v2 =	vimm.f32 $3.670000000e+02;
	v0 =	vsel vm0, $0x43AF0000, v0  }
0x9d: {  	v5 =	vor.u32 $0x1C0, v1;
	v3 =	vor.u32 $0x130, v1;
	[tilespmem:$0x1FFD0] =	vst v0;
	v0 =	vsel vm14, $0x43B00000, v2  }
0x9e: {  	v6 =	vor.u32 $0x1D0, v1;
	[tilespmem:$0x1FFA0] =	vst v3;
	v2 =	vor.u32 $0x150, v1;
	v0 =	vsel vm13, $0x43B08000, v0  }
0x9f: {  	v3 =	vor.u32 $0x140, v1;
	[tilespmem:$0x1FFE0] =	vst v2;
	v2 =	vimm.f32 $3.830000000e+02;
	v0 =	vsel vm12, $0x43B10000, v0  }
0xa0: {  	[tilespmem:$0x1FFC0] =	vst v3;
	v3 =	vimm.f32 $3.990000000e+02;
	v2 =	vsel vm14, $0x43B80000, v2;
	v0 =	vsel vm11, $0x43B18000, v0  }
0xa1: {  	v3 =	vsel vm14, $0x43C00000, v3;
	v2 =	vsel vm13, $0x43B88000, v2;
	v0 =	vsel vm10, $0x43B20000, v0  }
0xa2: {  	v3 =	vsel vm13, $0x43C08000, v3;
	v2 =	vsel vm12, $0x43B90000, v2;
	v0 =	vsel vm9, $0x43B28000, v0  }
0xa3: {  	v3 =	vsel vm12, $0x43C10000, v3;
	v2 =	vsel vm11, $0x43B98000, v2;
	v0 =	vsel vm8, $0x43B30000, v0  }
0xa4: {  	v3 =	vsel vm11, $0x43C18000, v3;
	v2 =	vsel vm10, $0x43BA0000, v2;
	v0 =	vsel vm7, $0x43B38000, v0  }
0xa5: {  	v3 =	vsel vm10, $0x43C20000, v3;
	v2 =	vsel vm9, $0x43BA8000, v2;
	v0 =	vsel vm6, $0x43B40000, v0  }
0xa6: {  	v3 =	vsel vm9, $0x43C28000, v3;
	v2 =	vsel vm8, $0x43BB0000, v2;
	v0 =	vsel vm5, $0x43B48000, v0  }
0xa7: {  	v3 =	vsel vm8, $0x43C30000, v3;
	v2 =	vsel vm7, $0x43BB8000, v2;
	v0 =	vsel vm4, $0x43B50000, v0  }
0xa8: {  	v3 =	vsel vm7, $0x43C38000, v3;
	v2 =	vsel vm6, $0x43BC0000, v2;
	v0 =	vsel vm3, $0x43B58000, v0  }
0xa9: {  	v3 =	vsel vm6, $0x43C40000, v3;
	v2 =	vsel vm5, $0x43BC8000, v2;
	v0 =	vsel vm2, $0x43B60000, v0  }
0xaa: {  	v3 =	vsel vm5, $0x43C48000, v3;
	v2 =	vsel vm4, $0x43BD0000, v2;
	v0 =	vsel vm1, $0x43B68000, v0  }
0xab: {  	v3 =	vsel vm4, $0x43C50000, v3;
	v2 =	vsel vm3, $0x43BD8000, v2;
	v0 =	vsel vm0, $0x43B70000, v0  }
0xac: {  	v7 =	vor.u32 $0x1E0, v1;
	[tilespmem:$0x1FFF0] =	vst v0;
	v0 =	vsel vm2, $0x43BE0000, v2;
	v2 =	vsel vm3, $0x43C58000, v3  }
0xad: {  	v8 =	vor.u32 $0x1F0, v1;
	v0 =	vsel vm1, $0x43BE8000, v0;
	v2 =	vsel vm2, $0x43C60000, v2  }
0xae: {  	v46 =	vsel vm0, $0x43BF0000, v0;
	v0 =	vsel vm1, $0x43C68000, v2;
	v2 =	vimm.f32 $4.310000000e+02  }
0xaf: {  	v48 =	vsel vm0, $0x43C70000, v0;
	v0 =	vimm.f32 $4.150000000e+02;
	v2 =	vsel vm14, $0x43D00000, v2  }
0xb0: {  	v3 =	vimm.f32 $4.470000000e+02;
	v0 =	vsel vm14, $0x43C80000, v0;
	v2 =	vsel vm13, $0x43D08000, v2  }
0xb1: {  	v3 =	vsel vm14, $0x43D80000, v3;
	v0 =	vsel vm13, $0x43C88000, v0;
	v2 =	vsel vm12, $0x43D10000, v2  }
0xb2: {  	v3 =	vsel vm13, $0x43D88000, v3;
	v0 =	vsel vm12, $0x43C90000, v0;
	v2 =	vsel vm11, $0x43D18000, v2  }
0xb3: {  	v3 =	vsel vm12, $0x43D90000, v3;
	v0 =	vsel vm11, $0x43C98000, v0;
	v2 =	vsel vm10, $0x43D20000, v2  }
0xb4: {  	v3 =	vsel vm11, $0x43D98000, v3;
	v0 =	vsel vm10, $0x43CA0000, v0;
	v2 =	vsel vm9, $0x43D28000, v2  }
0xb5: {  	v3 =	vsel vm10, $0x43DA0000, v3;
	v0 =	vsel vm9, $0x43CA8000, v0;
	v2 =	vsel vm8, $0x43D30000, v2  }
0xb6: {  	v3 =	vsel vm9, $0x43DA8000, v3;
	v0 =	vsel vm8, $0x43CB0000, v0;
	v2 =	vsel vm7, $0x43D38000, v2  }
0xb7: {  	v3 =	vsel vm8, $0x43DB0000, v3;
	v0 =	vsel vm7, $0x43CB8000, v0;
	v2 =	vsel vm6, $0x43D40000, v2  }
0xb8: {  	v3 =	vsel vm7, $0x43DB8000, v3;
	v0 =	vsel vm6, $0x43CC0000, v0;
	v2 =	vsel vm5, $0x43D48000, v2  }
0xb9: {  	v3 =	vsel vm6, $0x43DC0000, v3;
	v0 =	vsel vm5, $0x43CC8000, v0;
	v2 =	vsel vm4, $0x43D50000, v2  }
0xba: {  	v3 =	vsel vm5, $0x43DC8000, v3;
	v0 =	vsel vm4, $0x43CD0000, v0;
	v2 =	vsel vm3, $0x43D58000, v2  }
0xbb: {  	v3 =	vsel vm4, $0x43DD0000, v3;
	v0 =	vsel vm3, $0x43CD8000, v0;
	v2 =	vsel vm2, $0x43D60000, v2  }
0xbc: {  	v3 =	vsel vm3, $0x43DD8000, v3;
	v0 =	vsel vm2, $0x43CE0000, v0;
	v2 =	vsel vm1, $0x43D68000, v2  }
0xbd: {  	v3 =	vsel vm2, $0x43DE0000, v3;
	v0 =	vsel vm1, $0x43CE8000, v0;
	v50 =	vsel vm0, $0x43D70000, v2  }
0xbe: {  	v2 =	vimm.f32 $4.790000000e+02;
	v49 =	vsel vm0, $0x43CF0000, v0;
	v0 =	vsel vm1, $0x43DE8000, v3  }
0xbf: {  	v2 =	vsel vm14, $0x43E80000, v2;
	v51 =	vsel vm0, $0x43DF0000, v0;
	v0 =	vimm.f32 $4.630000000e+02  }
0xc0: {  	v3 =	vimm.f32 $4.950000000e+02;
	v2 =	vsel vm13, $0x43E88000, v2;
	v0 =	vsel vm14, $0x43E00000, v0  }
0xc1: {  	v3 =	vsel vm14, $0x43F00000, v3;
	v2 =	vsel vm12, $0x43E90000, v2;
	v0 =	vsel vm13, $0x43E08000, v0  }
0xc2: {  	v3 =	vsel vm13, $0x43F08000, v3;
	v2 =	vsel vm11, $0x43E98000, v2;
	v0 =	vsel vm12, $0x43E10000, v0  }
0xc3: {  	v3 =	vsel vm12, $0x43F10000, v3;
	v2 =	vsel vm10, $0x43EA0000, v2;
	v0 =	vsel vm11, $0x43E18000, v0  }
0xc4: {  	v3 =	vsel vm11, $0x43F18000, v3;
	v2 =	vsel vm9, $0x43EA8000, v2;
	v0 =	vsel vm10, $0x43E20000, v0  }
0xc5: {  	v3 =	vsel vm10, $0x43F20000, v3;
	v2 =	vsel vm8, $0x43EB0000, v2;
	v0 =	vsel vm9, $0x43E28000, v0  }
0xc6: {  	v3 =	vsel vm9, $0x43F28000, v3;
	v2 =	vsel vm7, $0x43EB8000, v2;
	v0 =	vsel vm8, $0x43E30000, v0  }
0xc7: {  	v3 =	vsel vm8, $0x43F30000, v3;
	v2 =	vsel vm6, $0x43EC0000, v2;
	v0 =	vsel vm7, $0x43E38000, v0  }
0xc8: {  	v3 =	vsel vm7, $0x43F38000, v3;
	v2 =	vsel vm5, $0x43EC8000, v2;
	v0 =	vsel vm6, $0x43E40000, v0  }
0xc9: {  	v3 =	vsel vm6, $0x43F40000, v3;
	v2 =	vsel vm4, $0x43ED0000, v2;
	v0 =	vsel vm5, $0x43E48000, v0  }
0xca: {  	v3 =	vsel vm5, $0x43F48000, v3;
	v2 =	vsel vm3, $0x43ED8000, v2;
	v0 =	vsel vm4, $0x43E50000, v0  }
0xcb: {  	v3 =	vsel vm4, $0x43F50000, v3;
	v2 =	vsel vm2, $0x43EE0000, v2;
	v0 =	vsel vm3, $0x43E58000, v0  }
0xcc: {  	v3 =	vsel vm3, $0x43F58000, v3;
	v2 =	vsel vm1, $0x43EE8000, v2;
	v0 =	vsel vm2, $0x43E60000, v0  }
0xcd: {  	v3 =	vsel vm2, $0x43F60000, v3;
	v53 =	vsel vm0, $0x43EF0000, v2;
	v0 =	vsel vm1, $0x43E68000, v0  }
0xce: {  	v2 =	vimm.f32 $5.270000000e+02;
	v52 =	vsel vm0, $0x43E70000, v0;
	v0 =	vsel vm1, $0x43F68000, v3  }
0xcf: {  	v2 =	vsel vm14, $0x44000000, v2;
	v54 =	vsel vm0, $0x43F70000, v0;
	v0 =	vimm.f32 $5.110000000e+02  }
0xd0: {  	v3 =	vimm.f32 $5.430000000e+02;
	v2 =	vsel vm13, $0x44004000, v2;
	v0 =	vsel vm14, $0x43F80000, v0  }
0xd1: {  	v3 =	vsel vm14, $0x44040000, v3;
	v2 =	vsel vm12, $0x44008000, v2;
	v0 =	vsel vm13, $0x43F88000, v0  }
0xd2: {  	v3 =	vsel vm13, $0x44044000, v3;
	v2 =	vsel vm11, $0x4400C000, v2;
	v0 =	vsel vm12, $0x43F90000, v0  }
0xd3: {  	v3 =	vsel vm12, $0x44048000, v3;
	v2 =	vsel vm10, $0x44010000, v2;
	v0 =	vsel vm11, $0x43F98000, v0  }
0xd4: {  	v3 =	vsel vm11, $0x4404C000, v3;
	v2 =	vsel vm9, $0x44014000, v2;
	v0 =	vsel vm10, $0x43FA0000, v0  }
0xd5: {  	v3 =	vsel vm10, $0x44050000, v3;
	v2 =	vsel vm8, $0x44018000, v2;
	v0 =	vsel vm9, $0x43FA8000, v0  }
0xd6: {  	v3 =	vsel vm9, $0x44054000, v3;
	v2 =	vsel vm7, $0x4401C000, v2;
	v0 =	vsel vm8, $0x43FB0000, v0  }
0xd7: {  	v3 =	vsel vm8, $0x44058000, v3;
	v2 =	vsel vm6, $0x44020000, v2;
	v0 =	vsel vm7, $0x43FB8000, v0  }
0xd8: {  	v3 =	vsel vm7, $0x4405C000, v3;
	v2 =	vsel vm5, $0x44024000, v2;
	v0 =	vsel vm6, $0x43FC0000, v0  }
0xd9: {  	v3 =	vsel vm6, $0x44060000, v3;
	v2 =	vsel vm4, $0x44028000, v2;
	v0 =	vsel vm5, $0x43FC8000, v0  }
0xda: {  	v3 =	vsel vm5, $0x44064000, v3;
	v2 =	vsel vm3, $0x4402C000, v2;
	v0 =	vsel vm4, $0x43FD0000, v0  }
0xdb: {  	v3 =	vsel vm4, $0x44068000, v3;
	v2 =	vsel vm2, $0x44030000, v2;
	v0 =	vsel vm3, $0x43FD8000, v0  }
0xdc: {  	v3 =	vsel vm3, $0x4406C000, v3;
	v2 =	vsel vm1, $0x44034000, v2;
	v0 =	vsel vm2, $0x43FE0000, v0  }
0xdd: {  	v3 =	vsel vm2, $0x44070000, v3;
	v56 =	vsel vm0, $0x44038000, v2;
	v0 =	vsel vm1, $0x43FE8000, v0  }
0xde: {  	v2 =	vimm.f32 $5.750000000e+02;
	v55 =	vsel vm0, $0x43FF0000, v0;
	v0 =	vsel vm1, $0x44074000, v3  }
0xdf: {  	v2 =	vsel vm14, $0x440C0000, v2;
	v57 =	vsel vm0, $0x44078000, v0;
	v0 =	vimm.f32 $5.590000000e+02  }
0xe0: {  	v2 =	vsel vm13, $0x440C4000, v2;
	v3 =	vimm.f32 $5.910000000e+02;
	v0 =	vsel vm14, $0x44080000, v0  }
0xe1: {  	v2 =	vsel vm12, $0x440C8000, v2;
	v3 =	vsel vm14, $0x44100000, v3;
	v0 =	vsel vm13, $0x44084000, v0  }
0xe2: {  	v2 =	vsel vm11, $0x440CC000, v2;
	v3 =	vsel vm13, $0x44104000, v3;
	v0 =	vsel vm12, $0x44088000, v0  }
0xe3: {  	v2 =	vsel vm10, $0x440D0000, v2;
	v3 =	vsel vm12, $0x44108000, v3;
	v0 =	vsel vm11, $0x4408C000, v0  }
0xe4: {  	v2 =	vsel vm9, $0x440D4000, v2;
	v3 =	vsel vm11, $0x4410C000, v3;
	v0 =	vsel vm10, $0x44090000, v0  }
0xe5: {  	v2 =	vsel vm8, $0x440D8000, v2;
	v3 =	vsel vm10, $0x44110000, v3;
	v0 =	vsel vm9, $0x44094000, v0  }
0xe6: {  	v2 =	vsel vm7, $0x440DC000, v2;
	v3 =	vsel vm9, $0x44114000, v3;
	v0 =	vsel vm8, $0x44098000, v0  }
0xe7: {  	v2 =	vsel vm6, $0x440E0000, v2;
	v3 =	vsel vm8, $0x44118000, v3;
	v0 =	vsel vm7, $0x4409C000, v0  }
0xe8: {  	v2 =	vsel vm5, $0x440E4000, v2;
	v3 =	vsel vm7, $0x4411C000, v3;
	v0 =	vsel vm6, $0x440A0000, v0  }
0xe9: {  	v2 =	vsel vm4, $0x440E8000, v2;
	v3 =	vsel vm6, $0x44120000, v3;
	v0 =	vsel vm5, $0x440A4000, v0  }
0xea: {  	v2 =	vsel vm3, $0x440EC000, v2;
	v3 =	vsel vm5, $0x44124000, v3;
	v0 =	vsel vm4, $0x440A8000, v0  }
0xeb: {  	s0 =	rddreg [dreg:$0x0];
	v2 =	vsel vm2, $0x440F0000, v2;
	v3 =	vsel vm4, $0x44128000, v3;
	v0 =	vsel vm3, $0x440AC000, v0  }
0xec: {  	s1 =	rddreg [dreg:$0x1];
	v2 =	vsel vm1, $0x440F4000, v2;
	v3 =	vsel vm3, $0x4412C000, v3;
	v0 =	vsel vm2, $0x440B0000, v0  }
0xed: {  	s2 =	rddreg [dreg:$0x3];
	v59 =	vsel vm0, $0x440F8000, v2;
	v3 =	vsel vm2, $0x44130000, v3;
	v0 =	vsel vm1, $0x440B4000, v0  }
0xee: {  	s4 =	srdreg.scid;
	s7 =	stileid.u32;
	v2 =	vimm.f32 $6.230000000e+02;
	v58 =	vsel vm0, $0x440B8000, v0;
	v0 =	vsel vm1, $0x44134000, v3  }
0xef: {  	s3 =	rddreg [dreg:$0x4];
	s5 =	simm.s32 $0x0;
	s31 =	simm.s32 $0x7;
	v2 =	vsel vm14, $0x44180000, v2;
	v60 =	vsel vm0, $0x44138000, v0;
	v0 =	vimm.f32 $6.070000000e+02  }
0xf0: {  	s29 =	simm.s32 $0x40;
	s4 =	sand.u32 $0x1, s4;
	s6 =	sshll.u32 s7, $0x1;
	v2 =	vsel vm13, $0x44184000, v2;
	v3 =	vimm.f32 $6.390000000e+02;
	v0 =	vsel vm14, $0x44140000, v0  }
0xf1: {  	s30 =	simm.s32 $0x5;
	s28 =	simm.s32 $0x6;
	s6 =	sor.u32 s4, s6;
	v2 =	vsel vm12, $0x44188000, v2;
	v3 =	vsel vm14, $0x441C0000, v3;
	v0 =	vsel vm13, $0x44144000, v0  }
0xf2: {  	[smem:$0x7FF] =	sst s5;
	s8 =	sadd.s32 $0x800, s1;
	s6 =	smul.u32 $0x2800, s6;
	v2 =	vsel vm11, $0x4418C000, v2;
	v3 =	vsel vm13, $0x441C4000, v3;
	v0 =	vsel vm12, $0x44148000, v0  }
0xf3: {  	s10 =	sadd.s32 $0x10, s0;
	s11 =	sadd.s32 $0x20, s0;
	s4 =	ssub.s32 $0x2, s4;
	v2 =	vsel vm10, $0x44190000, v2;
	v3 =	vsel vm12, $0x441C8000, v3;
	v0 =	vsel vm11, $0x4414C000, v0  }
0xf4: {  	s14 =	sadd.s32 $0x30, s0;
	s9 =	sshrl.u32 s4, $0x1;
	s21 =	sshrl.u32 s6, $0x3;
	v2 =	vsel vm9, $0x44194000, v2;
	v3 =	vsel vm11, $0x441CC000, v3;
	v0 =	vsel vm10, $0x44150000, v0  }
0xf5: {  	s12 =	sadd.s32 s21, s10;
	_ =	strace $0x80000047;
	[dreg:$0x6] =	wrdreg s8;
	v2 =	vsel vm8, $0x44198000, v2;
	v3 =	vsel vm10, $0x441D0000, v3;
	v0 =	vsel vm9, $0x44154000, v0  }
0xf6: {  	s19 =	ssub.s32 s4, s9;
	s22 =	sadd.s32 s21, s11;
	[dreg:$0x7] =	wrdreg s12;
	v2 =	vsel vm7, $0x4419C000, v2;
	v3 =	vsel vm9, $0x441D4000, v3;
	v0 =	vsel vm8, $0x44158000, v0  }
0xf7: {  	s9 =	sadd.s32 s0, s21;
	s4 =	sadd.s32 s21, s14;
	[dreg:$0x8] =	wrdreg s22;
	v2 =	vsel vm6, $0x441A0000, v2;
	v3 =	vsel vm8, $0x441D8000, v3;
	v0 =	vsel vm7, $0x4415C000, v0  }
0xf8: {  	p0 =	sne.s32 s7, $0x0;
	s23 =	sadd.s32 $0x40, s9;
	[dreg:$0x9] =	wrdreg s4;
	v2 =	vsel vm5, $0x441A4000, v2;
	v3 =	vsel vm7, $0x441DC000, v3;
	v0 =	vsel vm6, $0x44160000, v0  }
0xf9: {  	s7 =	simm.s32 $0x0;
	s24 =	sadd.s32 $0x50, s9;
	[dreg:$0xa] =	wrdreg s23;
	v2 =	vsel vm4, $0x441A8000, v2;
	v3 =	vsel vm6, $0x441E0000, v3;
	v0 =	vsel vm5, $0x44164000, v0  }
0xfa: {  	s20 =	sor.u32 $0x400, s6;
	s25 =	sadd.s32 $0x60, s9;
	[dreg:$0xb] =	wrdreg s24;
	v2 =	vsel vm3, $0x441AC000, v2;
	v3 =	vsel vm5, $0x441E4000, v3;
	v0 =	vsel vm4, $0x44168000, v0  }
.Ltmp0:
0xfb: {  	s26 =	sadd.s32 $0x70, s9;
	[dreg:$0xc] =	wrdreg s25;
	v2 =	vsel vm2, $0x441B0000, v2;
	v3 =	vsel vm4, $0x441E8000, v3;
	v0 =	vsel vm3, $0x4416C000, v0;
	(pc) =	sbr.rel .LBB2_1-.Ltmp0, $4  }
0xfc: {  	s21 =	sadd.s32 $0x8, s2;
	s8 =	sadd.s32 $0x400, s1;
	[dreg:$0xd] =	wrdreg s26;
	v2 =	vsel vm1, $0x441B4000, v2;
	v3 =	vsel vm3, $0x441EC000, v3;
	v0 =	vsel vm2, $0x44170000, v0  }
0xfd: {  	s1 =	smax.u32 s19, $0x1;
	s25 =	simm.s32 $0x8;
	s26 =	simm.s32 $0x80;
	v62 =	vsel vm0, $0x441B8000, v2;
	v3 =	vsel vm2, $0x441F0000, v3;
	v0 =	vsel vm1, $0x44174000, v0  }
0xfe: {  	s4 =	simm.s32 $0x100;
	[dreg:$0xe] =	wrdreg s1;
	s1 =	sshrl.u32 @!p0 s3, $0x3;
	v2 =	vor.u32 $0x190, v1;
	v61 =	vsel vm0, $0x44178000, v0;
	v0 =	vsel vm1, $0x441F4000, v3  }
0xff: {  	s24 =	simm.s32 $0x3;
	[dreg:$0xf] =	wrdreg s1;
	s1 =	simm.s32 $0x180;
	v3 =	vor.u32 $0x1A0, v1;
	v63 =	vsel vm0, $0x441F8000, v0;
	v0 =	vor.u32 $0x180, v1  }
.LBB2_7:
0x100: {  	_ =	swait.ge [sflag:s30], $0x8000  }
0x101: {  	[sflag:s30] =	ssyncset.done $0x0  }
0x102: {  	[sflag:s30] =	ssyncadd.s32 $0xFFFF8000  }
0x103: {  	_ =	swait.ge [sflag:s30], $0x8000  }
0x104: {  	[sflag:s30] =	ssyncset.done $0x0  }
0x105: {  	[sflag:s30] =	ssyncadd.s32 $0xFFFF8000  }
0x106: {  	_ =	swait.ge [sflag:s28], $0x8000  }
0x107: {  	[sflag:s28] =	ssyncset.done $0x0  }
0x108: {  	[sflag:s28] =	ssyncadd.s32 $0xFFFF8000  }
0x109: {  	_ =	swait.ge [sflag:s28], $0x8000  }
0x10a: {  	s7 =	sadd.s32 $0x1, s7;
	s12 =	rddreg [dreg:$0xe]  }
0x10b: {  	p1 =	sne.s32 s7, s12  }
.Ltmp1:
0x10c: {  	_ = 	snop;
	(pc) =	sbr.rel @!p1 .LBB2_8-.Ltmp1, $3  }
0x10d: {  	_ =	sdelay $0x1  }
0x10e: {  	[sflag:s28] =	ssyncset.done $0x0  }
0x10f: {  	[sflag:s28] =	ssyncadd.s32 $0xFFFF8000  }
.LBB2_1:
0x110: {  	s13 =	rddreg [dreg:$0x6]  }
0x111: {  	s12 =	simm.s32 @!p0 $0x1C08;
	s15 =	rddreg [dreg:$0xf]  }
0x112: {  	[spmem:s15], [sflag:s12] =	dma.local @!p0 [hbm:s13], $0x1F40  }
0x113: {  	s12 =	simm.s32 @!p0 $0x8  }
0x114: {  	_ =	swait.ge @!p0 [sflag:s12], $0x1F40  }
0x115: {  	[sflag:s12] =	ssyncset.done @!p0 $0x0  }
0x116: {  	[sflag:s12] =	ssyncadd.s32 @!p0 $0xFFFFE0C0  }
0x117: {  	[bflag:$0x0] =	sbarrier.arrive $0xFFFF  }
0x118: {  	s17 =	simm.s32 $0x1A680;
	s16 =	rddreg [dreg:$0x2]  }
0x119: {  	[tilespmem:s17], [sflag:$0x8] =	stream.linear.gather [hbm4b:s16+s5], $0x10, $0x38;
	[tilespmem:$0x1B630] =	vst v63  }
0x11a: {  	_ =	swait.ge [sflag:s25], $0x10  }
0x11b: {  	[sflag:s25] =	ssyncset.done $0x0  }
0x11c: {  	[sflag:s25] =	ssyncadd.s32 $0xFFFFFFF0  }
0x11d: {  	v9 =	vld [tilespmem:$0x1A680];
	_ =	sdelay $0x4  }
0x11e: {  	v10 =	vcvt.s32.f32 v9;
	_ =	sdelay $0x1  }
0x11f: {  	(erf) = vrcp.f32 v10;
	_ =	sdelay $0x2  }
0x120: {  	v11 =	vld [tilespmem:$0x1FD40]  }
0x121: {  	v12 =	vld [tilespmem:$0x1FD50]  }
0x122: {  	v15 =	vld [tilespmem:$0x1FD90]  }
0x123: {  	v16 =	vld [tilespmem:$0x1FDB0]  }
0x124: {  	v19 =	vld [tilespmem:$0x1FDF0];
	_ =	sdelay $0x1  }
0x125: {  	v10 =	vpop (erf)  }
0x126: {  	v11 =	vmul.f32 v11, v10;
	v12 =	vmul.f32 v12, v10  }
0x127: {  	v15 =	vmul.f32 v15, v10;
	v16 =	vmul.f32 v16, v10  }
0x128: {  	v14 =	vld [tilespmem:$0x1FD70];
	v19 =	vmul.f32 v19, v10;
	v11 =	vtrunc.f32 v11  }
0x129: {  	v12 =	vtrunc.f32 v12;
	v15 =	vtrunc.f32 v15  }
0x12a: {  	v20 =	vld [tilespmem:$0x1FD60];
	v25 =	vtrunc.f32 v16;
	v19 =	vtrunc.f32 v19  }
0x12b: {  	v29 =	vld [tilespmem:$0x1FDC0];
	v11 =	vcvt.f32.s32 v11;
	v12 =	vcvt.f32.s32 v12  }
0x12c: {  	v23 =	vcvt.f32.s32 v15;
	v15 =	vcvt.f32.s32 v25  }
0x12d: {  	v14 =	vmul.f32 v14, v10;
	v19 =	vcvt.f32.s32 v19;
	v11 =	vmul.u32 v11, v9  }
0x12e: {  	v34 =	vld [tilespmem:$0x1FE10];
	(v2sf) =	vpush v9, $0x0;
	v12 =	vmul.u32 v12, v9;
	v15 =	vmul.u32 v15, v9  }
0x12f: {  	v21 =	vtrunc.f32 v14;
	v37 =	vmul.u32 v19, v9;
	v11 =	vsub.s32 v1, v11  }
0x130: {  	v28 =	vld [tilespmem:$0x1FDA0];
	v12 =	vsub.s32 v20, v12;
	v15 =	vsub.s32 v29, v15;
	v13 =	vshra.s32 v11, $0x1F  }
0x131: {  	v30 =	vld [tilespmem:$0x1FDD0];
	v22 =	vshra.s32 v12, $0x1F;
	v31 =	vshra.s32 v15, $0x1F;
	v13 =	vand.u32 v9, v13  }
0x132: {  	v24 =	vld [tilespmem:$0x1FD80];
	v14 =	vand.u32 v9, v22;
	v11 =	vadd.s32 v11, v13;
	v13 =	vcvt.f32.s32 v21  }
0x133: {  	v22 =	vld [tilespmem:$0x1FE50];
	v12 =	vadd.s32 v12, v14;
	v14 =	vmul.u32 v23, v9;
	v21 =	vmul.f32 v34, v10  }
0x134: {  	v23 =	vld [tilespmem:$0x1FE70];
	vm0 =	vlt.s32 v11, v9;
	vm14 =	vlt.s32 v12, v9;
	v13 =	vmul.u32 v13, v9  }
0x135: {  	v17 =	vsel vm0, $0x0, v9;
	v27 =	vsel vm14, $0x0, v9;
	v14 =	vsub.s32 v28, v14  }
0x136: {  	v38 =	vtrunc.f32 v21;
	v11 =	vsub.s32 v11, v17;
	v17 =	vmul.f32 v30, v10  }
0x137: {  	v12 =	vsub.s32 v12, v27;
	v19 =	vcvt.f32.s32 v38;
	v13 =	vsub.s32 v24, v13  }
0x138: {  	v36 =	vld [tilespmem:$0x1FDE0];
	v22 =	vmul.f32 v22, v10;
	v26 =	vshra.s32 v13, $0x1F;
	v17 =	vtrunc.f32 v17  }
0x139: {  	v40 =	vld [tilespmem:$0x1FE00];
	v19 =	vmul.u32 v19, v9;
	v23 =	vmul.f32 v23, v10;
	v16 =	vand.u32 v9, v26  }
0x13a: {  	v41 =	vld [tilespmem:$0x1FE30];
	v32 =	vcvt.f32.s32 v17;
	v13 =	vadd.s32 v13, v16;
	v16 =	vshra.s32 v14, $0x1F  }
0x13b: {  	v28 =	vtrunc.f32 v22;
	vm15 =	vlt.s32 v13, v9;
	v16 =	vand.u32 v9, v16  }
0x13c: {  	v20 =	vmul.u32 v32, v9;
	v18 =	vsel vm15, $0x0, v9;
	v14 =	vadd.s32 v14, v16  }
0x13d: {  	v16 =	vand.u32 v9, v31;
	v31 =	vtrunc.f32 v23;
	vm4 =	vlt.s32 v14, v9  }
0x13e: {  	v32 =	vld [tilespmem:$0x1FE90];
	v16 =	vadd.s32 v15, v16;
	v15 =	vsub.s32 v13, v18;
	v17 =	vsub.s32 v36, v20  }
0x13f: {  	v43 =	vld [tilespmem:$0x1FE20];
	v18 =	vsub.s32 v40, v37;
	v20 =	vmul.f32 v41, v10;
	v33 =	vsel vm4, $0x0, v9  }
0x140: {  	vm5 =	vlt.s32 v16, v9;
	v39 =	vshra.s32 v17, $0x1F;
	v42 =	vshra.s32 v18, $0x1F  }
0x141: {  	v13 =	vsub.s32 v14, v33;
	v35 =	vsel vm5, $0x0, v9;
	v20 =	vtrunc.f32 v20  }
0x142: {  	v27 =	vld [tilespmem:$0x1FE40];
	v14 =	vsub.s32 v16, v35;
	v16 =	vand.u32 v9, v39;
	v44 =	vcvt.f32.s32 v20  }
0x143: {  	v23 =	vmul.f32 v32, v10;
	v16 =	vadd.s32 v17, v16;
	v17 =	vand.u32 v9, v42  }
0x144: {  	vm6 =	vlt.s32 v16, v9;
	v17 =	vadd.s32 v18, v17;
	v18 =	vsub.s32 v43, v19  }
0x145: {  	v19 =	vmul.u32 v44, v9;
	v23 =	vtrunc.f32 v23;
	v25 =	vshra.s32 v18, $0x1F  }
0x146: {  	v38 =	vld [tilespmem:$0x1FED0];
	v24 =	vsel vm6, $0x0, v9;
	vm7 =	vlt.s32 v17, v9;
	v21 =	vand.u32 v9, v25  }
0x147: {  	v16 =	vsub.s32 v16, v24;
	v26 =	vsel vm7, $0x0, v9;
	v19 =	vsub.s32 v27, v19;
	v24 =	vld [tilespmem:$0x1FE60]  }
0x148: {  	v27 =	vld [tilespmem:$0x1FEF0];
	v18 =	vadd.s32 v18, v21;
	v29 =	vshra.s32 v19, $0x1F;
	v21 =	vcvt.f32.s32 v28  }
0x149: {  	v17 =	vsub.s32 v17, v26;
	v26 =	vld [tilespmem:$0x1FEA0];
	vm8 =	vlt.s32 v18, v9;
	v22 =	vand.u32 v9, v29  }
0x14a: {  	v36 =	vld [tilespmem:$0x1FEB0];
	v23 =	vcvt.f32.s32 v23;
	v30 =	vsel vm8, $0x0, v9;
	v19 =	vadd.s32 v19, v22  }
0x14b: {  	v35 =	vld [tilespmem:$0x1FE80];
	v21 =	vmul.u32 v21, v9;
	v22 =	vcvt.f32.s32 v31;
	vm9 =	vlt.s32 v19, v9  }
0x14c: {  	v23 =	vmul.u32 v23, v9;
	v18 =	vsub.s32 v18, v30;
	v33 =	vsel vm9, $0x0, v9  }
0x14d: {  	v31 =	vld [tilespmem:$0x1FF70];
	v21 =	vsub.s32 v24, v21;
	v22 =	vmul.u32 v22, v9;
	v27 =	vmul.f32 v27, v10  }
0x14e: {  	v24 =	vshra.s32 v21, $0x1F;
	v19 =	vsub.s32 v19, v33;
	v23 =	vsub.s32 v26, v23  }
0x14f: {  	v26 =	vmul.f32 v38, v10;
	v34 =	vand.u32 v9, v24;
	v33 =	vtrunc.f32 v27  }
0x150: {  	v20 =	vadd.s32 v21, v34;
	v21 =	vsub.s32 v35, v22;
	v22 =	vmul.f32 v36, v10  }
0x151: {  	v39 =	vshra.s32 v23, $0x1F;
	v40 =	vtrunc.f32 v26;
	v28 =	vcvt.f32.s32 v33  }
0x152: {  	v31 =	vmul.f32 v31, v10;
	vm10 =	vlt.s32 v20, v9;
	v37 =	vshra.s32 v21, $0x1F  }
0x153: {  	v35 =	vld [tilespmem:$0x1FF10];
	v41 =	vcvt.f32.s32 v40;
	v25 =	vsel vm10, $0x0, v9;
	v24 =	vand.u32 v9, v37  }
0x154: {  	v32 =	vld [tilespmem:$0x1FEE0];
	v22 =	vtrunc.f32 v22;
	v37 =	vmul.u32 v28, v9;
	v31 =	vtrunc.f32 v31  }
0x155: {  	v43 =	vld [tilespmem:$0x1FEC0];
	v22 =	vcvt.f32.s32 v22;
	v20 =	vsub.s32 v20, v25;
	v21 =	vadd.s32 v21, v24  }
0x156: {  	v24 =	vand.u32 v9, v39;
	v31 =	vcvt.f32.s32 v31;
	vm11 =	vlt.s32 v21, v9  }
0x157: {  	v39 =	vld [tilespmem:$0x1FF30];
	v23 =	vadd.s32 v23, v24;
	v24 =	vmul.u32 v41, v9;
	v22 =	vmul.u32 v22, v9  }
0x158: {  	v42 =	vsel vm11, $0x0, v9;
	vm12 =	vlt.s32 v23, v9;
	v29 =	vmul.f32 v35, v10  }
0x159: {  	v21 =	vsub.s32 v21, v42;
	v44 =	vsel vm12, $0x0, v9;
	v24 =	vsub.s32 v32, v24  }
0x15a: {  	v42 =	vld [tilespmem:$0x1FF00];
	v22 =	vsub.s32 v43, v22;
	v34 =	vshra.s32 v24, $0x1F;
	v38 =	vtrunc.f32 v29  }
0x15b: {  	[tilespmem:$0x4A0] =	vst v21;
	v21 =	vor.u32 $0x220, v1;
	v26 =	vshra.s32 v22, $0x1F;
	v36 =	vand.u32 v9, v34  }
0x15c: {  	v28 =	vmul.f32 v39, v10;
	v41 =	vcvt.f32.s32 v38;
	v26 =	vand.u32 v9, v26  }
0x15d: {  	v24 =	vadd.s32 v24, v36;
	v26 =	vadd.s32 v22, v26;
	v22 =	vsub.s32 v23, v44  }
0x15e: {  	v33 =	vld [tilespmem:$0x1FF20];
	vm14 =	vlt.s32 v24, v9;
	v43 =	vtrunc.f32 v28;
	v30 =	vmul.u32 v41, v9  }
0x15f: {  	v36 =	vld [tilespmem:$0x1FF50];
	vm13 =	vlt.s32 v26, v9;
	v25 =	vsub.s32 v42, v37;
	v27 =	vcvt.f32.s32 v43  }
0x160: {  	v35 =	vld [tilespmem:$0x1FF40];
	v32 =	vsel vm14, $0x0, v9;
	[tilespmem:$0x4B0] =	vst v22;
	v22 =	vmul.f32 v60, v10;
	v40 =	vsel vm13, $0x0, v9  }
0x161: {  	v41 =	vld [tilespmem:$0x1FF90];
	v44 =	vshra.s32 v25, $0x1F;
	v24 =	vsub.s32 v24, v32;
	v23 =	vsub.s32 v26, v40  }
0x162: {  	v28 =	vand.u32 v9, v44;
	v27 =	vmul.u32 v27, v9;
	v44 =	vmul.u32 v31, v9  }
0x163: {  	[tilespmem:$0x480] =	vst v19;
	v19 =	vtrunc.f32 v22;
	v25 =	vadd.s32 v25, v28;
	v28 =	vsub.s32 v33, v30  }
0x164: {  	v29 =	vmul.f32 v36, v10;
	[tilespmem:$0x4C0] =	vst v23;
	v23 =	vor.u32 $0x230, v1;
	v19 =	vcvt.f32.s32 v19  }
0x165: {  	vm15 =	vlt.s32 v25, v9;
	v34 =	vshra.s32 v28, $0x1F;
	v27 =	vsub.s32 v35, v27  }
0x166: {  	v36 =	vld [tilespmem:$0x1FF80];
	v33 =	vmul.f32 v41, v10;
	v26 =	vand.u32 v9, v34;
	v37 =	vsel vm15, $0x0, v9  }
0x167: {  	v43 =	vld [tilespmem:$0x1FF60];
	v38 =	vshra.s32 v27, $0x1F;
	v29 =	vtrunc.f32 v29;
	v19 =	vmul.u32 v19, v9  }
0x168: {  	v26 =	vadd.s32 v28, v26;
	v28 =	vand.u32 v9, v38;
	v39 =	vcvt.f32.s32 v29  }
0x169: {  	v34 =	vtrunc.f32 v33;
	v28 =	vadd.s32 v27, v28;
	v27 =	vsub.s32 v25, v37;
	v37 =	vld [tilespmem:$0x1FFB0]  }
0x16a: {  	vm4 =	vlt.s32 v26, v9;
	v31 =	vcvt.f32.s32 v34;
	v34 =	vld [tilespmem:$0x1FFD0];
	v32 =	vmul.u32 v39, v9  }
0x16b: {  	v40 =	vsel vm4, $0x0, v9;
	vm5 =	vlt.s32 v28, v9;
	v30 =	vsub.s32 v36, v44  }
0x16c: {  	v39 =	vld [tilespmem:$0x1FFA0];
	v25 =	vsub.s32 v26, v40;
	v42 =	vsel vm5, $0x0, v9;
	v29 =	vsub.s32 v43, v32  }
0x16d: {  	v38 =	vshra.s32 v30, $0x1F;
	v31 =	vmul.u32 v31, v9;
	v35 =	vshra.s32 v29, $0x1F  }
0x16e: {  	v26 =	vsub.s32 v28, v42;
	v28 =	vand.u32 v9, v35;
	v32 =	vmul.f32 v37, v10  }
0x16f: {  	v34 =	vmul.f32 v34, v10;
	v28 =	vadd.s32 v29, v28;
	v29 =	vand.u32 v9, v38  }
0x170: {  	v35 =	vld [tilespmem:$0x1FFF0];
	vm6 =	vlt.s32 v28, v9;
	v32 =	vtrunc.f32 v32;
	v29 =	vadd.s32 v30, v29  }
0x171: {  	v44 =	vld [tilespmem:$0x1FFC0];
	v30 =	vsub.s32 v39, v31;
	v36 =	vtrunc.f32 v34;
	v40 =	vcvt.f32.s32 v32  }
0x172: {  	v41 =	vsel vm6, $0x0, v9;
	vm7 =	vlt.s32 v29, v9;
	v42 =	vshra.s32 v30, $0x1F  }
0x173: {  	v33 =	vand.u32 v9, v42;
	v28 =	vsub.s32 v28, v41;
	v43 =	vsel vm7, $0x0, v9  }
0x174: {  	v31 =	vmul.u32 v40, v9;
	v30 =	vadd.s32 v30, v33;
	v33 =	vcvt.f32.s32 v36  }
0x175: {  	v35 =	vmul.f32 v35, v10;
	v29 =	vsub.s32 v29, v43;
	v40 =	vmul.f32 v46, v10  }
0x176: {  	v36 =	vld [tilespmem:$0x1FFE0];
	[tilespmem:$0x510] =	vst v28;
	v28 =	vor.u32 $0x240, v1;
	vm8 =	vlt.s32 v30, v9;
	v31 =	vsub.s32 v44, v31  }
0x177: {  	v38 =	vsel vm8, $0x0, v9;
	v33 =	vmul.u32 v33, v9;
	v39 =	vtrunc.f32 v35  }
0x178: {  	v35 =	vtrunc.f32 v40;
	v44 =	vmul.f32 v48, v10;
	v37 =	vshra.s32 v31, $0x1F  }
0x179: {  	v30 =	vsub.s32 v30, v38;
	v35 =	vcvt.f32.s32 v35;
	v34 =	vand.u32 v9, v37  }
0x17a: {  	v38 =	vmul.f32 v49, v10;
	v31 =	vadd.s32 v31, v34;
	v34 =	vcvt.f32.s32 v39  }
0x17b: {  	v33 =	vsub.s32 v36, v33;
	v35 =	vmul.u32 v35, v9;
	vm9 =	vlt.s32 v31, v9  }
0x17c: {  	v39 =	vmul.f32 v50, v10;
	v36 =	vshra.s32 v33, $0x1F;
	v41 =	vsel vm9, $0x0, v9  }
0x17d: {  	v34 =	vmul.u32 v34, v9;
	v42 =	vand.u32 v9, v36;
	v35 =	vsub.s32 v47, v35  }
0x17e: {  	v31 =	vsub.s32 v31, v41;
	v32 =	vadd.s32 v33, v42;
	v41 =	vshra.s32 v35, $0x1F  }
0x17f: {  	v42 =	vtrunc.f32 v38;
	v43 =	vsub.s32 v45, v34;
	v34 =	vtrunc.f32 v44  }
0x180: {  	vm10 =	vlt.s32 v32, v9;
	v40 =	vshra.s32 v43, $0x1F;
	v34 =	vcvt.f32.s32 v34  }
0x181: {  	[tilespmem:$0x540] =	vst v31;
	v31 =	vmul.f32 v61, v10;
	v37 =	vsel vm10, $0x0, v9;
	v36 =	vand.u32 v9, v40  }
0x182: {  	v33 =	vadd.s32 v43, v36;
	v36 =	vand.u32 v9, v41;
	v34 =	vmul.u32 v34, v9  }
0x183: {  	v43 =	vcvt.f32.s32 v42;
	vm11 =	vlt.s32 v33, v9;
	v35 =	vadd.s32 v35, v36  }
0x184: {  	v32 =	vsub.s32 v32, v37;
	v44 =	vsel vm11, $0x0, v9;
	vm12 =	vlt.s32 v35, v9  }
0x185: {  	v34 =	vsub.s32 v0, v34;
	v36 =	vmul.u32 v43, v9;
	v43 =	vtrunc.f32 v39  }
0x186: {  	v39 =	vmul.f32 v51, v10;
	v42 =	vshra.s32 v34, $0x1F;
	v33 =	vsub.s32 v33, v44  }
0x187: {  	v37 =	vsel vm12, $0x0, v9;
	v40 =	vcvt.f32.s32 v43;
	v38 =	vand.u32 v9, v42  }
0x188: {  	v36 =	vsub.s32 v2, v36;
	v39 =	vtrunc.f32 v39;
	[tilespmem:$0x560] =	vst v33;
	v33 =	vmul.f32 v62, v10  }
0x189: {  	v38 =	vadd.s32 v34, v38;
	v44 =	vshra.s32 v36, $0x1F;
	v34 =	vsub.s32 v35, v37  }
0x18a: {  	v37 =	vmul.u32 v40, v9;
	v39 =	vcvt.f32.s32 v39;
	vm13 =	vlt.s32 v38, v9  }
0x18b: {  	v43 =	vand.u32 v9, v44;
	v44 =	vmul.f32 v52, v10;
	[tilespmem:$0x570] =	vst v34;
	v34 =	vtrunc.f32 v31  }
0x18c: {  	[tilespmem:$0x490] =	vst v20;
	v20 =	vtrunc.f32 v33;
	v42 =	vsel vm13, $0x0, v9;
	v36 =	vadd.s32 v36, v43  }
0x18d: {  	v37 =	vsub.s32 v3, v37;
	v39 =	vmul.u32 v39, v9;
	v43 =	vmul.f32 v55, v10  }
0x18e: {  	v20 =	vcvt.f32.s32 v20;
	v35 =	vsub.s32 v38, v42;
	vm14 =	vlt.s32 v36, v9  }
0x18f: {  	v41 =	vshra.s32 v37, $0x1F;
	v38 =	vtrunc.f32 v44;
	v42 =	vmul.f32 v53, v10  }
0x190: {  	v40 =	vsel vm14, $0x0, v9;
	v41 =	vand.u32 v9, v41;
	v38 =	vcvt.f32.s32 v38  }
0x191: {  	v39 =	vsub.s32 v4, v39;
	v20 =	vmul.u32 v20, v9;
	v37 =	vadd.s32 v37, v41  }
0x192: {  	v36 =	vsub.s32 v36, v40;
	v40 =	vtrunc.f32 v42;
	vm15 =	vlt.s32 v37, v9  }
0x193: {  	v38 =	vmul.u32 v38, v9;
	v40 =	vcvt.f32.s32 v40;
	v44 =	vsel vm15, $0x0, v9  }
0x194: {  	[tilespmem:$0x590] =	vst v36;
	v36 =	vor.u32 $0x250, v1;
	v37 =	vsub.s32 v37, v44;
	v44 =	vshra.s32 v39, $0x1F  }
0x195: {  	v38 =	vsub.s32 v5, v38;
	v40 =	vmul.u32 v40, v9;
	v41 =	vand.u32 v9, v44  }
0x196: {  	v42 =	vshra.s32 v38, $0x1F;
	[tilespmem:$0x5A0] =	vst v37;
	v37 =	vor.u32 $0x260, v1;
	v39 =	vadd.s32 v39, v41  }
0x197: {  	v41 =	vand.u32 v9, v42;
	v42 =	vmul.f32 v54, v10;
	v40 =	vsub.s32 v6, v40  }
0x198: {  	vm4 =	vlt.s32 v39, v9;
	v38 =	vadd.s32 v38, v41;
	v41 =	vshra.s32 v40, $0x1F  }
0x199: {  	v42 =	vtrunc.f32 v42;
	v41 =	vand.u32 v9, v41;
	vm5 =	vlt.s32 v38, v9  }
0x19a: {  	v42 =	vcvt.f32.s32 v42;
	v40 =	vadd.s32 v40, v41;
	v41 =	vtrunc.f32 v43  }
0x19b: {  	v44 =	vsel vm4, $0x0, v9;
	v43 =	vsel vm5, $0x0, v9;
	v41 =	vcvt.f32.s32 v41  }
0x19c: {  	[tilespmem:$0x410] =	vst v12;
	v39 =	vsub.s32 v39, v44;
	vm1 =	vlt.s32 v40, v9;
	v42 =	vmul.u32 v42, v9  }
0x19d: {  	v12 =	vsub.s32 v38, v43;
	[tilespmem:$0x5B0] =	vst v39;
	v39 =	vor.u32 $0x270, v1;
	v41 =	vmul.u32 v41, v9  }
0x19e: {  	[tilespmem:$0x400] =	vst v11;
	v44 =	vsel vm1, $0x0, v9;
	v11 =	vsub.s32 v7, v42;
	v42 =	vmul.f32 v56, v10  }
0x19f: {  	v38 =	vsub.s32 v40, v44;
	v44 =	vshra.s32 v11, $0x1F;
	v40 =	vsub.s32 v8, v41  }
0x1a0: {  	[tilespmem:$0x420] =	vst v15;
	v41 =	vor.u32 $0x200, v1;
	v15 =	vand.u32 v9, v44;
	v44 =	vtrunc.f32 v42  }
0x1a1: {  	v42 =	vshra.s32 v40, $0x1F;
	v11 =	vadd.s32 v11, v15;
	v43 =	vcvt.f32.s32 v44  }
0x1a2: {  	[tilespmem:$0x430] =	vst v13;
	v13 =	vand.u32 v9, v42;
	v44 =	vmul.f32 v57, v10;
	vm6 =	vlt.s32 v11, v9  }
0x1a3: {  	v13 =	vadd.s32 v40, v13;
	v40 =	vsel vm6, $0x0, v9;
	v15 =	vmul.u32 v43, v9  }
0x1a4: {  	[tilespmem:$0x440] =	vst v14;
	vm7 =	vlt.s32 v13, v9;
	v14 =	vtrunc.f32 v44;
	v44 =	vmul.f32 v58, v10  }
0x1a5: {  	v42 =	vsel vm7, $0x0, v9;
	v14 =	vcvt.f32.s32 v14;
	v11 =	vsub.s32 v11, v40  }
0x1a6: {  	v40 =	vor.u32 $0x210, v1;
	v15 =	vsub.s32 v41, v15;
	v13 =	vsub.s32 v13, v42  }
0x1a7: {  	v41 =	vmul.f32 v59, v10;
	v42 =	vtrunc.f32 v44;
	v43 =	vshra.s32 v15, $0x1F  }
0x1a8: {  	[tilespmem:$0x450] =	vst v16;
	v10 =	vmul.f32 v63, v10;
	v14 =	vmul.u32 v14, v9;
	v16 =	vand.u32 v9, v43  }
0x1a9: {  	[tilespmem:$0x470] =	vst v18;
	v18 =	vtrunc.f32 v41;
	v15 =	vadd.s32 v15, v16;
	v16 =	vcvt.f32.s32 v42  }
0x1aa: {  	v10 =	vtrunc.f32 v10;
	v14 =	vsub.s32 v40, v14;
	v18 =	vcvt.f32.s32 v18  }
0x1ab: {  	[tilespmem:$0x460] =	vst v17;
	v10 =	vcvt.f32.s32 v10;
	vm8 =	vlt.s32 v15, v9;
	v16 =	vmul.u32 v16, v9  }
0x1ac: {  	[tilespmem:$0x4D0] =	vst v24;
	v43 =	vshra.s32 v14, $0x1F;
	v44 =	vsel vm8, $0x0, v9;
	v18 =	vmul.u32 v18, v9  }
0x1ad: {  	[tilespmem:$0x4E0] =	vst v27;
	v17 =	vand.u32 v9, v43;
	v10 =	vmul.u32 v10, v9;
	v16 =	vsub.s32 v21, v16  }
0x1ae: {  	[tilespmem:$0x4F0] =	vst v25;
	v14 =	vadd.s32 v14, v17;
	v17 =	vsub.s32 v23, v18;
	v24 =	vshra.s32 v16, $0x1F  }
0x1af: {  	[tilespmem:$0x500] =	vst v26;
	v15 =	vsub.s32 v15, v44;
	v26 =	vshra.s32 v17, $0x1F;
	v18 =	vand.u32 v9, v24  }
0x1b0: {  	[tilespmem:$0x520] =	vst v29;
	vm9 =	vlt.s32 v14, v9;
	v16 =	vadd.s32 v16, v18;
	v18 =	vand.u32 v9, v26  }
0x1b1: {  	[tilespmem:$0x530] =	vst v30;
	v10 =	vsub.s32 v39, v10;
	v17 =	vadd.s32 v17, v18;
	v18 =	vsub.s32 v28, v19  }
0x1b2: {  	[tilespmem:$0x550] =	vst v32;
	v25 =	vsel vm9, $0x0, v9;
	v19 =	vcvt.f32.s32 v34;
	v30 =	vshra.s32 v18, $0x1F  }
0x1b3: {  	[tilespmem:$0x580] =	vst v35;
	v42 =	vshra.s32 v10, $0x1F;
	v14 =	vsub.s32 v14, v25;
	v32 =	vand.u32 v9, v30  }
0x1b4: {  	[tilespmem:$0x5C0] =	vst v12;
	vm10 =	vlt.s32 v16, v9;
	v19 =	vmul.u32 v19, v9;
	v18 =	vadd.s32 v18, v32  }
0x1b5: {  	[tilespmem:$0x610] =	vst v14;
	v14 =	vand.u32 v9, v42;
	v27 =	vsel vm10, $0x0, v9;
	vm12 =	vlt.s32 v18, v9  }
0x1b6: {  	[tilespmem:$0x5E0] =	vst v11;
	vm11 =	vlt.s32 v17, v9;
	v11 =	vsub.s32 v36, v19;
	v35 =	vsel vm12, $0x0, v9  }
0x1b7: {  	[tilespmem:$0x5D0] =	vst v38;
	v38 =	vshra.s32 v11, $0x1F;
	v12 =	vsub.s32 v18, v35;
	v18 =	vsub.s32 v37, v20  }
0x1b8: {  	[tilespmem:$0x5F0] =	vst v13;
	v16 =	vsub.s32 v16, v27;
	v13 =	vand.u32 v9, v38;
	v40 =	vshra.s32 v18, $0x1F  }
0x1b9: {  	[tilespmem:$0x600] =	vst v15;
	v29 =	vsel vm11, $0x0, v9;
	v11 =	vadd.s32 v11, v13;
	v41 =	vand.u32 v9, v40  }
0x1ba: {  	v17 =	vsub.s32 v17, v29;
	[tilespmem:$0x620] =	vst v16;
	vm13 =	vlt.s32 v11, v9;
	v13 =	vadd.s32 v18, v41  }
0x1bb: {  	v10 =	vadd.s32 v10, v14;
	[tilespmem:$0x630] =	vst v17;
	v43 =	vsel vm13, $0x0, v9;
	vm14 =	vlt.s32 v13, v9  }
0x1bc: {  	vm15 =	vlt.s32 v10, v9;
	[tilespmem:$0x640] =	vst v12;
	v11 =	vsub.s32 v11, v43;
	v44 =	vsel vm14, $0x0, v9  }
0x1bd: {  	[tilespmem:$0x650] =	vst v11;
	v9 =	vsel vm15, $0x0, v9;
	v11 =	vsub.s32 v13, v44  }
0x1be: {  	v9 =	vsub.s32 v10, v9;
	[tilespmem:$0x660] =	vst v11  }
0x1bf: {  	s18 =	simm.s32 $0x400;
	s19 =	simm.s32 $0x10680;
	[tilespmem:$0x670] =	vst v9  }
0x1c0: {  	[tilespmem:s19], [sflag:$0x7] =	stream.indirect.gather [hbm4b:s8+s26], $0x40, s18, s26, $0xb8;
	[tilespmem:$0x1B630] =	vst v63  }
0x1c1: {  	s22 =	simm.s32 $0x480;
	s23 =	simm.s32 $0x12680  }
0x1c2: {  	[tilespmem:s23], [sflag:$0x7] =	stream.indirect.gather [hbm4b:s8+s26], $0x40, s22, s26, $0xb8;
	[tilespmem:$0x1B630] =	vst v63  }
0x1c3: {  	s13 =	simm.s32 $0x500;
	s15 =	simm.s32 $0x14680  }
0x1c4: {  	[tilespmem:s15], [sflag:$0x7] =	stream.indirect.gather [hbm4b:s8+s26], $0x40, s13, s26, $0xb8;
	[tilespmem:$0x1B630] =	vst v63  }
0x1c5: {  	s16 =	simm.s32 $0x580;
	s17 =	simm.s32 $0x16680  }
0x1c6: {  	[tilespmem:s17], [sflag:$0x7] =	stream.indirect.gather [hbm4b:s8+s26], $0x40, s16, s26, $0xb8;
	[tilespmem:$0x1B630] =	vst v63  }
0x1c7: {  	s12 =	spop (v2sf);
	s18 =	simm.s32 $0x600;
	s19 =	simm.s32 $0x18680  }
0x1c8: {  	[tilespmem:s19], [sflag:$0x7] =	stream.indirect.gather [hbm4b:s8+s26], $0x40, s18, s26, $0xb8;
	[tilespmem:$0x1B630] =	vst v63  }
0x1c9: {  	_ =	swait.ge [sflag:s31], $0x2000  }
0x1ca: {  	[sflag:s31] =	ssyncset.done $0x0  }
0x1cb: {  	[sflag:s31] =	ssyncadd.s32 $0xFFFFE000  }
0x1cc: {  	_ =	swait.ge [sflag:s31], $0x2000  }
0x1cd: {  	[sflag:s31] =	ssyncset.done $0x0  }
0x1ce: {  	[sflag:s31] =	ssyncadd.s32 $0xFFFFE000  }
0x1cf: {  	_ =	swait.ge [sflag:s31], $0x2000  }
0x1d0: {  	[sflag:s31] =	ssyncset.done $0x0  }
0x1d1: {  	[sflag:s31] =	ssyncadd.s32 $0xFFFFE000  }
0x1d2: {  	_ =	swait.ge [sflag:s31], $0x2000  }
0x1d3: {  	[sflag:s31] =	ssyncset.done $0x0  }
0x1d4: {  	[sflag:s31] =	ssyncadd.s32 $0xFFFFE000  }
0x1d5: {  	_ =	swait.ge [sflag:s31], $0x2000  }
0x1d6: {  	[sflag:s31] =	ssyncset.done $0x0  }
0x1d7: {  	[sflag:s31] =	ssyncadd.s32 $0xFFFFE000  }
0x1d8: {  	[tilespmem:s5], [sflag:$0x3] =	stream.linear.gather [hbm4b:s9+s5], $0x80, $0x38;
	[tilespmem:$0x1B630] =	vst v63  }
0x1d9: {  	s22 =	rddreg [dreg:$0x7]  }
0x1da: {  	[tilespmem:s26], [sflag:$0x3] =	stream.linear.gather [hbm4b:s22+s5], $0x80, $0x38;
	[tilespmem:$0x1B630] =	vst v63  }
0x1db: {  	s23 =	rddreg [dreg:$0x8]  }
0x1dc: {  	[tilespmem:s4], [sflag:$0x3] =	stream.linear.gather [hbm4b:s23+s5], $0x80, $0x38;
	[tilespmem:$0x1B630] =	vst v63  }
0x1dd: {  	s15 =	rddreg [dreg:$0x9]  }
0x1de: {  	[tilespmem:s1], [sflag:$0x3] =	stream.linear.gather [hbm4b:s15+s5], $0x80, $0x38;
	[tilespmem:$0x1B630] =	vst v63  }
0x1df: {  	s17 =	simm.s32 $0x200;
	s16 =	rddreg [dreg:$0xa]  }
0x1e0: {  	[tilespmem:s17], [sflag:$0x4] =	stream.linear.gather [hbm4b:s16+s5], $0x80, $0x38;
	[tilespmem:$0x1B630] =	vst v63  }
0x1e1: {  	s19 =	simm.s32 $0x280;
	s18 =	rddreg [dreg:$0xb]  }
0x1e2: {  	[tilespmem:s19], [sflag:$0x4] =	stream.linear.gather [hbm4b:s18+s5], $0x80, $0x38;
	[tilespmem:$0x1B630] =	vst v63  }
0x1e3: {  	s22 =	rddreg [dreg:$0xc];
	s23 =	simm.s32 $0x300  }
0x1e4: {  	[tilespmem:s23], [sflag:$0x4] =	stream.linear.gather [hbm4b:s22+s5], $0x80, $0x38;
	[tilespmem:$0x1B630] =	vst v63  }
0x1e5: {  	s16 =	rddreg [dreg:$0xd];
	s17 =	simm.s32 $0x380  }
0x1e6: {  	[tilespmem:s17], [sflag:$0x4] =	stream.linear.gather [hbm4b:s16+s5], $0x80, $0x38;
	[tilespmem:$0x1B630] =	vst v63  }
0x1e7: {  	_ =	swait.ge [sflag:s24], $0x80  }
0x1e8: {  	[sflag:s24] =	ssyncset.done $0x0  }
0x1e9: {  	[sflag:s24] =	ssyncadd.s32 $0xFFFFFF80  }
0x1ea: {  	_ =	swait.ge [sflag:s24], $0x80  }
0x1eb: {  	[sflag:s24] =	ssyncset.done $0x0  }
0x1ec: {  	[sflag:s24] =	ssyncadd.s32 $0xFFFFFF80  }
0x1ed: {  	_ =	swait.ge [sflag:s24], $0x80  }
0x1ee: {  	[sflag:s24] =	ssyncset.done $0x0  }
0x1ef: {  	[sflag:s24] =	ssyncadd.s32 $0xFFFFFF80  }
0x1f0: {  	_ =	swait.ge [sflag:s24], $0x80  }
0x1f1: {  	[sflag:s24] =	ssyncset.done $0x0  }
0x1f2: {  	s18 =	simm.s32 $0x680;
	[sflag:s24] =	ssyncadd.s32 $0xFFFFFF80  }
0x1f3: {  	[tilespmem:s18], [sflag:$0x1] =	stream.indirect.gather [spmem:s3], $0x40, s5, s26, $0xb8;
	[tilespmem:$0x1B630] =	vst v63  }
0x1f4: {  	s19 =	simm.s32 $0x2680  }
0x1f5: {  	[tilespmem:s19], [sflag:$0x1] =	stream.indirect.gather [spmem:s3], $0x40, s26, s26, $0xb8;
	[tilespmem:$0x1B630] =	vst v63  }
.Ltmp2:
0x1f6: {  	_ = 	snop;
	(pc) =	sbr.rel .LBB2_2-.Ltmp2, $4  }
0x1f7: {  	s22 =	simm.s32 $0x4680  }
0x1f8: {  	[tilespmem:s22], [sflag:$0x1] =	stream.indirect.gather [spmem:s3], $0x40, s4, s26, $0xb8;
	[tilespmem:$0x1B630] =	vst v63  }
0x1f9: {  	s15 =	simm.s32 $0x0;
	s23 =	simm.s32 $0x6680  }
0x1fa: {  	[tilespmem:s23], [sflag:$0x1] =	stream.indirect.gather [spmem:s3], $0x40, s1, s26, $0xb8;
	[tilespmem:$0x1B630] =	vst v63  }
.LBB2_3:
0x1fb: {  	s17 =	sadd.s32 s16, s20  }
0x1fc: {  	s17 =	sshrl.u32 s17, $0x3  }
0x1fd: {  	s18 =	sadd.s32 $0x3, s13;
	s19 =	sshll.u32 s13, $0x9;
	s22 =	sadd.s32 s0, s17  }
0x1fe: {  	[tilespmem:s19], [sflag:s18] =	stream.linear.gather [hbm4b:s22+s5], $0x80, $0x38;
	[tilespmem:$0x1B630] =	vst v63  }
0x1ff: {  	s23 =	sadd.s32 s17, s10;
	s22 =	sor.u32 $0x80, s19  }
0x200: {  	[tilespmem:s22], [sflag:s18] =	stream.linear.gather [hbm4b:s23+s5], $0x80, $0x38;
	[tilespmem:$0x1B630] =	vst v63  }
0x201: {  	s22 =	sor.u32 $0x100, s19;
	s23 =	sadd.s32 s17, s11  }
0x202: {  	[tilespmem:s22], [sflag:s18] =	stream.linear.gather [hbm4b:s23+s5], $0x80, $0x38;
	[tilespmem:$0x1B630] =	vst v63  }
0x203: {  	s19 =	sor.u32 $0x180, s19;
	s17 =	sadd.s32 s17, s14  }
0x204: {  	[tilespmem:s19], [sflag:s18] =	stream.linear.gather [hbm4b:s17+s5], $0x80, $0x38;
	[tilespmem:$0x1B630] =	vst v63  }
.LBB2_5:
0x205: {  	s17 =	sxor.u32 $0x1, s13  }
0x206: {  	s18 =	sadd.s32 $0x3, s17  }
0x207: {  	_ =	swait.ge [sflag:s18], $0x80  }
0x208: {  	[sflag:s18] =	ssyncset.done $0x0  }
0x209: {  	[sflag:s18] =	ssyncadd.s32 $0xFFFFFF80  }
0x20a: {  	_ =	swait.ge [sflag:s18], $0x80  }
0x20b: {  	[sflag:s18] =	ssyncset.done $0x0  }
0x20c: {  	[sflag:s18] =	ssyncadd.s32 $0xFFFFFF80  }
0x20d: {  	_ =	swait.ge [sflag:s18], $0x80  }
0x20e: {  	[sflag:s18] =	ssyncset.done $0x0  }
0x20f: {  	[sflag:s18] =	ssyncadd.s32 $0xFFFFFF80  }
0x210: {  	_ =	swait.ge [sflag:s18], $0x80  }
0x211: {  	p1 =	seq.s32 s15, $0x0;
	[sflag:s18] =	ssyncset.done $0x0  }
0x212: {  	[sflag:s18] =	ssyncadd.s32 $0xFFFFFF80;
	s18 =	sadd.s32 @!p1 $0x5, s17  }
0x213: {  	_ =	swait.ge @!p1 [sflag:s18], $0x8000  }
0x214: {  	[sflag:s18] =	ssyncset.done @!p1 $0x0  }
0x215: {  	[sflag:s18] =	ssyncadd.s32 @!p1 $0xFFFF8000  }
0x216: {  	_ =	swait.ge @!p1 [sflag:s18], $0x8000  }
0x217: {  	s19 =	sshll.u32 s17, $0x9;
	s22 =	sshll.u32 s17, $0xF;
	[sflag:s18] =	ssyncset.done @!p1 $0x0  }
0x218: {  	s23 =	sor.u32 $0x680, s22;
	s17 =	sadd.s32 $0x1, s17;
	[sflag:s18] =	ssyncadd.s32 @!p1 $0xFFFF8000  }
0x219: {  	[tilespmem:s23], [sflag:s17] =	stream.indirect.gather [spmem:s3], $0x40, s19, s26, $0xb8;
	[tilespmem:$0x1B630] =	vst v63  }
0x21a: {  	s18 =	sor.u32 $0x80, s19;
	s23 =	sor.u32 $0x2680, s22  }
0x21b: {  	[tilespmem:s23], [sflag:s17] =	stream.indirect.gather [spmem:s3], $0x40, s18, s26, $0xb8;
	[tilespmem:$0x1B630] =	vst v63  }
0x21c: {  	s18 =	sor.u32 $0x100, s19;
	s23 =	sor.u32 $0x4680, s22  }
0x21d: {  	[tilespmem:s23], [sflag:s17] =	stream.indirect.gather [spmem:s3], $0x40, s18, s26, $0xb8;
	[tilespmem:$0x1B630] =	vst v63  }
0x21e: {  	s19 =	sor.u32 $0x180, s19;
	s23 =	sor.u32 $0x6680, s22  }
0x21f: {  	[tilespmem:s23], [sflag:s17] =	stream.indirect.gather [spmem:s3], $0x40, s19, s26, $0xb8;
	[tilespmem:$0x1B630] =	vst v63  }
0x220: {  	s17 =	sadd.s32 $0x1, s15  }
.LBB2_6:
0x221: {  	s15 =	sshra.s32 s12, $0x1F  }
0x222: {  	s18 =	sxor.u32 s15, s12  }
0x223: {  	s16 =	sadd.s32 s6, s16;
	s15 =	ssub.s32 s18, s15  }
0x224: {  	(drf) =	srem.u32 s16, s15;
	_ =	sdelay $0x5  }
0x225: {  	s22 =	sshll.u32 s13, $0xF;
	s16 =	sshll.u32 s16, $0x4  }
0x226: {  	s23 =	sadd.s32 $0x5, s13;
	s18 =	sor.u32 $0x680, s22;
	s19 =	sadd.s32 s2, s16  }
0x227: {  	[hbm4b:s19+s29] =	stream.strided.scatter [tilespmem:s18], [sflag:s23], $0x8000, s26, s29, $0x38;
	[tilespmem:$0x1B630] =	vst v63  }
0x228: {  	p1 =	slt.u32 s17, $0x14;
	s15 =	spop (drf)  }
.Ltmp3:
0x229: {  	s15 =	sshll.u32 s15, $0x6;
	(pc) =	sbr.rel @!p1 .LBB2_7-.Ltmp3, $4  }
0x22a: {  	s15 =	sand.u32 $0x3FFFFFC0, s15  }
0x22b: {  	s16 =	sadd.s32 s16, s21;
	s15 =	sadd.s32 $0x10680, s15  }
0x22c: {  	[hbm4b:s16+s29] =	stream.strided.scatter [tilespmem:s15], [sflag:s23], $0x8000, s26, s29, $0x38;
	[tilespmem:$0x1B630] =	vst v63  }
0x22d: {  	s15 =	smov.u32 s17  }
.LBB2_2:
0x22e: {  	s13 =	sand.u32 $0x1, s15  }
0x22f: {  	s16 =	sadd.s32 $0x1, s13  }
0x230: {  	_ =	swait.ge [sflag:s16], $0x2000  }
0x231: {  	[sflag:s16] =	ssyncset.done $0x0  }
0x232: {  	[sflag:s16] =	ssyncadd.s32 $0xFFFFE000  }
0x233: {  	_ =	swait.ge [sflag:s16], $0x2000  }
0x234: {  	[sflag:s16] =	ssyncset.done $0x0  }
0x235: {  	[sflag:s16] =	ssyncadd.s32 $0xFFFFE000  }
0x236: {  	p1 =	sgt.u32 s15, $0x11;
	_ =	swait.ge [sflag:s16], $0x2000  }
.Ltmp4:
0x237: {  	[sflag:s16] =	ssyncset.done $0x0;
	(pc) =	sbr.rel @!p1 .LBB2_3-.Ltmp4, $4  }
0x238: {  	[sflag:s16] =	ssyncadd.s32 $0xFFFFE000  }
0x239: {  	_ =	swait.ge [sflag:s16], $0x2000  }
0x23a: {  	[sflag:s16] =	ssyncset.done $0x0  }
0x23b: {  	[sflag:s16] =	ssyncadd.s32 $0xFFFFE000;
	s16 =	sshll.u32 s15, $0x9  }
0x23c: {  	p1 =	seq.s32 s15, $0x13  }
.Ltmp5:
0x23d: {  	_ = 	snop;
	(pc) =	sbr.rel @p1 .LBB2_6-.Ltmp5, $4  }
.Ltmp6:
0x23e: {  	_ = 	snop;
	(pc) =	sbr.rel @!p1 .LBB2_5-.Ltmp6, $4  }
0x23f: {  	_ = 	snop  }
0x240: {  	_ = 	snop  }
0x241: {  	s17 =	simm.s32 $0x14  }
0x242: {  	_ = 	snop  }
.LBB2_8:
0x243: {  	_ =	sfence.sel $0x180000  }
0x244: {  	[bflag:$0x0] =	sbarrier.arrive $0xFFFF  }
0x245: {  	_ =	strace $0x90000047  }
0x246: {  	[bflag:$0x2] =	sbarrier.arrive $0xFFFF  }
0x247: {  	s0 =	rddreg [dreg:$0x5]  }
0x248: {  	s0 =	sadd.s32 @!p0 $0x100000, s0  }
0x249: {  	[sflag:s0] =	ssyncadd.tile.s32 @!p0 $0x1;
	_ =	shalt  }
.Lfunc_end2:
_tile_overlayer_lowered:
.L_overlay_start_2:
0x24a: {  	(tag) =	ssettag $0x2  }
0x24b: {  	s0 =	rddreg [dreg:$0x0];
	s2 =	stileid.u32  }
0x24c: {  	s1 =	rddreg [dreg:$0x1];
	p0 =	sne.s32 s2, $0x0  }
0x24d: {  	s3 =	rddreg [dreg:$0x2];
	[bflag:$0x3] =	sbarrier.arrive $0xFFFF;
	s2 =	simm.s32 @!p0 $0x1C08  }
0x24e: {  	[timem:s3], [sflag:s2] =	dma.local @!p0 [hbm:s0], s1  }
0x24f: {  	s0 =	simm.s32 @!p0 $0x8  }
0x250: {  	_ =	swait.ge @!p0 [sflag:s0], s1  }
0x251: {  	s1 =	ssub.s32 @!p0 $0x0, s1;
	[sflag:s0] =	ssyncset.done @!p0 $0x0  }
0x252: {  	[sflag:s0] =	ssyncadd.s32 @!p0 s1  }
0x253: {  	[bflag:$0x3] =	sbarrier.arrive $0xFFFF  }
0x254: {  	_ =	shalt  }

</sc_bundles>
